<compile_context>
chip_gen: v7x
topology: tpu7x:2x2x1
jax: 0.10.2.dev20260603
libtpu: 0.0.44.dev20260713+nightly
codegen_flags: <defaults>
</compile_context>

<pallas_src>
import functools

import jax
import jax.numpy as jnp
from jax import lax
from jax.experimental import pallas as pl
from jax.experimental.pallas import tpu as pltpu
from jax.experimental.pallas import tpu_sc as plsc

_L = 16


def _proj_body(z_ref, w1a_ref, w1b_ref, b1_ref, a_ref, b_ref):
    z = z_ref[...]
    a_ref[...] = jnp.dot(z, w1a_ref[...], preferred_element_type=jnp.float32)
    b_ref[...] = (jnp.dot(z, w1b_ref[...], preferred_element_type=jnp.float32)
                  + b1_ref[...])


def _node_projections(z, W1, b1):
    n, h = z.shape
    blk = 1000
    grid = n // blk
    return pl.pallas_call(
        _proj_body,
        grid=(grid,),
        in_specs=[
            pl.BlockSpec((blk, h), lambda i: (i, 0)),
            pl.BlockSpec((h, h), lambda i: (0, 0)),
            pl.BlockSpec((h, h), lambda i: (0, 0)),
            pl.BlockSpec((1, h), lambda i: (0, 0)),
        ],
        out_specs=[
            pl.BlockSpec((blk, h), lambda i: (i, 0)),
            pl.BlockSpec((blk, h), lambda i: (i, 0)),
        ],
        out_shape=[
            jax.ShapeDtypeStruct((n, h), jnp.float32),
            jax.ShapeDtypeStruct((n, h), jnp.float32),
        ],
    )(z, W1[:h], W1[h:], b1.reshape(1, h))


_NBUF = 4
_CHUNK = 80


def _edge_kernel(a_hbm, b_hbm, row_hbm, col_hbm, w2_hbm, b2_hbm, out_hbm,
                 idx_row, idx_col, arows, brows, w2_v, b2_v, out_v,
                 *sems, nc, epw, h):
    cid = lax.axis_index("c")
    sid = lax.axis_index("s")
    wid = sid * nc + cid
    base = wid * epw
    nchunk = epw // _CHUNK
    sem_a = sems[:_NBUF]
    sem_b = sems[_NBUF:]

    pltpu.sync_copy(w2_hbm, w2_v)
    pltpu.sync_copy(b2_hbm, b2_v)
    pltpu.sync_copy(row_hbm.at[pl.ds(base, epw)], idx_row)
    pltpu.sync_copy(col_hbm.at[pl.ds(base, epw)], idx_col)

    lanes = lax.iota(jnp.int32, _L)
    lane0 = lanes == 0
    perms = [lanes ^ (1 << p) for p in range(4)]
    acc0 = jnp.where(lane0, b2_v[...], jnp.zeros((_L,), jnp.float32))
    w2s = [w2_v[pl.ds(s * _L, _L)] for s in range(h // _L)]

    def issue(g, slot):
        off = g * _CHUNK
        pltpu.async_copy(a_hbm.at[idx_row.at[pl.ds(off, _CHUNK)]],
                         arows.at[slot], sem_a[slot])
        pltpu.async_copy(b_hbm.at[idx_col.at[pl.ds(off, _CHUNK)]],
                         brows.at[slot], sem_b[slot])

    def wait(slot):
        pltpu.make_async_copy(a_hbm.at[pl.ds(0, _CHUNK)], arows.at[slot],
                              sem_a[slot]).wait()
        pltpu.make_async_copy(b_hbm.at[pl.ds(0, _CHUNK)], brows.at[slot],
                              sem_b[slot]).wait()

    def compute(g, slot):
        ar = arows.at[slot]
        br = brows.at[slot]
        gout = g * _CHUNK

        @plsc.parallel_loop(0, _CHUNK, unroll=4)
        def edge_body(e):
            ps = []
            for s in range(h // _L):
                av = ar[e, pl.ds(s * _L, _L)]
                bv = br[e, pl.ds(s * _L, _L)]
                m = jnp.maximum(av + bv, 0.0)
                ps.append(m * w2s[s])
            while len(ps) > 1:
                ps = [ps[i] + ps[i + 1] for i in range(0, len(ps), 2)]
            tot = ps[0] + acc0
            for p in perms:
                tot = tot + tot.at[p].get(mode="promise_in_bounds")
            pos = jnp.full((_L,), gout + e, jnp.int32)
            plsc.store_scatter(out_v, [pos], tot, mask=lane0)

    for slot in range(_NBUF):
        issue(slot, slot)

    def group_body(q, _):
        for slot in range(_NBUF):
            g = q * _NBUF + slot
            wait(slot)
            compute(g, slot)

            @pl.when(g + _NBUF < nchunk)
            def _():
                issue(g + _NBUF, slot)
            return_val = 0
        return return_val

    ngroups = nchunk // _NBUF
    lax.fori_loop(0, ngroups, group_body, 0)
    for g in range(ngroups * _NBUF, nchunk):
        slot = g % _NBUF
        wait(slot)
        compute(g, slot)
    pltpu.sync_copy(out_v, out_hbm.at[pl.ds(base, epw)])


def _edge_mlp(a, b, row, col, w2, b2):
    n, h = a.shape
    e = row.shape[0]
    info = plsc.get_sparse_core_info()
    nc, ns = info.num_cores, info.num_subcores
    nw = nc * ns
    epw = e // nw

    mesh = plsc.VectorSubcoreMesh(core_axis_name="c", subcore_axis_name="s")
    kern = pl.kernel(
        functools.partial(_edge_kernel, nc=nc, epw=epw, h=h),
        out_type=jax.ShapeDtypeStruct((e,), jnp.float32),
        mesh=mesh,
        compiler_params=pltpu.CompilerParams(needs_layout_passes=False),
        scratch_types=[
            pltpu.VMEM((epw,), jnp.int32),
            pltpu.VMEM((epw,), jnp.int32),
            pltpu.VMEM((_NBUF, _CHUNK, h), jnp.float32),
            pltpu.VMEM((_NBUF, _CHUNK, h), jnp.float32),
            pltpu.VMEM((h,), jnp.float32),
            pltpu.VMEM((_L,), jnp.float32),
            pltpu.VMEM((epw,), jnp.float32),
        ] + [pltpu.SemaphoreType.DMA] * (2 * _NBUF),
    )
    return kern(a, b, row, col, w2, b2)


def kernel(z, adj, W1, b1, W2, b2):
    a, b = _node_projections(z, W1, b1)
    b2v = jnp.broadcast_to(b2, (_L,))
    return _edge_mlp(a, b, adj[0], adj[1], W2.reshape(-1), b2v)

# --- scband reference (transcript-rebuilt; emitter-appended) ---
"""Pipeline reference for scband-decoder-5875515261520 (READ-ONLY COPY).

The authoritative reference and input builder live on the scoring server;
editing this copy changes nothing except your own understanding.
"""

import jax, jax.numpy as jnp
import numpy as np

N_NODES = 10000
N_EDGES = 320000
NHID = 128


def setup_inputs(seed: int = 0) -> dict:
    key = jax.random.key(seed)
    k1, k2, k3, k4 = jax.random.split(key, 4)
    z = jax.random.normal(k1, (N_NODES, NHID), dtype=jnp.float32)
    adj = jax.random.randint(k2, (2, N_EDGES), 0, N_NODES, dtype=jnp.int32)
    # Learned params: lin1 (2*nhid -> nhid), lin2 (nhid -> 1)
    W1 = jax.random.normal(k3, (2 * NHID, NHID), dtype=jnp.float32) * (1.0 / np.sqrt(2 * NHID))
    b1 = jnp.zeros((NHID,), dtype=jnp.float32)
    W2 = jax.random.normal(k4, (NHID, 1), dtype=jnp.float32) * (1.0 / np.sqrt(NHID))
    b2 = jnp.zeros((1,), dtype=jnp.float32)
    return {"z": z, "adj": adj, "W1": W1, "b1": b1, "W2": W2, "b2": b2}


def reference(z, adj, W1, b1, W2, b2):
    row = adj[0]
    col = adj[1]
    # gather endpoint features and concatenate (SparseCore gather)
    h = jnp.concatenate([jnp.take(z, row, axis=0), jnp.take(z, col, axis=0)], axis=-1)
    h = jax.nn.relu(h @ W1 + b1)
    out = h @ W2 + b2
    return out.reshape(-1)

if __name__ == "__main__":
    import jax
    _d = setup_inputs()
    print(jax.jit(kernel)(*tuple(_d.values())))

</pallas_src>

<mosaic_0001>
#map = affine_map<(d0, d1) -> (0, 0)>
#map1 = affine_map<(d0, d1) -> (0)>
module attributes {stable_mosaic.version = 14 : i64} {
  func.func @_edge_kernel(%arg0: i32, %arg1: i32, %arg2: memref<10000x128xf32, #tpu.memory_space<hbm>>, %arg3: memref<10000x128xf32, #tpu.memory_space<hbm>>, %arg4: memref<320000xi32, #tpu.memory_space<hbm>>, %arg5: memref<320000xi32, #tpu.memory_space<hbm>>, %arg6: memref<128xf32, #tpu.memory_space<hbm>>, %arg7: memref<16xf32, #tpu.memory_space<hbm>>, %arg8: memref<320000xf32, #tpu.memory_space<hbm>>, %arg9: memref<10000xi32, #tpu.memory_space<vmem>>, %arg10: memref<10000xi32, #tpu.memory_space<vmem>>, %arg11: memref<4x80x128xf32, #tpu.memory_space<vmem>>, %arg12: memref<4x80x128xf32, #tpu.memory_space<vmem>>, %arg13: memref<128xf32, #tpu.memory_space<vmem>>, %arg14: memref<16xf32, #tpu.memory_space<vmem>>, %arg15: memref<10000xf32, #tpu.memory_space<vmem>>, %arg16: memref<!tpu.dma_semaphore, #tpu.memory_space<semaphore_mem>>, %arg17: memref<!tpu.dma_semaphore, #tpu.memory_space<semaphore_mem>>, %arg18: memref<!tpu.dma_semaphore, #tpu.memory_space<semaphore_mem>>, %arg19: memref<!tpu.dma_semaphore, #tpu.memory_space<semaphore_mem>>, %arg20: memref<!tpu.dma_semaphore, #tpu.memory_space<semaphore_mem>>, %arg21: memref<!tpu.dma_semaphore, #tpu.memory_space<semaphore_mem>>, %arg22: memref<!tpu.dma_semaphore, #tpu.memory_space<semaphore_mem>>, %arg23: memref<!tpu.dma_semaphore, #tpu.memory_space<semaphore_mem>>) attributes {dimension_semantics = [#tpu.dimension_semantics<core_parallel>, #tpu.dimension_semantics<subcore_parallel>], iteration_bounds = array<i64: 2, 16>, scalar_prefetch = 0 : i64, scratch_operands = 15 : i64, tpu.core_type = #tpu.core_type<sc_vector_subcore>, window_params = [{transform_indices = #map}, {transform_indices = #map}, {transform_indices = #map1}, {transform_indices = #map1}, {transform_indices = #map1}, {transform_indices = #map1}, {transform_indices = #map1}]} {
    %mul3A = arith.constant 2 : i32
    %mul3A_0 = arith.muli %arg1, %mul3A : i32
    %add3A = arith.addi %mul3A_0, %arg0 : i32
    %mul3A_1 = arith.constant 10000 : i32
    %mul3A_2 = arith.muli %add3A, %mul3A_1 : i32
    "tpu.region"() ({
      %run_scoped3A = tpu.sem_alloc : memref<!tpu.dma_semaphore, #tpu.memory_space<semaphore_mem>>
      tpu.enqueue_dma source(%arg6 : memref<128xf32, #tpu.memory_space<hbm>>) target(%arg13 : memref<128xf32, #tpu.memory_space<vmem>>) target_semaphore(%run_scoped3A : memref<!tpu.dma_semaphore, #tpu.memory_space<semaphore_mem>>)
      tpu.wait_dma2 semaphore(%run_scoped3A : memref<!tpu.dma_semaphore, #tpu.memory_space<semaphore_mem>>) src(%arg6 : memref<128xf32, #tpu.memory_space<hbm>>) dst(%arg13 : memref<128xf32, #tpu.memory_space<vmem>>)
      tpu.yield
    }) : () -> ()
    "tpu.region"() ({
      %run_scoped3A = tpu.sem_alloc : memref<!tpu.dma_semaphore, #tpu.memory_space<semaphore_mem>>
      tpu.enqueue_dma source(%arg7 : memref<16xf32, #tpu.memory_space<hbm>>) target(%arg14 : memref<16xf32, #tpu.memory_space<vmem>>) target_semaphore(%run_scoped3A : memref<!tpu.dma_semaphore, #tpu.memory_space<semaphore_mem>>)
      tpu.wait_dma2 semaphore(%run_scoped3A : memref<!tpu.dma_semaphore, #tpu.memory_space<semaphore_mem>>) src(%arg7 : memref<16xf32, #tpu.memory_space<hbm>>) dst(%arg14 : memref<16xf32, #tpu.memory_space<vmem>>)
      tpu.yield
    }) : () -> ()
    "tpu.region"() ({
      %run_scoped3A = tpu.sem_alloc : memref<!tpu.dma_semaphore, #tpu.memory_space<semaphore_mem>>
      %dma_start3A_152 = tpu.memref_slice %arg4[%mul3A_2] : memref<320000xi32, #tpu.memory_space<hbm>> -> memref<10000xi32, #tpu.memory_space<hbm>>
      %dma_start3A_153 = tpu.memref_slice %arg4[%mul3A_2] : memref<320000xi32, #tpu.memory_space<hbm>> -> memref<10000xi32, #tpu.memory_space<hbm>>
      tpu.enqueue_dma source(%dma_start3A_153 : memref<10000xi32, #tpu.memory_space<hbm>>) target(%arg9 : memref<10000xi32, #tpu.memory_space<vmem>>) target_semaphore(%run_scoped3A : memref<!tpu.dma_semaphore, #tpu.memory_space<semaphore_mem>>)
      %dma_wait3A_154 = tpu.memref_slice %arg4[%mul3A_2] : memref<320000xi32, #tpu.memory_space<hbm>> -> memref<10000xi32, #tpu.memory_space<hbm>>
      %dma_wait3A_155 = tpu.memref_slice %arg4[%mul3A_2] : memref<320000xi32, #tpu.memory_space<hbm>> -> memref<10000xi32, #tpu.memory_space<hbm>>
      tpu.wait_dma2 semaphore(%run_scoped3A : memref<!tpu.dma_semaphore, #tpu.memory_space<semaphore_mem>>) src(%dma_wait3A_155 : memref<10000xi32, #tpu.memory_space<hbm>>) dst(%arg9 : memref<10000xi32, #tpu.memory_space<vmem>>)
      tpu.yield
    }) : () -> ()
    "tpu.region"() ({
      %run_scoped3A = tpu.sem_alloc : memref<!tpu.dma_semaphore, #tpu.memory_space<semaphore_mem>>
      %dma_start3A_152 = tpu.memref_slice %arg5[%mul3A_2] : memref<320000xi32, #tpu.memory_space<hbm>> -> memref<10000xi32, #tpu.memory_space<hbm>>
      %dma_start3A_153 = tpu.memref_slice %arg5[%mul3A_2] : memref<320000xi32, #tpu.memory_space<hbm>> -> memref<10000xi32, #tpu.memory_space<hbm>>
      tpu.enqueue_dma source(%dma_start3A_153 : memref<10000xi32, #tpu.memory_space<hbm>>) target(%arg10 : memref<10000xi32, #tpu.memory_space<vmem>>) target_semaphore(%run_scoped3A : memref<!tpu.dma_semaphore, #tpu.memory_space<semaphore_mem>>)
      %dma_wait3A_154 = tpu.memref_slice %arg5[%mul3A_2] : memref<320000xi32, #tpu.memory_space<hbm>> -> memref<10000xi32, #tpu.memory_space<hbm>>
      %dma_wait3A_155 = tpu.memref_slice %arg5[%mul3A_2] : memref<320000xi32, #tpu.memory_space<hbm>> -> memref<10000xi32, #tpu.memory_space<hbm>>
      tpu.wait_dma2 semaphore(%run_scoped3A : memref<!tpu.dma_semaphore, #tpu.memory_space<semaphore_mem>>) src(%dma_wait3A_155 : memref<10000xi32, #tpu.memory_space<hbm>>) dst(%arg10 : memref<10000xi32, #tpu.memory_space<vmem>>)
      tpu.yield
    }) : () -> ()
    %iota3A = tpu.iota {dimensions = array<i32: 0>} : vector<16xi32>
    %eq3A = arith.constant 0 : i32
    %eq3A_3 = vector.broadcast %eq3A : i32 to vector<16xi32>
    %eq3A_4 = arith.cmpi eq, %iota3A, %eq3A_3 : vector<16xi32>
    %xor3A = arith.constant 1 : i32
    %xor3A_5 = vector.broadcast %xor3A : i32 to vector<16xi32>
    %xor3A_6 = arith.xori %iota3A, %xor3A_5 : vector<16xi32>
    %xor3A_7 = arith.constant 2 : i32
    %xor3A_8 = vector.broadcast %xor3A_7 : i32 to vector<16xi32>
    %xor3A_9 = arith.xori %iota3A, %xor3A_8 : vector<16xi32>
    %xor3A_10 = arith.constant 4 : i32
    %xor3A_11 = vector.broadcast %xor3A_10 : i32 to vector<16xi32>
    %xor3A_12 = arith.xori %iota3A, %xor3A_11 : vector<16xi32>
    %xor3A_13 = arith.constant 8 : i32
    %xor3A_14 = vector.broadcast %xor3A_13 : i32 to vector<16xi32>
    %xor3A_15 = arith.xori %iota3A, %xor3A_14 : vector<16xi32>
    %get3A = arith.constant 0 : index
    %get3A_16 = tpu.vector_load %arg14[%get3A] {strides = array<i32>} : memref<16xf32, #tpu.memory_space<vmem>>, vector<16xf32>,
    %broadcast_in_dim3A = arith.constant 0.000000e+00 : f32
    %broadcast_in_dim3A_17 = vector.broadcast %broadcast_in_dim3A : f32 to vector<16xf32>
    %select_n3A = arith.select %eq3A_4, %get3A_16, %broadcast_in_dim3A_17 : vector<16xi1>, vector<16xf32>
    %get3A_18 = arith.constant 0 : index
    %get3A_19 = tpu.vector_load %arg13[%get3A_18] {strides = array<i32>} : memref<128xf32, #tpu.memory_space<vmem>>, vector<16xf32>,
    %get3A_20 = arith.constant 16 : index
    %get3A_21 = tpu.vector_load %arg13[%get3A_20] {strides = array<i32>} : memref<128xf32, #tpu.memory_space<vmem>>, vector<16xf32>,
    %get3A_22 = arith.constant 32 : index
    %get3A_23 = tpu.vector_load %arg13[%get3A_22] {strides = array<i32>} : memref<128xf32, #tpu.memory_space<vmem>>, vector<16xf32>,
    %get3A_24 = arith.constant 48 : index
    %get3A_25 = tpu.vector_load %arg13[%get3A_24] {strides = array<i32>} : memref<128xf32, #tpu.memory_space<vmem>>, vector<16xf32>,
    %get3A_26 = arith.constant 64 : index
    %get3A_27 = tpu.vector_load %arg13[%get3A_26] {strides = array<i32>} : memref<128xf32, #tpu.memory_space<vmem>>, vector<16xf32>,
    %get3A_28 = arith.constant 80 : index
    %get3A_29 = tpu.vector_load %arg13[%get3A_28] {strides = array<i32>} : memref<128xf32, #tpu.memory_space<vmem>>, vector<16xf32>,
    %get3A_30 = arith.constant 96 : index
    %get3A_31 = tpu.vector_load %arg13[%get3A_30] {strides = array<i32>} : memref<128xf32, #tpu.memory_space<vmem>>, vector<16xf32>,
    %get3A_32 = arith.constant 112 : index
    %get3A_33 = tpu.vector_load %arg13[%get3A_32] {strides = array<i32>} : memref<128xf32, #tpu.memory_space<vmem>>, vector<16xf32>,
    %dma_start3A = arith.constant 0 : i32
    %dma_start3A_34 = arith.constant 0 : i32
    %dma_start3A_35 = arith.constant 0 : i32
    %dma_start3A_36 = tpu.memref_slice %arg11[%dma_start3A, %dma_start3A_34, %dma_start3A_35] : memref<4x80x128xf32, #tpu.memory_space<vmem>> -> memref<1x80x128xf32, #tpu.memory_space<vmem>>
    %dma_start3A_37 = tpu.memref_squeeze %dma_start3A_36 : memref<1x80x128xf32, #tpu.memory_space<vmem>> -> memref<80x128xf32, #tpu.memory_space<vmem>>
    %dma_start3A_38 = arith.constant 0 : i32
    %dma_start3A_39 = tpu.memref_slice %arg9[%dma_start3A_38] : memref<10000xi32, #tpu.memory_space<vmem>> -> memref<80xi32, #tpu.memory_space<vmem>>
    %dma_start3A_40 = arith.constant 0 : i32
    %dma_start3A_41 = arith.constant 0 : i32
    %dma_start3A_42 = tpu.memref_slice %arg2[%dma_start3A_40, %dma_start3A_41] : memref<10000x128xf32, #tpu.memory_space<hbm>> -> memref<10000x128xf32, #tpu.memory_space<hbm>>
    tpu.enqueue_indirect_dma source(%dma_start3A_42 : memref<10000x128xf32, #tpu.memory_space<hbm>>) target(%dma_start3A_37 : memref<80x128xf32, #tpu.memory_space<vmem>>) offsets(%dma_start3A_39 : memref<80xi32, #tpu.memory_space<vmem>>) semaphore(%arg16 : memref<!tpu.dma_semaphore, #tpu.memory_space<semaphore_mem>>)
    %dma_start3A_43 = arith.constant 0 : i32
    %dma_start3A_44 = arith.constant 0 : i32
    %dma_start3A_45 = arith.constant 0 : i32
    %dma_start3A_46 = tpu.memref_slice %arg12[%dma_start3A_43, %dma_start3A_44, %dma_start3A_45] : memref<4x80x128xf32, #tpu.memory_space<vmem>> -> memref<1x80x128xf32, #tpu.memory_space<vmem>>
    %dma_start3A_47 = tpu.memref_squeeze %dma_start3A_46 : memref<1x80x128xf32, #tpu.memory_space<vmem>> -> memref<80x128xf32, #tpu.memory_space<vmem>>
    %dma_start3A_48 = arith.constant 0 : i32
    %dma_start3A_49 = tpu.memref_slice %arg10[%dma_start3A_48] : memref<10000xi32, #tpu.memory_space<vmem>> -> memref<80xi32, #tpu.memory_space<vmem>>
    %dma_start3A_50 = arith.constant 0 : i32
    %dma_start3A_51 = arith.constant 0 : i32
    %dma_start3A_52 = tpu.memref_slice %arg3[%dma_start3A_50, %dma_start3A_51] : memref<10000x128xf32, #tpu.memory_space<hbm>> -> memref<10000x128xf32, #tpu.memory_space<hbm>>
    tpu.enqueue_indirect_dma source(%dma_start3A_52 : memref<10000x128xf32, #tpu.memory_space<hbm>>) target(%dma_start3A_47 : memref<80x128xf32, #tpu.memory_space<vmem>>) offsets(%dma_start3A_49 : memref<80xi32, #tpu.memory_space<vmem>>) semaphore(%arg20 : memref<!tpu.dma_semaphore, #tpu.memory_space<semaphore_mem>>)
    %dma_start3A_53 = arith.constant 1 : i32
    %dma_start3A_54 = arith.constant 0 : i32
    %dma_start3A_55 = arith.constant 0 : i32
    %dma_start3A_56 = tpu.memref_slice %arg11[%dma_start3A_53, %dma_start3A_54, %dma_start3A_55] : memref<4x80x128xf32, #tpu.memory_space<vmem>> -> memref<1x80x128xf32, #tpu.memory_space<vmem>>
    %dma_start3A_57 = tpu.memref_squeeze %dma_start3A_56 : memref<1x80x128xf32, #tpu.memory_space<vmem>> -> memref<80x128xf32, #tpu.memory_space<vmem>>
    %dma_start3A_58 = arith.constant 80 : i32
    %dma_start3A_59 = tpu.memref_slice %arg9[%dma_start3A_58] : memref<10000xi32, #tpu.memory_space<vmem>> -> memref<80xi32, #tpu.memory_space<vmem>>
    %dma_start3A_60 = arith.constant 0 : i32
    %dma_start3A_61 = arith.constant 0 : i32
    %dma_start3A_62 = tpu.memref_slice %arg2[%dma_start3A_60, %dma_start3A_61] : memref<10000x128xf32, #tpu.memory_space<hbm>> -> memref<10000x128xf32, #tpu.memory_space<hbm>>
    tpu.enqueue_indirect_dma source(%dma_start3A_62 : memref<10000x128xf32, #tpu.memory_space<hbm>>) target(%dma_start3A_57 : memref<80x128xf32, #tpu.memory_space<vmem>>) offsets(%dma_start3A_59 : memref<80xi32, #tpu.memory_space<vmem>>) semaphore(%arg17 : memref<!tpu.dma_semaphore, #tpu.memory_space<semaphore_mem>>)
    %dma_start3A_63 = arith.constant 1 : i32
    %dma_start3A_64 = arith.constant 0 : i32
    %dma_start3A_65 = arith.constant 0 : i32
    %dma_start3A_66 = tpu.memref_slice %arg12[%dma_start3A_63, %dma_start3A_64, %dma_start3A_65] : memref<4x80x128xf32, #tpu.memory_space<vmem>> -> memref<1x80x128xf32, #tpu.memory_space<vmem>>
    %dma_start3A_67 = tpu.memref_squeeze %dma_start3A_66 : memref<1x80x128xf32, #tpu.memory_space<vmem>> -> memref<80x128xf32, #tpu.memory_space<vmem>>
    %dma_start3A_68 = arith.constant 80 : i32
    %dma_start3A_69 = tpu.memref_slice %arg10[%dma_start3A_68] : memref<10000xi32, #tpu.memory_space<vmem>> -> memref<80xi32, #tpu.memory_space<vmem>>
    %dma_start3A_70 = arith.constant 0 : i32
    %dma_start3A_71 = arith.constant 0 : i32
    %dma_start3A_72 = tpu.memref_slice %arg3[%dma_start3A_70, %dma_start3A_71] : memref<10000x128xf32, #tpu.memory_space<hbm>> -> memref<10000x128xf32, #tpu.memory_space<hbm>>
    tpu.enqueue_indirect_dma source(%dma_start3A_72 : memref<10000x128xf32, #tpu.memory_space<hbm>>) target(%dma_start3A_67 : memref<80x128xf32, #tpu.memory_space<vmem>>) offsets(%dma_start3A_69 : memref<80xi32, #tpu.memory_space<vmem>>) semaphore(%arg21 : memref<!tpu.dma_semaphore, #tpu.memory_space<semaphore_mem>>)
    %dma_start3A_73 = arith.constant 2 : i32
    %dma_start3A_74 = arith.constant 0 : i32
    %dma_start3A_75 = arith.constant 0 : i32
    %dma_start3A_76 = tpu.memref_slice %arg11[%dma_start3A_73, %dma_start3A_74, %dma_start3A_75] : memref<4x80x128xf32, #tpu.memory_space<vmem>> -> memref<1x80x128xf32, #tpu.memory_space<vmem>>
    %dma_start3A_77 = tpu.memref_squeeze %dma_start3A_76 : memref<1x80x128xf32, #tpu.memory_space<vmem>> -> memref<80x128xf32, #tpu.memory_space<vmem>>
    %dma_start3A_78 = arith.constant 160 : i32
    %dma_start3A_79 = tpu.memref_slice %arg9[%dma_start3A_78] : memref<10000xi32, #tpu.memory_space<vmem>> -> memref<80xi32, #tpu.memory_space<vmem>>
    %dma_start3A_80 = arith.constant 0 : i32
    %dma_start3A_81 = arith.constant 0 : i32
    %dma_start3A_82 = tpu.memref_slice %arg2[%dma_start3A_80, %dma_start3A_81] : memref<10000x128xf32, #tpu.memory_space<hbm>> -> memref<10000x128xf32, #tpu.memory_space<hbm>>
    tpu.enqueue_indirect_dma source(%dma_start3A_82 : memref<10000x128xf32, #tpu.memory_space<hbm>>) target(%dma_start3A_77 : memref<80x128xf32, #tpu.memory_space<vmem>>) offsets(%dma_start3A_79 : memref<80xi32, #tpu.memory_space<vmem>>) semaphore(%arg18 : memref<!tpu.dma_semaphore, #tpu.memory_space<semaphore_mem>>)
    %dma_start3A_83 = arith.constant 2 : i32
    %dma_start3A_84 = arith.constant 0 : i32
    %dma_start3A_85 = arith.constant 0 : i32
    %dma_start3A_86 = tpu.memref_slice %arg12[%dma_start3A_83, %dma_start3A_84, %dma_start3A_85] : memref<4x80x128xf32, #tpu.memory_space<vmem>> -> memref<1x80x128xf32, #tpu.memory_space<vmem>>
    %dma_start3A_87 = tpu.memref_squeeze %dma_start3A_86 : memref<1x80x128xf32, #tpu.memory_space<vmem>> -> memref<80x128xf32, #tpu.memory_space<vmem>>
    %dma_start3A_88 = arith.constant 160 : i32
    %dma_start3A_89 = tpu.memref_slice %arg10[%dma_start3A_88] : memref<10000xi32, #tpu.memory_space<vmem>> -> memref<80xi32, #tpu.memory_space<vmem>>
    %dma_start3A_90 = arith.constant 0 : i32
    %dma_start3A_91 = arith.constant 0 : i32
    %dma_start3A_92 = tpu.memref_slice %arg3[%dma_start3A_90, %dma_start3A_91] : memref<10000x128xf32, #tpu.memory_space<hbm>> -> memref<10000x128xf32, #tpu.memory_space<hbm>>
    tpu.enqueue_indirect_dma source(%dma_start3A_92 : memref<10000x128xf32, #tpu.memory_space<hbm>>) target(%dma_start3A_87 : memref<80x128xf32, #tpu.memory_space<vmem>>) offsets(%dma_start3A_89 : memref<80xi32, #tpu.memory_space<vmem>>) semaphore(%arg22 : memref<!tpu.dma_semaphore, #tpu.memory_space<semaphore_mem>>)
    %dma_start3A_93 = arith.constant 3 : i32
    %dma_start3A_94 = arith.constant 0 : i32
    %dma_start3A_95 = arith.constant 0 : i32
    %dma_start3A_96 = tpu.memref_slice %arg11[%dma_start3A_93, %dma_start3A_94, %dma_start3A_95] : memref<4x80x128xf32, #tpu.memory_space<vmem>> -> memref<1x80x128xf32, #tpu.memory_space<vmem>>
    %dma_start3A_97 = tpu.memref_squeeze %dma_start3A_96 : memref<1x80x128xf32, #tpu.memory_space<vmem>> -> memref<80x128xf32, #tpu.memory_space<vmem>>
    %dma_start3A_98 = arith.constant 240 : i32
    %dma_start3A_99 = tpu.memref_slice %arg9[%dma_start3A_98] : memref<10000xi32, #tpu.memory_space<vmem>> -> memref<80xi32, #tpu.memory_space<vmem>>
    %dma_start3A_100 = arith.constant 0 : i32
    %dma_start3A_101 = arith.constant 0 : i32
    %dma_start3A_102 = tpu.memref_slice %arg2[%dma_start3A_100, %dma_start3A_101] : memref<10000x128xf32, #tpu.memory_space<hbm>> -> memref<10000x128xf32, #tpu.memory_space<hbm>>
    tpu.enqueue_indirect_dma source(%dma_start3A_102 : memref<10000x128xf32, #tpu.memory_space<hbm>>) target(%dma_start3A_97 : memref<80x128xf32, #tpu.memory_space<vmem>>) offsets(%dma_start3A_99 : memref<80xi32, #tpu.memory_space<vmem>>) semaphore(%arg19 : memref<!tpu.dma_semaphore, #tpu.memory_space<semaphore_mem>>)
    %dma_start3A_103 = arith.constant 3 : i32
    %dma_start3A_104 = arith.constant 0 : i32
    %dma_start3A_105 = arith.constant 0 : i32
    %dma_start3A_106 = tpu.memref_slice %arg12[%dma_start3A_103, %dma_start3A_104, %dma_start3A_105] : memref<4x80x128xf32, #tpu.memory_space<vmem>> -> memref<1x80x128xf32, #tpu.memory_space<vmem>>
    %dma_start3A_107 = tpu.memref_squeeze %dma_start3A_106 : memref<1x80x128xf32, #tpu.memory_space<vmem>> -> memref<80x128xf32, #tpu.memory_space<vmem>>
    %dma_start3A_108 = arith.constant 240 : i32
    %dma_start3A_109 = tpu.memref_slice %arg10[%dma_start3A_108] : memref<10000xi32, #tpu.memory_space<vmem>> -> memref<80xi32, #tpu.memory_space<vmem>>
    %dma_start3A_110 = arith.constant 0 : i32
    %dma_start3A_111 = arith.constant 0 : i32
    %dma_start3A_112 = tpu.memref_slice %arg3[%dma_start3A_110, %dma_start3A_111] : memref<10000x128xf32, #tpu.memory_space<hbm>> -> memref<10000x128xf32, #tpu.memory_space<hbm>>
    tpu.enqueue_indirect_dma source(%dma_start3A_112 : memref<10000x128xf32, #tpu.memory_space<hbm>>) target(%dma_start3A_107 : memref<80x128xf32, #tpu.memory_space<vmem>>) offsets(%dma_start3A_109 : memref<80xi32, #tpu.memory_space<vmem>>) semaphore(%arg23 : memref<!tpu.dma_semaphore, #tpu.memory_space<semaphore_mem>>)
    %scan3A = arith.constant 0 : i32
    %scan3A_113 = arith.constant 0 : i32
    %scan3A_114 = arith.constant 31 : i32
    %scan3A_115 = arith.addi %scan3A_113, %scan3A_114 : i32
    %scan3A_116 = arith.constant 1 : i32
    %scan3A_117 = scf.for %scan3A_152 = %scan3A_113 to %scan3A_115 step %scan3A_116 iter_args(%scan3A_153 = %scan3A) -> (i32)  : i32 {
      %mul3A_154 = arith.constant 4 : i32
      %mul3A_155 = arith.muli %scan3A_152, %mul3A_154 : i32
      %add3A_156 = arith.constant 0 : i32
      %add3A_157 = arith.addi %mul3A_155, %add3A_156 : i32
      %dma_wait3A_158 = arith.constant 0 : i32
      %dma_wait3A_159 = arith.constant 0 : i32
      %dma_wait3A_160 = arith.constant 0 : i32
      %dma_wait3A_161 = tpu.memref_slice %arg11[%dma_wait3A_158, %dma_wait3A_159, %dma_wait3A_160] : memref<4x80x128xf32, #tpu.memory_space<vmem>> -> memref<1x80x128xf32, #tpu.memory_space<vmem>>
      %dma_wait3A_162 = tpu.memref_squeeze %dma_wait3A_161 : memref<1x80x128xf32, #tpu.memory_space<vmem>> -> memref<80x128xf32, #tpu.memory_space<vmem>>
      %dma_wait3A_163 = arith.constant 0 : i32
      %dma_wait3A_164 = arith.constant 0 : i32
      %dma_wait3A_165 = tpu.memref_slice %arg2[%dma_wait3A_163, %dma_wait3A_164] : memref<10000x128xf32, #tpu.memory_space<hbm>> -> memref<80x128xf32, #tpu.memory_space<hbm>>
      %dma_wait3A_166 = arith.constant 0 : i32
      %dma_wait3A_167 = arith.constant 0 : i32
      %dma_wait3A_168 = tpu.memref_slice %arg11[%dma_wait3A_158, %dma_wait3A_166, %dma_wait3A_167] : memref<4x80x128xf32, #tpu.memory_space<vmem>> -> memref<1x80x128xf32, #tpu.memory_space<vmem>>
      %dma_wait3A_169 = tpu.memref_squeeze %dma_wait3A_168 : memref<1x80x128xf32, #tpu.memory_space<vmem>> -> memref<80x128xf32, #tpu.memory_space<vmem>>
      %dma_wait3A_170 = arith.constant 0 : i32
      %dma_wait3A_171 = arith.constant 0 : i32
      %dma_wait3A_172 = tpu.memref_slice %arg2[%dma_wait3A_170, %dma_wait3A_171] : memref<10000x128xf32, #tpu.memory_space<hbm>> -> memref<80x128xf32, #tpu.memory_space<hbm>>
      tpu.wait_dma2 semaphore(%arg16 : memref<!tpu.dma_semaphore, #tpu.memory_space<semaphore_mem>>) src(%dma_wait3A_172 : memref<80x128xf32, #tpu.memory_space<hbm>>) dst(%dma_wait3A_169 : memref<80x128xf32, #tpu.memory_space<vmem>>)
      %dma_wait3A_173 = arith.constant 0 : i32
      %dma_wait3A_174 = arith.constant 0 : i32
      %dma_wait3A_175 = arith.constant 0 : i32
      %dma_wait3A_176 = tpu.memref_slice %arg12[%dma_wait3A_173, %dma_wait3A_174, %dma_wait3A_175] : memref<4x80x128xf32, #tpu.memory_space<vmem>> -> memref<1x80x128xf32, #tpu.memory_space<vmem>>
      %dma_wait3A_177 = tpu.memref_squeeze %dma_wait3A_176 : memref<1x80x128xf32, #tpu.memory_space<vmem>> -> memref<80x128xf32, #tpu.memory_space<vmem>>
      %dma_wait3A_178 = arith.constant 0 : i32
      %dma_wait3A_179 = arith.constant 0 : i32
      %dma_wait3A_180 = tpu.memref_slice %arg3[%dma_wait3A_178, %dma_wait3A_179] : memref<10000x128xf32, #tpu.memory_space<hbm>> -> memref<80x128xf32, #tpu.memory_space<hbm>>
      %dma_wait3A_181 = arith.constant 0 : i32
      %dma_wait3A_182 = arith.constant 0 : i32
      %dma_wait3A_183 = tpu.memref_slice %arg12[%dma_wait3A_173, %dma_wait3A_181, %dma_wait3A_182] : memref<4x80x128xf32, #tpu.memory_space<vmem>> -> memref<1x80x128xf32, #tpu.memory_space<vmem>>
      %dma_wait3A_184 = tpu.memref_squeeze %dma_wait3A_183 : memref<1x80x128xf32, #tpu.memory_space<vmem>> -> memref<80x128xf32, #tpu.memory_space<vmem>>
      %dma_wait3A_185 = arith.constant 0 : i32
      %dma_wait3A_186 = arith.constant 0 : i32
      %dma_wait3A_187 = tpu.memref_slice %arg3[%dma_wait3A_185, %dma_wait3A_186] : memref<10000x128xf32, #tpu.memory_space<hbm>> -> memref<80x128xf32, #tpu.memory_space<hbm>>
      tpu.wait_dma2 semaphore(%arg20 : memref<!tpu.dma_semaphore, #tpu.memory_space<semaphore_mem>>) src(%dma_wait3A_187 : memref<80x128xf32, #tpu.memory_space<hbm>>) dst(%dma_wait3A_184 : memref<80x128xf32, #tpu.memory_space<vmem>>)
      %mul3A_188 = arith.constant 80 : i32
      %mul3A_189 = arith.muli %add3A_157, %mul3A_188 : i32
      %parallel_loop3A_190 = arith.constant 0 : i32
      %parallel_loop3A_191 = arith.constant 80 : i32
      %parallel_loop3A_192 = arith.constant 1 : i32
      %parallel_loop3A_193 = arith.constant 0 : i32
      %parallel_loop3A_194 = arith.constant 0 : i32
      scf.for %parallel_loop3A_344 = %parallel_loop3A_190 to %parallel_loop3A_191 step %parallel_loop3A_192  : i32 {
        %parallel_loop3A_345 = arith.constant 0 : i32
        %parallel_loop3A_346 = arith.constant 0 : i32
        %parallel_loop3A_347 = tpu.memref_slice %arg11[%parallel_loop3A_193, %parallel_loop3A_345, %parallel_loop3A_346] : memref<4x80x128xf32, #tpu.memory_space<vmem>> -> memref<1x80x128xf32, #tpu.memory_space<vmem>>
        %parallel_loop3A_348 = tpu.memref_squeeze %parallel_loop3A_347 : memref<1x80x128xf32, #tpu.memory_space<vmem>> -> memref<80x128xf32, #tpu.memory_space<vmem>>
        %parallel_loop3A_349 = arith.index_cast %parallel_loop3A_344 : i32 to index
        %parallel_loop3A_350 = arith.constant 0 : index
        %parallel_loop3A_351 = tpu.vector_load %parallel_loop3A_348[%parallel_loop3A_349, %parallel_loop3A_350] {strides = array<i32>} : memref<80x128xf32, #tpu.memory_space<vmem>>, vector<16xf32>,
        %parallel_loop3A_352 = arith.constant 0 : i32
        %parallel_loop3A_353 = arith.constant 0 : i32
        %parallel_loop3A_354 = tpu.memref_slice %arg12[%parallel_loop3A_194, %parallel_loop3A_352, %parallel_loop3A_353] : memref<4x80x128xf32, #tpu.memory_space<vmem>> -> memref<1x80x128xf32, #tpu.memory_space<vmem>>
        %parallel_loop3A_355 = tpu.memref_squeeze %parallel_loop3A_354 : memref<1x80x128xf32, #tpu.memory_space<vmem>> -> memref<80x128xf32, #tpu.memory_space<vmem>>
        %parallel_loop3A_356 = arith.index_cast %parallel_loop3A_344 : i32 to index
        %parallel_loop3A_357 = arith.constant 0 : index
        %parallel_loop3A_358 = tpu.vector_load %parallel_loop3A_355[%parallel_loop3A_356, %parallel_loop3A_357] {strides = array<i32>} : memref<80x128xf32, #tpu.memory_space<vmem>>, vector<16xf32>,
        %parallel_loop3A_359 = arith.addf %parallel_loop3A_351, %parallel_loop3A_358 : vector<16xf32>
        %parallel_loop3A_360 = arith.constant 0.000000e+00 : f32
        %parallel_loop3A_361 = vector.broadcast %parallel_loop3A_360 : f32 to vector<16xf32>
        %parallel_loop3A_362 = arith.maximumf %parallel_loop3A_359, %parallel_loop3A_361 : vector<16xf32>
        %parallel_loop3A_363 = arith.mulf %parallel_loop3A_362, %get3A_19 : vector<16xf32>
        %parallel_loop3A_364 = arith.constant 0 : i32
        %parallel_loop3A_365 = arith.constant 0 : i32
        %parallel_loop3A_366 = tpu.memref_slice %arg11[%parallel_loop3A_193, %parallel_loop3A_364, %parallel_loop3A_365] : memref<4x80x128xf32, #tpu.memory_space<vmem>> -> memref<1x80x128xf32, #tpu.memory_space<vmem>>
        %parallel_loop3A_367 = tpu.memref_squeeze %parallel_loop3A_366 : memref<1x80x128xf32, #tpu.memory_space<vmem>> -> memref<80x128xf32, #tpu.memory_space<vmem>>
        %parallel_loop3A_368 = arith.index_cast %parallel_loop3A_344 : i32 to index
        %parallel_loop3A_369 = arith.constant 16 : index
        %parallel_loop3A_370 = tpu.vector_load %parallel_loop3A_367[%parallel_loop3A_368, %parallel_loop3A_369] {strides = array<i32>} : memref<80x128xf32, #tpu.memory_space<vmem>>, vector<16xf32>,
        %parallel_loop3A_371 = arith.constant 0 : i32
        %parallel_loop3A_372 = arith.constant 0 : i32
        %parallel_loop3A_373 = tpu.memref_slice %arg12[%parallel_loop3A_194, %parallel_loop3A_371, %parallel_loop3A_372] : memref<4x80x128xf32, #tpu.memory_space<vmem>> -> memref<1x80x128xf32, #tpu.memory_space<vmem>>
        %parallel_loop3A_374 = tpu.memref_squeeze %parallel_loop3A_373 : memref<1x80x128xf32, #tpu.memory_space<vmem>> -> memref<80x128xf32, #tpu.memory_space<vmem>>
        %parallel_loop3A_375 = arith.index_cast %parallel_loop3A_344 : i32 to index
        %parallel_loop3A_376 = arith.constant 16 : index
        %parallel_loop3A_377 = tpu.vector_load %parallel_loop3A_374[%parallel_loop3A_375, %parallel_loop3A_376] {strides = array<i32>} : memref<80x128xf32, #tpu.memory_space<vmem>>, vector<16xf32>,
        %parallel_loop3A_378 = arith.addf %parallel_loop3A_370, %parallel_loop3A_377 : vector<16xf32>
        %parallel_loop3A_379 = arith.constant 0.000000e+00 : f32
        %parallel_loop3A_380 = vector.broadcast %parallel_loop3A_379 : f32 to vector<16xf32>
        %parallel_loop3A_381 = arith.maximumf %parallel_loop3A_378, %parallel_loop3A_380 : vector<16xf32>
        %parallel_loop3A_382 = arith.mulf %parallel_loop3A_381, %get3A_21 : vector<16xf32>
        %parallel_loop3A_383 = arith.constant 0 : i32
        %parallel_loop3A_384 = arith.constant 0 : i32
        %parallel_loop3A_385 = tpu.memref_slice %arg11[%parallel_loop3A_193, %parallel_loop3A_383, %parallel_loop3A_384] : memref<4x80x128xf32, #tpu.memory_space<vmem>> -> memref<1x80x128xf32, #tpu.memory_space<vmem>>
        %parallel_loop3A_386 = tpu.memref_squeeze %parallel_loop3A_385 : memref<1x80x128xf32, #tpu.memory_space<vmem>> -> memref<80x128xf32, #tpu.memory_space<vmem>>
        %parallel_loop3A_387 = arith.index_cast %parallel_loop3A_344 : i32 to index
        %parallel_loop3A_388 = arith.constant 32 : index
        %parallel_loop3A_389 = tpu.vector_load %parallel_loop3A_386[%parallel_loop3A_387, %parallel_loop3A_388] {strides = array<i32>} : memref<80x128xf32, #tpu.memory_space<vmem>>, vector<16xf32>,
        %parallel_loop3A_390 = arith.constant 0 : i32
        %parallel_loop3A_391 = arith.constant 0 : i32
        %parallel_loop3A_392 = tpu.memref_slice %arg12[%parallel_loop3A_194, %parallel_loop3A_390, %parallel_loop3A_391] : memref<4x80x128xf32, #tpu.memory_space<vmem>> -> memref<1x80x128xf32, #tpu.memory_space<vmem>>
        %parallel_loop3A_393 = tpu.memref_squeeze %parallel_loop3A_392 : memref<1x80x128xf32, #tpu.memory_space<vmem>> -> memref<80x128xf32, #tpu.memory_space<vmem>>
        %parallel_loop3A_394 = arith.index_cast %parallel_loop3A_344 : i32 to index
        %parallel_loop3A_395 = arith.constant 32 : index
        %parallel_loop3A_396 = tpu.vector_load %parallel_loop3A_393[%parallel_loop3A_394, %parallel_loop3A_395] {strides = array<i32>} : memref<80x128xf32, #tpu.memory_space<vmem>>, vector<16xf32>,
        %parallel_loop3A_397 = arith.addf %parallel_loop3A_389, %parallel_loop3A_396 : vector<16xf32>
        %parallel_loop3A_398 = arith.constant 0.000000e+00 : f32
        %parallel_loop3A_399 = vector.broadcast %parallel_loop3A_398 : f32 to vector<16xf32>
        %parallel_loop3A_400 = arith.maximumf %parallel_loop3A_397, %parallel_loop3A_399 : vector<16xf32>
        %parallel_loop3A_401 = arith.mulf %parallel_loop3A_400, %get3A_23 : vector<16xf32>
        %parallel_loop3A_402 = arith.constant 0 : i32
        %parallel_loop3A_403 = arith.constant 0 : i32
        %parallel_loop3A_404 = tpu.memref_slice %arg11[%parallel_loop3A_193, %parallel_loop3A_402, %parallel_loop3A_403] : memref<4x80x128xf32, #tpu.memory_space<vmem>> -> memref<1x80x128xf32, #tpu.memory_space<vmem>>
        %parallel_loop3A_405 = tpu.memref_squeeze %parallel_loop3A_404 : memref<1x80x128xf32, #tpu.memory_space<vmem>> -> memref<80x128xf32, #tpu.memory_space<vmem>>
        %parallel_loop3A_406 = arith.index_cast %parallel_loop3A_344 : i32 to index
        %parallel_loop3A_407 = arith.constant 48 : index
        %parallel_loop3A_408 = tpu.vector_load %parallel_loop3A_405[%parallel_loop3A_406, %parallel_loop3A_407] {strides = array<i32>} : memref<80x128xf32, #tpu.memory_space<vmem>>, vector<16xf32>,
        %parallel_loop3A_409 = arith.constant 0 : i32
        %parallel_loop3A_410 = arith.constant 0 : i32
        %parallel_loop3A_411 = tpu.memref_slice %arg12[%parallel_loop3A_194, %parallel_loop3A_409, %parallel_loop3A_410] : memref<4x80x128xf32, #tpu.memory_space<vmem>> -> memref<1x80x128xf32, #tpu.memory_space<vmem>>
        %parallel_loop3A_412 = tpu.memref_squeeze %parallel_loop3A_411 : memref<1x80x128xf32, #tpu.memory_space<vmem>> -> memref<80x128xf32, #tpu.memory_space<vmem>>
        %parallel_loop3A_413 = arith.index_cast %parallel_loop3A_344 : i32 to index
        %parallel_loop3A_414 = arith.constant 48 : index
        %parallel_loop3A_415 = tpu.vector_load %parallel_loop3A_412[%parallel_loop3A_413, %parallel_loop3A_414] {strides = array<i32>} : memref<80x128xf32, #tpu.memory_space<vmem>>, vector<16xf32>,
        %parallel_loop3A_416 = arith.addf %parallel_loop3A_408, %parallel_loop3A_415 : vector<16xf32>
        %parallel_loop3A_417 = arith.constant 0.000000e+00 : f32
        %parallel_loop3A_418 = vector.broadcast %parallel_loop3A_417 : f32 to vector<16xf32>
        %parallel_loop3A_419 = arith.maximumf %parallel_loop3A_416, %parallel_loop3A_418 : vector<16xf32>
        %parallel_loop3A_420 = arith.mulf %parallel_loop3A_419, %get3A_25 : vector<16xf32>
        %parallel_loop3A_421 = arith.constant 0 : i32
        %parallel_loop3A_422 = arith.constant 0 : i32
        %parallel_loop3A_423 = tpu.memref_slice %arg11[%parallel_loop3A_193, %parallel_loop3A_421, %parallel_loop3A_422] : memref<4x80x128xf32, #tpu.memory_space<vmem>> -> memref<1x80x128xf32, #tpu.memory_space<vmem>>
        %parallel_loop3A_424 = tpu.memref_squeeze %parallel_loop3A_423 : memref<1x80x128xf32, #tpu.memory_space<vmem>> -> memref<80x128xf32, #tpu.memory_space<vmem>>
        %parallel_loop3A_425 = arith.index_cast %parallel_loop3A_344 : i32 to index
        %parallel_loop3A_426 = arith.constant 64 : index
        %parallel_loop3A_427 = tpu.vector_load %parallel_loop3A_424[%parallel_loop3A_425, %parallel_loop3A_426] {strides = array<i32>} : memref<80x128xf32, #tpu.memory_space<vmem>>, vector<16xf32>,
        %parallel_loop3A_428 = arith.constant 0 : i32
        %parallel_loop3A_429 = arith.constant 0 : i32
        %parallel_loop3A_430 = tpu.memref_slice %arg12[%parallel_loop3A_194, %parallel_loop3A_428, %parallel_loop3A_429] : memref<4x80x128xf32, #tpu.memory_space<vmem>> -> memref<1x80x128xf32, #tpu.memory_space<vmem>>
        %parallel_loop3A_431 = tpu.memref_squeeze %parallel_loop3A_430 : memref<1x80x128xf32, #tpu.memory_space<vmem>> -> memref<80x128xf32, #tpu.memory_space<vmem>>
        %parallel_loop3A_432 = arith.index_cast %parallel_loop3A_344 : i32 to index
        %parallel_loop3A_433 = arith.constant 64 : index
        %parallel_loop3A_434 = tpu.vector_load %parallel_loop3A_431[%parallel_loop3A_432, %parallel_loop3A_433] {strides = array<i32>} : memref<80x128xf32, #tpu.memory_space<vmem>>, vector<16xf32>,
        %parallel_loop3A_435 = arith.addf %parallel_loop3A_427, %parallel_loop3A_434 : vector<16xf32>
        %parallel_loop3A_436 = arith.constant 0.000000e+00 : f32
        %parallel_loop3A_437 = vector.broadcast %parallel_loop3A_436 : f32 to vector<16xf32>
        %parallel_loop3A_438 = arith.maximumf %parallel_loop3A_435, %parallel_loop3A_437 : vector<16xf32>
        %parallel_loop3A_439 = arith.mulf %parallel_loop3A_438, %get3A_27 : vector<16xf32>
        %parallel_loop3A_440 = arith.constant 0 : i32
        %parallel_loop3A_441 = arith.constant 0 : i32
        %parallel_loop3A_442 = tpu.memref_slice %arg11[%parallel_loop3A_193, %parallel_loop3A_440, %parallel_loop3A_441] : memref<4x80x128xf32, #tpu.memory_space<vmem>> -> memref<1x80x128xf32, #tpu.memory_space<vmem>>
        %parallel_loop3A_443 = tpu.memref_squeeze %parallel_loop3A_442 : memref<1x80x128xf32, #tpu.memory_space<vmem>> -> memref<80x128xf32, #tpu.memory_space<vmem>>
        %parallel_loop3A_444 = arith.index_cast %parallel_loop3A_344 : i32 to index
        %parallel_loop3A_445 = arith.constant 80 : index
        %parallel_loop3A_446 = tpu.vector_load %parallel_loop3A_443[%parallel_loop3A_444, %parallel_loop3A_445] {strides = array<i32>} : memref<80x128xf32, #tpu.memory_space<vmem>>, vector<16xf32>,
        %parallel_loop3A_447 = arith.constant 0 : i32
        %parallel_loop3A_448 = arith.constant 0 : i32
        %parallel_loop3A_449 = tpu.memref_slice %arg12[%parallel_loop3A_194, %parallel_loop3A_447, %parallel_loop3A_448] : memref<4x80x128xf32, #tpu.memory_space<vmem>> -> memref<1x80x128xf32, #tpu.memory_space<vmem>>
        %parallel_loop3A_450 = tpu.memref_squeeze %parallel_loop3A_449 : memref<1x80x128xf32, #tpu.memory_space<vmem>> -> memref<80x128xf32, #tpu.memory_space<vmem>>
        %parallel_loop3A_451 = arith.index_cast %parallel_loop3A_344 : i32 to index
        %parallel_loop3A_452 = arith.constant 80 : index
        %parallel_loop3A_453 = tpu.vector_load %parallel_loop3A_450[%parallel_loop3A_451, %parallel_loop3A_452] {strides = array<i32>} : memref<80x128xf32, #tpu.memory_space<vmem>>, vector<16xf32>,
        %parallel_loop3A_454 = arith.addf %parallel_loop3A_446, %parallel_loop3A_453 : vector<16xf32>
        %parallel_loop3A_455 = arith.constant 0.000000e+00 : f32
        %parallel_loop3A_456 = vector.broadcast %parallel_loop3A_455 : f32 to vector<16xf32>
        %parallel_loop3A_457 = arith.maximumf %parallel_loop3A_454, %parallel_loop3A_456 : vector<16xf32>
        %parallel_loop3A_458 = arith.mulf %parallel_loop3A_457, %get3A_29 : vector<16xf32>
        %parallel_loop3A_459 = arith.constant 0 : i32
        %parallel_loop3A_460 = arith.constant 0 : i32
        %parallel_loop3A_461 = tpu.memref_slice %arg11[%parallel_loop3A_193, %parallel_loop3A_459, %parallel_loop3A_460] : memref<4x80x128xf32, #tpu.memory_space<vmem>> -> memref<1x80x128xf32, #tpu.memory_space<vmem>>
        %parallel_loop3A_462 = tpu.memref_squeeze %parallel_loop3A_461 : memref<1x80x128xf32, #tpu.memory_space<vmem>> -> memref<80x128xf32, #tpu.memory_space<vmem>>
        %parallel_loop3A_463 = arith.index_cast %parallel_loop3A_344 : i32 to index
        %parallel_loop3A_464 = arith.constant 96 : index
        %parallel_loop3A_465 = tpu.vector_load %parallel_loop3A_462[%parallel_loop3A_463, %parallel_loop3A_464] {strides = array<i32>} : memref<80x128xf32, #tpu.memory_space<vmem>>, vector<16xf32>,
        %parallel_loop3A_466 = arith.constant 0 : i32
        %parallel_loop3A_467 = arith.constant 0 : i32
        %parallel_loop3A_468 = tpu.memref_slice %arg12[%parallel_loop3A_194, %parallel_loop3A_466, %parallel_loop3A_467] : memref<4x80x128xf32, #tpu.memory_space<vmem>> -> memref<1x80x128xf32, #tpu.memory_space<vmem>>
        %parallel_loop3A_469 = tpu.memref_squeeze %parallel_loop3A_468 : memref<1x80x128xf32, #tpu.memory_space<vmem>> -> memref<80x128xf32, #tpu.memory_space<vmem>>
        %parallel_loop3A_470 = arith.index_cast %parallel_loop3A_344 : i32 to index
        %parallel_loop3A_471 = arith.constant 96 : index
        %parallel_loop3A_472 = tpu.vector_load %parallel_loop3A_469[%parallel_loop3A_470, %parallel_loop3A_471] {strides = array<i32>} : memref<80x128xf32, #tpu.memory_space<vmem>>, vector<16xf32>,
        %parallel_loop3A_473 = arith.addf %parallel_loop3A_465, %parallel_loop3A_472 : vector<16xf32>
        %parallel_loop3A_474 = arith.constant 0.000000e+00 : f32
        %parallel_loop3A_475 = vector.broadcast %parallel_loop3A_474 : f32 to vector<16xf32>
        %parallel_loop3A_476 = arith.maximumf %parallel_loop3A_473, %parallel_loop3A_475 : vector<16xf32>
        %parallel_loop3A_477 = arith.mulf %parallel_loop3A_476, %get3A_31 : vector<16xf32>
        %parallel_loop3A_478 = arith.constant 0 : i32
        %parallel_loop3A_479 = arith.constant 0 : i32
        %parallel_loop3A_480 = tpu.memref_slice %arg11[%parallel_loop3A_193, %parallel_loop3A_478, %parallel_loop3A_479] : memref<4x80x128xf32, #tpu.memory_space<vmem>> -> memref<1x80x128xf32, #tpu.memory_space<vmem>>
        %parallel_loop3A_481 = tpu.memref_squeeze %parallel_loop3A_480 : memref<1x80x128xf32, #tpu.memory_space<vmem>> -> memref<80x128xf32, #tpu.memory_space<vmem>>
        %parallel_loop3A_482 = arith.index_cast %parallel_loop3A_344 : i32 to index
        %parallel_loop3A_483 = arith.constant 112 : index
        %parallel_loop3A_484 = tpu.vector_load %parallel_loop3A_481[%parallel_loop3A_482, %parallel_loop3A_483] {strides = array<i32>} : memref<80x128xf32, #tpu.memory_space<vmem>>, vector<16xf32>,
        %parallel_loop3A_485 = arith.constant 0 : i32
        %parallel_loop3A_486 = arith.constant 0 : i32
        %parallel_loop3A_487 = tpu.memref_slice %arg12[%parallel_loop3A_194, %parallel_loop3A_485, %parallel_loop3A_486] : memref<4x80x128xf32, #tpu.memory_space<vmem>> -> memref<1x80x128xf32, #tpu.memory_space<vmem>>
        %parallel_loop3A_488 = tpu.memref_squeeze %parallel_loop3A_487 : memref<1x80x128xf32, #tpu.memory_space<vmem>> -> memref<80x128xf32, #tpu.memory_space<vmem>>
        %parallel_loop3A_489 = arith.index_cast %parallel_loop3A_344 : i32 to index
        %parallel_loop3A_490 = arith.constant 112 : index
        %parallel_loop3A_491 = tpu.vector_load %parallel_loop3A_488[%parallel_loop3A_489, %parallel_loop3A_490] {strides = array<i32>} : memref<80x128xf32, #tpu.memory_space<vmem>>, vector<16xf32>,
        %parallel_loop3A_492 = arith.addf %parallel_loop3A_484, %parallel_loop3A_491 : vector<16xf32>
        %parallel_loop3A_493 = arith.constant 0.000000e+00 : f32
        %parallel_loop3A_494 = vector.broadcast %parallel_loop3A_493 : f32 to vector<16xf32>
        %parallel_loop3A_495 = arith.maximumf %parallel_loop3A_492, %parallel_loop3A_494 : vector<16xf32>
        %parallel_loop3A_496 = arith.mulf %parallel_loop3A_495, %get3A_33 : vector<16xf32>
        %parallel_loop3A_497 = arith.addf %parallel_loop3A_363, %parallel_loop3A_382 : vector<16xf32>
        %parallel_loop3A_498 = arith.addf %parallel_loop3A_401, %parallel_loop3A_420 : vector<16xf32>
        %parallel_loop3A_499 = arith.addf %parallel_loop3A_439, %parallel_loop3A_458 : vector<16xf32>
        %parallel_loop3A_500 = arith.addf %parallel_loop3A_477, %parallel_loop3A_496 : vector<16xf32>
        %parallel_loop3A_501 = arith.addf %parallel_loop3A_497, %parallel_loop3A_498 : vector<16xf32>
        %parallel_loop3A_502 = arith.addf %parallel_loop3A_499, %parallel_loop3A_500 : vector<16xf32>
        %parallel_loop3A_503 = arith.addf %parallel_loop3A_501, %parallel_loop3A_502 : vector<16xf32>
        %parallel_loop3A_504 = arith.addf %parallel_loop3A_503, %select_n3A : vector<16xf32>
        %parallel_loop3A_505 = arith.constant 0 : i32
        %parallel_loop3A_506 = vector.broadcast %parallel_loop3A_505 : i32 to vector<16xi32>
        %parallel_loop3A_507 = arith.cmpi slt, %xor3A_6, %parallel_loop3A_506 : vector<16xi32>
        %parallel_loop3A_508 = arith.constant 16 : i32
        %parallel_loop3A_509 = vector.broadcast %parallel_loop3A_508 : i32 to vector<16xi32>
        %parallel_loop3A_510 = arith.addi %xor3A_6, %parallel_loop3A_509 : vector<16xi32>
        %parallel_loop3A_511 = arith.select %parallel_loop3A_507, %parallel_loop3A_510, %xor3A_6 : vector<16xi1>, vector<16xi32>
        %parallel_loop3A_512 = vector.shape_cast %parallel_loop3A_511 : vector<16xi32> to vector<16x1xi32>
        %parallel_loop3A_513 = vector.shape_cast %parallel_loop3A_512 : vector<16x1xi32> to vector<16xi32>
        %parallel_loop3A_514 = tpu.dynamic_gather %parallel_loop3A_504[%parallel_loop3A_513] in [0] : vector<16xf32>, vector<16xi32> -> vector<16xf32>
        %parallel_loop3A_515 = arith.addf %parallel_loop3A_504, %parallel_loop3A_514 : vector<16xf32>
        %parallel_loop3A_516 = arith.constant 0 : i32
        %parallel_loop3A_517 = vector.broadcast %parallel_loop3A_516 : i32 to vector<16xi32>
        %parallel_loop3A_518 = arith.cmpi slt, %xor3A_9, %parallel_loop3A_517 : vector<16xi32>
        %parallel_loop3A_519 = arith.constant 16 : i32
        %parallel_loop3A_520 = vector.broadcast %parallel_loop3A_519 : i32 to vector<16xi32>
        %parallel_loop3A_521 = arith.addi %xor3A_9, %parallel_loop3A_520 : vector<16xi32>
        %parallel_loop3A_522 = arith.select %parallel_loop3A_518, %parallel_loop3A_521, %xor3A_9 : vector<16xi1>, vector<16xi32>
        %parallel_loop3A_523 = vector.shape_cast %parallel_loop3A_522 : vector<16xi32> to vector<16x1xi32>
        %parallel_loop3A_524 = vector.shape_cast %parallel_loop3A_523 : vector<16x1xi32> to vector<16xi32>
        %parallel_loop3A_525 = tpu.dynamic_gather %parallel_loop3A_515[%parallel_loop3A_524] in [0] : vector<16xf32>, vector<16xi32> -> vector<16xf32>
        %parallel_loop3A_526 = arith.addf %parallel_loop3A_515, %parallel_loop3A_525 : vector<16xf32>
        %parallel_loop3A_527 = arith.constant 0 : i32
        %parallel_loop3A_528 = vector.broadcast %parallel_loop3A_527 : i32 to vector<16xi32>
        %parallel_loop3A_529 = arith.cmpi slt, %xor3A_12, %parallel_loop3A_528 : vector<16xi32>
        %parallel_loop3A_530 = arith.constant 16 : i32
        %parallel_loop3A_531 = vector.broadcast %parallel_loop3A_530 : i32 to vector<16xi32>
        %parallel_loop3A_532 = arith.addi %xor3A_12, %parallel_loop3A_531 : vector<16xi32>
        %parallel_loop3A_533 = arith.select %parallel_loop3A_529, %parallel_loop3A_532, %xor3A_12 : vector<16xi1>, vector<16xi32>
        %parallel_loop3A_534 = vector.shape_cast %parallel_loop3A_533 : vector<16xi32> to vector<16x1xi32>
        %parallel_loop3A_535 = vector.shape_cast %parallel_loop3A_534 : vector<16x1xi32> to vector<16xi32>
        %parallel_loop3A_536 = tpu.dynamic_gather %parallel_loop3A_526[%parallel_loop3A_535] in [0] : vector<16xf32>, vector<16xi32> -> vector<16xf32>
        %parallel_loop3A_537 = arith.addf %parallel_loop3A_526, %parallel_loop3A_536 : vector<16xf32>
        %parallel_loop3A_538 = arith.constant 0 : i32
        %parallel_loop3A_539 = vector.broadcast %parallel_loop3A_538 : i32 to vector<16xi32>
        %parallel_loop3A_540 = arith.cmpi slt, %xor3A_15, %parallel_loop3A_539 : vector<16xi32>
        %parallel_loop3A_541 = arith.constant 16 : i32
        %parallel_loop3A_542 = vector.broadcast %parallel_loop3A_541 : i32 to vector<16xi32>
        %parallel_loop3A_543 = arith.addi %xor3A_15, %parallel_loop3A_542 : vector<16xi32>
        %parallel_loop3A_544 = arith.select %parallel_loop3A_540, %parallel_loop3A_543, %xor3A_15 : vector<16xi1>, vector<16xi32>
        %parallel_loop3A_545 = vector.shape_cast %parallel_loop3A_544 : vector<16xi32> to vector<16x1xi32>
        %parallel_loop3A_546 = vector.shape_cast %parallel_loop3A_545 : vector<16x1xi32> to vector<16xi32>
        %parallel_loop3A_547 = tpu.dynamic_gather %parallel_loop3A_537[%parallel_loop3A_546] in [0] : vector<16xf32>, vector<16xi32> -> vector<16xf32>
        %parallel_loop3A_548 = arith.addf %parallel_loop3A_537, %parallel_loop3A_547 : vector<16xf32>
        %parallel_loop3A_549 = arith.addi %mul3A_189, %parallel_loop3A_344 : i32
        %parallel_loop3A_550 = vector.broadcast %parallel_loop3A_549 : i32 to vector<16xi32>
        tpu.vector_store_idx %arg15[%parallel_loop3A_550], %parallel_loop3A_548 masked %eq3A_4 : memref<10000xf32, #tpu.memory_space<vmem>>[vector<16xi32>], vector<16xf32>, vector<16xi1>
      } {sc.loop_unroll_factor = 4 : i64, sc.parallel_access}
      %add3A_195 = arith.constant 4 : i32
      %add3A_196 = arith.addi %add3A_157, %add3A_195 : i32
      %lt3A = arith.constant 125 : i32
      %lt3A_197 = arith.cmpi slt, %add3A_196, %lt3A : i32
      %convert_element_type3A = arith.extui %lt3A_197 : i1 to i32
      %cond3A = arith.constant 0 : i32
      %cond3A_198 = arith.cmpi ne, %convert_element_type3A, %cond3A : i32
      scf.if %cond3A_198 {
        %add3A_344 = arith.constant 4 : i32
        %add3A_345 = arith.addi %add3A_157, %add3A_344 : i32
        %mul3A_346 = arith.constant 80 : i32
        %mul3A_347 = arith.muli %add3A_345, %mul3A_346 : i32
        %dma_start3A_348 = arith.constant 0 : i32
        %dma_start3A_349 = arith.constant 0 : i32
        %dma_start3A_350 = arith.constant 0 : i32
        %dma_start3A_351 = tpu.memref_slice %arg11[%dma_start3A_348, %dma_start3A_349, %dma_start3A_350] : memref<4x80x128xf32, #tpu.memory_space<vmem>> -> memref<1x80x128xf32, #tpu.memory_space<vmem>>
        %dma_start3A_352 = tpu.memref_squeeze %dma_start3A_351 : memref<1x80x128xf32, #tpu.memory_space<vmem>> -> memref<80x128xf32, #tpu.memory_space<vmem>>
        %dma_start3A_353 = tpu.memref_slice %arg9[%mul3A_347] : memref<10000xi32, #tpu.memory_space<vmem>> -> memref<80xi32, #tpu.memory_space<vmem>>
        %dma_start3A_354 = arith.constant 0 : i32
        %dma_start3A_355 = arith.constant 0 : i32
        %dma_start3A_356 = tpu.memref_slice %arg2[%dma_start3A_354, %dma_start3A_355] : memref<10000x128xf32, #tpu.memory_space<hbm>> -> memref<10000x128xf32, #tpu.memory_space<hbm>>
        tpu.enqueue_indirect_dma source(%dma_start3A_356 : memref<10000x128xf32, #tpu.memory_space<hbm>>) target(%dma_start3A_352 : memref<80x128xf32, #tpu.memory_space<vmem>>) offsets(%dma_start3A_353 : memref<80xi32, #tpu.memory_space<vmem>>) semaphore(%arg16 : memref<!tpu.dma_semaphore, #tpu.memory_space<semaphore_mem>>)
        %dma_start3A_357 = arith.constant 0 : i32
        %dma_start3A_358 = arith.constant 0 : i32
        %dma_start3A_359 = arith.constant 0 : i32
        %dma_start3A_360 = tpu.memref_slice %arg12[%dma_start3A_357, %dma_start3A_358, %dma_start3A_359] : memref<4x80x128xf32, #tpu.memory_space<vmem>> -> memref<1x80x128xf32, #tpu.memory_space<vmem>>
        %dma_start3A_361 = tpu.memref_squeeze %dma_start3A_360 : memref<1x80x128xf32, #tpu.memory_space<vmem>> -> memref<80x128xf32, #tpu.memory_space<vmem>>
        %dma_start3A_362 = tpu.memref_slice %arg10[%mul3A_347] : memref<10000xi32, #tpu.memory_space<vmem>> -> memref<80xi32, #tpu.memory_space<vmem>>
        %dma_start3A_363 = arith.constant 0 : i32
        %dma_start3A_364 = arith.constant 0 : i32
        %dma_start3A_365 = tpu.memref_slice %arg3[%dma_start3A_363, %dma_start3A_364] : memref<10000x128xf32, #tpu.memory_space<hbm>> -> memref<10000x128xf32, #tpu.memory_space<hbm>>
        tpu.enqueue_indirect_dma source(%dma_start3A_365 : memref<10000x128xf32, #tpu.memory_space<hbm>>) target(%dma_start3A_361 : memref<80x128xf32, #tpu.memory_space<vmem>>) offsets(%dma_start3A_362 : memref<80xi32, #tpu.memory_space<vmem>>) semaphore(%arg20 : memref<!tpu.dma_semaphore, #tpu.memory_space<semaphore_mem>>)
      } else {
      }
      %mul3A_199 = arith.constant 4 : i32
      %mul3A_200 = arith.muli %scan3A_152, %mul3A_199 : i32
      %add3A_201 = arith.constant 1 : i32
      %add3A_202 = arith.addi %mul3A_200, %add3A_201 : i32
      %dma_wait3A_203 = arith.constant 1 : i32
      %dma_wait3A_204 = arith.constant 0 : i32
      %dma_wait3A_205 = arith.constant 0 : i32
      %dma_wait3A_206 = tpu.memref_slice %arg11[%dma_wait3A_203, %dma_wait3A_204, %dma_wait3A_205] : memref<4x80x128xf32, #tpu.memory_space<vmem>> -> memref<1x80x128xf32, #tpu.memory_space<vmem>>
      %dma_wait3A_207 = tpu.memref_squeeze %dma_wait3A_206 : memref<1x80x128xf32, #tpu.memory_space<vmem>> -> memref<80x128xf32, #tpu.memory_space<vmem>>
      %dma_wait3A_208 = arith.constant 0 : i32
      %dma_wait3A_209 = arith.constant 0 : i32
      %dma_wait3A_210 = tpu.memref_slice %arg2[%dma_wait3A_208, %dma_wait3A_209] : memref<10000x128xf32, #tpu.memory_space<hbm>> -> memref<80x128xf32, #tpu.memory_space<hbm>>
      %dma_wait3A_211 = arith.constant 0 : i32
      %dma_wait3A_212 = arith.constant 0 : i32
      %dma_wait3A_213 = tpu.memref_slice %arg11[%dma_wait3A_203, %dma_wait3A_211, %dma_wait3A_212] : memref<4x80x128xf32, #tpu.memory_space<vmem>> -> memref<1x80x128xf32, #tpu.memory_space<vmem>>
      %dma_wait3A_214 = tpu.memref_squeeze %dma_wait3A_213 : memref<1x80x128xf32, #tpu.memory_space<vmem>> -> memref<80x128xf32, #tpu.memory_space<vmem>>
      %dma_wait3A_215 = arith.constant 0 : i32
      %dma_wait3A_216 = arith.constant 0 : i32
      %dma_wait3A_217 = tpu.memref_slice %arg2[%dma_wait3A_215, %dma_wait3A_216] : memref<10000x128xf32, #tpu.memory_space<hbm>> -> memref<80x128xf32, #tpu.memory_space<hbm>>
      tpu.wait_dma2 semaphore(%arg17 : memref<!tpu.dma_semaphore, #tpu.memory_space<semaphore_mem>>) src(%dma_wait3A_217 : memref<80x128xf32, #tpu.memory_space<hbm>>) dst(%dma_wait3A_214 : memref<80x128xf32, #tpu.memory_space<vmem>>)
      %dma_wait3A_218 = arith.constant 1 : i32
      %dma_wait3A_219 = arith.constant 0 : i32
      %dma_wait3A_220 = arith.constant 0 : i32
      %dma_wait3A_221 = tpu.memref_slice %arg12[%dma_wait3A_218, %dma_wait3A_219, %dma_wait3A_220] : memref<4x80x128xf32, #tpu.memory_space<vmem>> -> memref<1x80x128xf32, #tpu.memory_space<vmem>>
      %dma_wait3A_222 = tpu.memref_squeeze %dma_wait3A_221 : memref<1x80x128xf32, #tpu.memory_space<vmem>> -> memref<80x128xf32, #tpu.memory_space<vmem>>
      %dma_wait3A_223 = arith.constant 0 : i32
      %dma_wait3A_224 = arith.constant 0 : i32
      %dma_wait3A_225 = tpu.memref_slice %arg3[%dma_wait3A_223, %dma_wait3A_224] : memref<10000x128xf32, #tpu.memory_space<hbm>> -> memref<80x128xf32, #tpu.memory_space<hbm>>
      %dma_wait3A_226 = arith.constant 0 : i32
      %dma_wait3A_227 = arith.constant 0 : i32
      %dma_wait3A_228 = tpu.memref_slice %arg12[%dma_wait3A_218, %dma_wait3A_226, %dma_wait3A_227] : memref<4x80x128xf32, #tpu.memory_space<vmem>> -> memref<1x80x128xf32, #tpu.memory_space<vmem>>
      %dma_wait3A_229 = tpu.memref_squeeze %dma_wait3A_228 : memref<1x80x128xf32, #tpu.memory_space<vmem>> -> memref<80x128xf32, #tpu.memory_space<vmem>>
      %dma_wait3A_230 = arith.constant 0 : i32
      %dma_wait3A_231 = arith.constant 0 : i32
      %dma_wait3A_232 = tpu.memref_slice %arg3[%dma_wait3A_230, %dma_wait3A_231] : memref<10000x128xf32, #tpu.memory_space<hbm>> -> memref<80x128xf32, #tpu.memory_space<hbm>>
      tpu.wait_dma2 semaphore(%arg21 : memref<!tpu.dma_semaphore, #tpu.memory_space<semaphore_mem>>) src(%dma_wait3A_232 : memref<80x128xf32, #tpu.memory_space<hbm>>) dst(%dma_wait3A_229 : memref<80x128xf32, #tpu.memory_space<vmem>>)
      %mul3A_233 = arith.constant 80 : i32
      %mul3A_234 = arith.muli %add3A_202, %mul3A_233 : i32
      %parallel_loop3A_235 = arith.constant 0 : i32
      %parallel_loop3A_236 = arith.constant 80 : i32
      %parallel_loop3A_237 = arith.constant 1 : i32
      %parallel_loop3A_238 = arith.constant 1 : i32
      %parallel_loop3A_239 = arith.constant 1 : i32
      scf.for %parallel_loop3A_344 = %parallel_loop3A_235 to %parallel_loop3A_236 step %parallel_loop3A_237  : i32 {
        %parallel_loop3A_345 = arith.constant 0 : i32
        %parallel_loop3A_346 = arith.constant 0 : i32
        %parallel_loop3A_347 = tpu.memref_slice %arg11[%parallel_loop3A_238, %parallel_loop3A_345, %parallel_loop3A_346] : memref<4x80x128xf32, #tpu.memory_space<vmem>> -> memref<1x80x128xf32, #tpu.memory_space<vmem>>
        %parallel_loop3A_348 = tpu.memref_squeeze %parallel_loop3A_347 : memref<1x80x128xf32, #tpu.memory_space<vmem>> -> memref<80x128xf32, #tpu.memory_space<vmem>>
        %parallel_loop3A_349 = arith.index_cast %parallel_loop3A_344 : i32 to index
        %parallel_loop3A_350 = arith.constant 0 : index
        %parallel_loop3A_351 = tpu.vector_load %parallel_loop3A_348[%parallel_loop3A_349, %parallel_loop3A_350] {strides = array<i32>} : memref<80x128xf32, #tpu.memory_space<vmem>>, vector<16xf32>,
        %parallel_loop3A_352 = arith.constant 0 : i32
        %parallel_loop3A_353 = arith.constant 0 : i32
        %parallel_loop3A_354 = tpu.memref_slice %arg12[%parallel_loop3A_239, %parallel_loop3A_352, %parallel_loop3A_353] : memref<4x80x128xf32, #tpu.memory_space<vmem>> -> memref<1x80x128xf32, #tpu.memory_space<vmem>>
        %parallel_loop3A_355 = tpu.memref_squeeze %parallel_loop3A_354 : memref<1x80x128xf32, #tpu.memory_space<vmem>> -> memref<80x128xf32, #tpu.memory_space<vmem>>
        %parallel_loop3A_356 = arith.index_cast %parallel_loop3A_344 : i32 to index
        %parallel_loop3A_357 = arith.constant 0 : index
        %parallel_loop3A_358 = tpu.vector_load %parallel_loop3A_355[%parallel_loop3A_356, %parallel_loop3A_357] {strides = array<i32>} : memref<80x128xf32, #tpu.memory_space<vmem>>, vector<16xf32>,
        %parallel_loop3A_359 = arith.addf %parallel_loop3A_351, %parallel_loop3A_358 : vector<16xf32>
        %parallel_loop3A_360 = arith.constant 0.000000e+00 : f32
        %parallel_loop3A_361 = vector.broadcast %parallel_loop3A_360 : f32 to vector<16xf32>
        %parallel_loop3A_362 = arith.maximumf %parallel_loop3A_359, %parallel_loop3A_361 : vector<16xf32>
        %parallel_loop3A_363 = arith.mulf %parallel_loop3A_362, %get3A_19 : vector<16xf32>
        %parallel_loop3A_364 = arith.constant 0 : i32
        %parallel_loop3A_365 = arith.constant 0 : i32
        %parallel_loop3A_366 = tpu.memref_slice %arg11[%parallel_loop3A_238, %parallel_loop3A_364, %parallel_loop3A_365] : memref<4x80x128xf32, #tpu.memory_space<vmem>> -> memref<1x80x128xf32, #tpu.memory_space<vmem>>
        %parallel_loop3A_367 = tpu.memref_squeeze %parallel_loop3A_366 : memref<1x80x128xf32, #tpu.memory_space<vmem>> -> memref<80x128xf32, #tpu.memory_space<vmem>>
        %parallel_loop3A_368 = arith.index_cast %parallel_loop3A_344 : i32 to index
        %parallel_loop3A_369 = arith.constant 16 : index
        %parallel_loop3A_370 = tpu.vector_load %parallel_loop3A_367[%parallel_loop3A_368, %parallel_loop3A_369] {strides = array<i32>} : memref<80x128xf32, #tpu.memory_space<vmem>>, vector<16xf32>,
        %parallel_loop3A_371 = arith.constant 0 : i32
        %parallel_loop3A_372 = arith.constant 0 : i32
        %parallel_loop3A_373 = tpu.memref_slice %arg12[%parallel_loop3A_239, %parallel_loop3A_371, %parallel_loop3A_372] : memref<4x80x128xf32, #tpu.memory_space<vmem>> -> memref<1x80x128xf32, #tpu.memory_space<vmem>>
        %parallel_loop3A_374 = tpu.memref_squeeze %parallel_loop3A_373 : memref<1x80x128xf32, #tpu.memory_space<vmem>> -> memref<80x128xf32, #tpu.memory_space<vmem>>
        %parallel_loop3A_375 = arith.index_cast %parallel_loop3A_344 : i32 to index
        %parallel_loop3A_376 = arith.constant 16 : index
        %parallel_loop3A_377 = tpu.vector_load %parallel_loop3A_374[%parallel_loop3A_375, %parallel_loop3A_376] {strides = array<i32>} : memref<80x128xf32, #tpu.memory_space<vmem>>, vector<16xf32>,
        %parallel_loop3A_378 = arith.addf %parallel_loop3A_370, %parallel_loop3A_377 : vector<16xf32>
        %parallel_loop3A_379 = arith.constant 0.000000e+00 : f32
        %parallel_loop3A_380 = vector.broadcast %parallel_loop3A_379 : f32 to vector<16xf32>
        %parallel_loop3A_381 = arith.maximumf %parallel_loop3A_378, %parallel_loop3A_380 : vector<16xf32>
        %parallel_loop3A_382 = arith.mulf %parallel_loop3A_381, %get3A_21 : vector<16xf32>
        %parallel_loop3A_383 = arith.constant 0 : i32
        %parallel_loop3A_384 = arith.constant 0 : i32
        %parallel_loop3A_385 = tpu.memref_slice %arg11[%parallel_loop3A_238, %parallel_loop3A_383, %parallel_loop3A_384] : memref<4x80x128xf32, #tpu.memory_space<vmem>> -> memref<1x80x128xf32, #tpu.memory_space<vmem>>
        %parallel_loop3A_386 = tpu.memref_squeeze %parallel_loop3A_385 : memref<1x80x128xf32, #tpu.memory_space<vmem>> -> memref<80x128xf32, #tpu.memory_space<vmem>>
        %parallel_loop3A_387 = arith.index_cast %parallel_loop3A_344 : i32 to index
        %parallel_loop3A_388 = arith.constant 32 : index
        %parallel_loop3A_389 = tpu.vector_load %parallel_loop3A_386[%parallel_loop3A_387, %parallel_loop3A_388] {strides = array<i32>} : memref<80x128xf32, #tpu.memory_space<vmem>>, vector<16xf32>,
        %parallel_loop3A_390 = arith.constant 0 : i32
        %parallel_loop3A_391 = arith.constant 0 : i32
        %parallel_loop3A_392 = tpu.memref_slice %arg12[%parallel_loop3A_239, %parallel_loop3A_390, %parallel_loop3A_391] : memref<4x80x128xf32, #tpu.memory_space<vmem>> -> memref<1x80x128xf32, #tpu.memory_space<vmem>>
        %parallel_loop3A_393 = tpu.memref_squeeze %parallel_loop3A_392 : memref<1x80x128xf32, #tpu.memory_space<vmem>> -> memref<80x128xf32, #tpu.memory_space<vmem>>
        %parallel_loop3A_394 = arith.index_cast %parallel_loop3A_344 : i32 to index
        %parallel_loop3A_395 = arith.constant 32 : index
        %parallel_loop3A_396 = tpu.vector_load %parallel_loop3A_393[%parallel_loop3A_394, %parallel_loop3A_395] {strides = array<i32>} : memref<80x128xf32, #tpu.memory_space<vmem>>, vector<16xf32>,
        %parallel_loop3A_397 = arith.addf %parallel_loop3A_389, %parallel_loop3A_396 : vector<16xf32>
        %parallel_loop3A_398 = arith.constant 0.000000e+00 : f32
        %parallel_loop3A_399 = vector.broadcast %parallel_loop3A_398 : f32 to vector<16xf32>
        %parallel_loop3A_400 = arith.maximumf %parallel_loop3A_397, %parallel_loop3A_399 : vector<16xf32>
        %parallel_loop3A_401 = arith.mulf %parallel_loop3A_400, %get3A_23 : vector<16xf32>
        %parallel_loop3A_402 = arith.constant 0 : i32
        %parallel_loop3A_403 = arith.constant 0 : i32
        %parallel_loop3A_404 = tpu.memref_slice %arg11[%parallel_loop3A_238, %parallel_loop3A_402, %parallel_loop3A_403] : memref<4x80x128xf32, #tpu.memory_space<vmem>> -> memref<1x80x128xf32, #tpu.memory_space<vmem>>
        %parallel_loop3A_405 = tpu.memref_squeeze %parallel_loop3A_404 : memref<1x80x128xf32, #tpu.memory_space<vmem>> -> memref<80x128xf32, #tpu.memory_space<vmem>>
        %parallel_loop3A_406 = arith.index_cast %parallel_loop3A_344 : i32 to index
        %parallel_loop3A_407 = arith.constant 48 : index
        %parallel_loop3A_408 = tpu.vector_load %parallel_loop3A_405[%parallel_loop3A_406, %parallel_loop3A_407] {strides = array<i32>} : memref<80x128xf32, #tpu.memory_space<vmem>>, vector<16xf32>,
        %parallel_loop3A_409 = arith.constant 0 : i32
        %parallel_loop3A_410 = arith.constant 0 : i32
        %parallel_loop3A_411 = tpu.memref_slice %arg12[%parallel_loop3A_239, %parallel_loop3A_409, %parallel_loop3A_410] : memref<4x80x128xf32, #tpu.memory_space<vmem>> -> memref<1x80x128xf32, #tpu.memory_space<vmem>>
        %parallel_loop3A_412 = tpu.memref_squeeze %parallel_loop3A_411 : memref<1x80x128xf32, #tpu.memory_space<vmem>> -> memref<80x128xf32, #tpu.memory_space<vmem>>
        %parallel_loop3A_413 = arith.index_cast %parallel_loop3A_344 : i32 to index
        %parallel_loop3A_414 = arith.constant 48 : index
        %parallel_loop3A_415 = tpu.vector_load %parallel_loop3A_412[%parallel_loop3A_413, %parallel_loop3A_414] {strides = array<i32>} : memref<80x128xf32, #tpu.memory_space<vmem>>, vector<16xf32>,
        %parallel_loop3A_416 = arith.addf %parallel_loop3A_408, %parallel_loop3A_415 : vector<16xf32>
        %parallel_loop3A_417 = arith.constant 0.000000e+00 : f32
        %parallel_loop3A_418 = vector.broadcast %parallel_loop3A_417 : f32 to vector<16xf32>
        %parallel_loop3A_419 = arith.maximumf %parallel_loop3A_416, %parallel_loop3A_418 : vector<16xf32>
        %parallel_loop3A_420 = arith.mulf %parallel_loop3A_419, %get3A_25 : vector<16xf32>
        %parallel_loop3A_421 = arith.constant 0 : i32
        %parallel_loop3A_422 = arith.constant 0 : i32
        %parallel_loop3A_423 = tpu.memref_slice %arg11[%parallel_loop3A_238, %parallel_loop3A_421, %parallel_loop3A_422] : memref<4x80x128xf32, #tpu.memory_space<vmem>> -> memref<1x80x128xf32, #tpu.memory_space<vmem>>
        %parallel_loop3A_424 = tpu.memref_squeeze %parallel_loop3A_423 : memref<1x80x128xf32, #tpu.memory_space<vmem>> -> memref<80x128xf32, #tpu.memory_space<vmem>>
        %parallel_loop3A_425 = arith.index_cast %parallel_loop3A_344 : i32 to index
        %parallel_loop3A_426 = arith.constant 64 : index
        %parallel_loop3A_427 = tpu.vector_load %parallel_loop3A_424[%parallel_loop3A_425, %parallel_loop3A_426] {strides = array<i32>} : memref<80x128xf32, #tpu.memory_space<vmem>>, vector<16xf32>,
        %parallel_loop3A_428 = arith.constant 0 : i32
        %parallel_loop3A_429 = arith.constant 0 : i32
        %parallel_loop3A_430 = tpu.memref_slice %arg12[%parallel_loop3A_239, %parallel_loop3A_428, %parallel_loop3A_429] : memref<4x80x128xf32, #tpu.memory_space<vmem>> -> memref<1x80x128xf32, #tpu.memory_space<vmem>>
        %parallel_loop3A_431 = tpu.memref_squeeze %parallel_loop3A_430 : memref<1x80x128xf32, #tpu.memory_space<vmem>> -> memref<80x128xf32, #tpu.memory_space<vmem>>
        %parallel_loop3A_432 = arith.index_cast %parallel_loop3A_344 : i32 to index
        %parallel_loop3A_433 = arith.constant 64 : index
        %parallel_loop3A_434 = tpu.vector_load %parallel_loop3A_431[%parallel_loop3A_432, %parallel_loop3A_433] {strides = array<i32>} : memref<80x128xf32, #tpu.memory_space<vmem>>, vector<16xf32>,
        %parallel_loop3A_435 = arith.addf %parallel_loop3A_427, %parallel_loop3A_434 : vector<16xf32>
        %parallel_loop3A_436 = arith.constant 0.000000e+00 : f32
        %parallel_loop3A_437 = vector.broadcast %parallel_loop3A_436 : f32 to vector<16xf32>
        %parallel_loop3A_438 = arith.maximumf %parallel_loop3A_435, %parallel_loop3A_437 : vector<16xf32>
        %parallel_loop3A_439 = arith.mulf %parallel_loop3A_438, %get3A_27 : vector<16xf32>
        %parallel_loop3A_440 = arith.constant 0 : i32
        %parallel_loop3A_441 = arith.constant 0 : i32
        %parallel_loop3A_442 = tpu.memref_slice %arg11[%parallel_loop3A_238, %parallel_loop3A_440, %parallel_loop3A_441] : memref<4x80x128xf32, #tpu.memory_space<vmem>> -> memref<1x80x128xf32, #tpu.memory_space<vmem>>
        %parallel_loop3A_443 = tpu.memref_squeeze %parallel_loop3A_442 : memref<1x80x128xf32, #tpu.memory_space<vmem>> -> memref<80x128xf32, #tpu.memory_space<vmem>>
        %parallel_loop3A_444 = arith.index_cast %parallel_loop3A_344 : i32 to index
        %parallel_loop3A_445 = arith.constant 80 : index
        %parallel_loop3A_446 = tpu.vector_load %parallel_loop3A_443[%parallel_loop3A_444, %parallel_loop3A_445] {strides = array<i32>} : memref<80x128xf32, #tpu.memory_space<vmem>>, vector<16xf32>,
        %parallel_loop3A_447 = arith.constant 0 : i32
        %parallel_loop3A_448 = arith.constant 0 : i32
        %parallel_loop3A_449 = tpu.memref_slice %arg12[%parallel_loop3A_239, %parallel_loop3A_447, %parallel_loop3A_448] : memref<4x80x128xf32, #tpu.memory_space<vmem>> -> memref<1x80x128xf32, #tpu.memory_space<vmem>>
        %parallel_loop3A_450 = tpu.memref_squeeze %parallel_loop3A_449 : memref<1x80x128xf32, #tpu.memory_space<vmem>> -> memref<80x128xf32, #tpu.memory_space<vmem>>
        %parallel_loop3A_451 = arith.index_cast %parallel_loop3A_344 : i32 to index
        %parallel_loop3A_452 = arith.constant 80 : index
        %parallel_loop3A_453 = tpu.vector_load %parallel_loop3A_450[%parallel_loop3A_451, %parallel_loop3A_452] {strides = array<i32>} : memref<80x128xf32, #tpu.memory_space<vmem>>, vector<16xf32>,
        %parallel_loop3A_454 = arith.addf %parallel_loop3A_446, %parallel_loop3A_453 : vector<16xf32>
        %parallel_loop3A_455 = arith.constant 0.000000e+00 : f32
        %parallel_loop3A_456 = vector.broadcast %parallel_loop3A_455 : f32 to vector<16xf32>
        %parallel_loop3A_457 = arith.maximumf %parallel_loop3A_454, %parallel_loop3A_456 : vector<16xf32>
        %parallel_loop3A_458 = arith.mulf %parallel_loop3A_457, %get3A_29 : vector<16xf32>
        %parallel_loop3A_459 = arith.constant 0 : i32
        %parallel_loop3A_460 = arith.constant 0 : i32
        %parallel_loop3A_461 = tpu.memref_slice %arg11[%parallel_loop3A_238, %parallel_loop3A_459, %parallel_loop3A_460] : memref<4x80x128xf32, #tpu.memory_space<vmem>> -> memref<1x80x128xf32, #tpu.memory_space<vmem>>
        %parallel_loop3A_462 = tpu.memref_squeeze %parallel_loop3A_461 : memref<1x80x128xf32, #tpu.memory_space<vmem>> -> memref<80x128xf32, #tpu.memory_space<vmem>>
        %parallel_loop3A_463 = arith.index_cast %parallel_loop3A_344 : i32 to index
        %parallel_loop3A_464 = arith.constant 96 : index
        %parallel_loop3A_465 = tpu.vector_load %parallel_loop3A_462[%parallel_loop3A_463, %parallel_loop3A_464] {strides = array<i32>} : memref<80x128xf32, #tpu.memory_space<vmem>>, vector<16xf32>,
        %parallel_loop3A_466 = arith.constant 0 : i32
        %parallel_loop3A_467 = arith.constant 0 : i32
        %parallel_loop3A_468 = tpu.memref_slice %arg12[%parallel_loop3A_239, %parallel_loop3A_466, %parallel_loop3A_467] : memref<4x80x128xf32, #tpu.memory_space<vmem>> -> memref<1x80x128xf32, #tpu.memory_space<vmem>>
        %parallel_loop3A_469 = tpu.memref_squeeze %parallel_loop3A_468 : memref<1x80x128xf32, #tpu.memory_space<vmem>> -> memref<80x128xf32, #tpu.memory_space<vmem>>
        %parallel_loop3A_470 = arith.index_cast %parallel_loop3A_344 : i32 to index
        %parallel_loop3A_471 = arith.constant 96 : index
        %parallel_loop3A_472 = tpu.vector_load %parallel_loop3A_469[%parallel_loop3A_470, %parallel_loop3A_471] {strides = array<i32>} : memref<80x128xf32, #tpu.memory_space<vmem>>, vector<16xf32>,
        %parallel_loop3A_473 = arith.addf %parallel_loop3A_465, %parallel_loop3A_472 : vector<16xf32>
        %parallel_loop3A_474 = arith.constant 0.000000e+00 : f32
        %parallel_loop3A_475 = vector.broadcast %parallel_loop3A_474 : f32 to vector<16xf32>
        %parallel_loop3A_476 = arith.maximumf %parallel_loop3A_473, %parallel_loop3A_475 : vector<16xf32>
        %parallel_loop3A_477 = arith.mulf %parallel_loop3A_476, %get3A_31 : vector<16xf32>
        %parallel_loop3A_478 = arith.constant 0 : i32
        %parallel_loop3A_479 = arith.constant 0 : i32
        %parallel_loop3A_480 = tpu.memref_slice %arg11[%parallel_loop3A_238, %parallel_loop3A_478, %parallel_loop3A_479] : memref<4x80x128xf32, #tpu.memory_space<vmem>> -> memref<1x80x128xf32, #tpu.memory_space<vmem>>
        %parallel_loop3A_481 = tpu.memref_squeeze %parallel_loop3A_480 : memref<1x80x128xf32, #tpu.memory_space<vmem>> -> memref<80x128xf32, #tpu.memory_space<vmem>>
        %parallel_loop3A_482 = arith.index_cast %parallel_loop3A_344 : i32 to index
        %parallel_loop3A_483 = arith.constant 112 : index
        %parallel_loop3A_484 = tpu.vector_load %parallel_loop3A_481[%parallel_loop3A_482, %parallel_loop3A_483] {strides = array<i32>} : memref<80x128xf32, #tpu.memory_space<vmem>>, vector<16xf32>,
        %parallel_loop3A_485 = arith.constant 0 : i32
        %parallel_loop3A_486 = arith.constant 0 : i32
        %parallel_loop3A_487 = tpu.memref_slice %arg12[%parallel_loop3A_239, %parallel_loop3A_485, %parallel_loop3A_486] : memref<4x80x128xf32, #tpu.memory_space<vmem>> -> memref<1x80x128xf32, #tpu.memory_space<vmem>>
        %parallel_loop3A_488 = tpu.memref_squeeze %parallel_loop3A_487 : memref<1x80x128xf32, #tpu.memory_space<vmem>> -> memref<80x128xf32, #tpu.memory_space<vmem>>
        %parallel_loop3A_489 = arith.index_cast %parallel_loop3A_344 : i32 to index
        %parallel_loop3A_490 = arith.constant 112 : index
        %parallel_loop3A_491 = tpu.vector_load %parallel_loop3A_488[%parallel_loop3A_489, %parallel_loop3A_490] {strides = array<i32>} : memref<80x128xf32, #tpu.memory_space<vmem>>, vector<16xf32>,
        %parallel_loop3A_492 = arith.addf %parallel_loop3A_484, %parallel_loop3A_491 : vector<16xf32>
        %parallel_loop3A_493 = arith.constant 0.000000e+00 : f32
        %parallel_loop3A_494 = vector.broadcast %parallel_loop3A_493 : f32 to vector<16xf32>
        %parallel_loop3A_495 = arith.maximumf %parallel_loop3A_492, %parallel_loop3A_494 : vector<16xf32>
        %parallel_loop3A_496 = arith.mulf %parallel_loop3A_495, %get3A_33 : vector<16xf32>
        %parallel_loop3A_497 = arith.addf %parallel_loop3A_363, %parallel_loop3A_382 : vector<16xf32>
        %parallel_loop3A_498 = arith.addf %parallel_loop3A_401, %parallel_loop3A_420 : vector<16xf32>
        %parallel_loop3A_499 = arith.addf %parallel_loop3A_439, %parallel_loop3A_458 : vector<16xf32>
        %parallel_loop3A_500 = arith.addf %parallel_loop3A_477, %parallel_loop3A_496 : vector<16xf32>
        %parallel_loop3A_501 = arith.addf %parallel_loop3A_497, %parallel_loop3A_498 : vector<16xf32>
        %parallel_loop3A_502 = arith.addf %parallel_loop3A_499, %parallel_loop3A_500 : vector<16xf32>
        %parallel_loop3A_503 = arith.addf %parallel_loop3A_501, %parallel_loop3A_502 : vector<16xf32>
        %parallel_loop3A_504 = arith.addf %parallel_loop3A_503, %select_n3A : vector<16xf32>
        %parallel_loop3A_505 = arith.constant 0 : i32
        %parallel_loop3A_506 = vector.broadcast %parallel_loop3A_505 : i32 to vector<16xi32>
        %parallel_loop3A_507 = arith.cmpi slt, %xor3A_6, %parallel_loop3A_506 : vector<16xi32>
        %parallel_loop3A_508 = arith.constant 16 : i32
        %parallel_loop3A_509 = vector.broadcast %parallel_loop3A_508 : i32 to vector<16xi32>
        %parallel_loop3A_510 = arith.addi %xor3A_6, %parallel_loop3A_509 : vector<16xi32>
        %parallel_loop3A_511 = arith.select %parallel_loop3A_507, %parallel_loop3A_510, %xor3A_6 : vector<16xi1>, vector<16xi32>
        %parallel_loop3A_512 = vector.shape_cast %parallel_loop3A_511 : vector<16xi32> to vector<16x1xi32>
        %parallel_loop3A_513 = vector.shape_cast %parallel_loop3A_512 : vector<16x1xi32> to vector<16xi32>
        %parallel_loop3A_514 = tpu.dynamic_gather %parallel_loop3A_504[%parallel_loop3A_513] in [0] : vector<16xf32>, vector<16xi32> -> vector<16xf32>
        %parallel_loop3A_515 = arith.addf %parallel_loop3A_504, %parallel_loop3A_514 : vector<16xf32>
        %parallel_loop3A_516 = arith.constant 0 : i32
        %parallel_loop3A_517 = vector.broadcast %parallel_loop3A_516 : i32 to vector<16xi32>
        %parallel_loop3A_518 = arith.cmpi slt, %xor3A_9, %parallel_loop3A_517 : vector<16xi32>
        %parallel_loop3A_519 = arith.constant 16 : i32
        %parallel_loop3A_520 = vector.broadcast %parallel_loop3A_519 : i32 to vector<16xi32>
        %parallel_loop3A_521 = arith.addi %xor3A_9, %parallel_loop3A_520 : vector<16xi32>
        %parallel_loop3A_522 = arith.select %parallel_loop3A_518, %parallel_loop3A_521, %xor3A_9 : vector<16xi1>, vector<16xi32>
        %parallel_loop3A_523 = vector.shape_cast %parallel_loop3A_522 : vector<16xi32> to vector<16x1xi32>
        %parallel_loop3A_524 = vector.shape_cast %parallel_loop3A_523 : vector<16x1xi32> to vector<16xi32>
        %parallel_loop3A_525 = tpu.dynamic_gather %parallel_loop3A_515[%parallel_loop3A_524] in [0] : vector<16xf32>, vector<16xi32> -> vector<16xf32>
        %parallel_loop3A_526 = arith.addf %parallel_loop3A_515, %parallel_loop3A_525 : vector<16xf32>
        %parallel_loop3A_527 = arith.constant 0 : i32
        %parallel_loop3A_528 = vector.broadcast %parallel_loop3A_527 : i32 to vector<16xi32>
        %parallel_loop3A_529 = arith.cmpi slt, %xor3A_12, %parallel_loop3A_528 : vector<16xi32>
        %parallel_loop3A_530 = arith.constant 16 : i32
        %parallel_loop3A_531 = vector.broadcast %parallel_loop3A_530 : i32 to vector<16xi32>
        %parallel_loop3A_532 = arith.addi %xor3A_12, %parallel_loop3A_531 : vector<16xi32>
        %parallel_loop3A_533 = arith.select %parallel_loop3A_529, %parallel_loop3A_532, %xor3A_12 : vector<16xi1>, vector<16xi32>
        %parallel_loop3A_534 = vector.shape_cast %parallel_loop3A_533 : vector<16xi32> to vector<16x1xi32>
        %parallel_loop3A_535 = vector.shape_cast %parallel_loop3A_534 : vector<16x1xi32> to vector<16xi32>
        %parallel_loop3A_536 = tpu.dynamic_gather %parallel_loop3A_526[%parallel_loop3A_535] in [0] : vector<16xf32>, vector<16xi32> -> vector<16xf32>
        %parallel_loop3A_537 = arith.addf %parallel_loop3A_526, %parallel_loop3A_536 : vector<16xf32>
        %parallel_loop3A_538 = arith.constant 0 : i32
        %parallel_loop3A_539 = vector.broadcast %parallel_loop3A_538 : i32 to vector<16xi32>
        %parallel_loop3A_540 = arith.cmpi slt, %xor3A_15, %parallel_loop3A_539 : vector<16xi32>
        %parallel_loop3A_541 = arith.constant 16 : i32
        %parallel_loop3A_542 = vector.broadcast %parallel_loop3A_541 : i32 to vector<16xi32>
        %parallel_loop3A_543 = arith.addi %xor3A_15, %parallel_loop3A_542 : vector<16xi32>
        %parallel_loop3A_544 = arith.select %parallel_loop3A_540, %parallel_loop3A_543, %xor3A_15 : vector<16xi1>, vector<16xi32>
        %parallel_loop3A_545 = vector.shape_cast %parallel_loop3A_544 : vector<16xi32> to vector<16x1xi32>
        %parallel_loop3A_546 = vector.shape_cast %parallel_loop3A_545 : vector<16x1xi32> to vector<16xi32>
        %parallel_loop3A_547 = tpu.dynamic_gather %parallel_loop3A_537[%parallel_loop3A_546] in [0] : vector<16xf32>, vector<16xi32> -> vector<16xf32>
        %parallel_loop3A_548 = arith.addf %parallel_loop3A_537, %parallel_loop3A_547 : vector<16xf32>
        %parallel_loop3A_549 = arith.addi %mul3A_234, %parallel_loop3A_344 : i32
        %parallel_loop3A_550 = vector.broadcast %parallel_loop3A_549 : i32 to vector<16xi32>
        tpu.vector_store_idx %arg15[%parallel_loop3A_550], %parallel_loop3A_548 masked %eq3A_4 : memref<10000xf32, #tpu.memory_space<vmem>>[vector<16xi32>], vector<16xf32>, vector<16xi1>
      } {sc.loop_unroll_factor = 4 : i64, sc.parallel_access}
      %add3A_240 = arith.constant 4 : i32
      %add3A_241 = arith.addi %add3A_202, %add3A_240 : i32
      %lt3A_242 = arith.constant 125 : i32
      %lt3A_243 = arith.cmpi slt, %add3A_241, %lt3A_242 : i32
      %convert_element_type3A_244 = arith.extui %lt3A_243 : i1 to i32
      %cond3A_245 = arith.constant 0 : i32
      %cond3A_246 = arith.cmpi ne, %convert_element_type3A_244, %cond3A_245 : i32
      scf.if %cond3A_246 {
        %add3A_344 = arith.constant 4 : i32
        %add3A_345 = arith.addi %add3A_202, %add3A_344 : i32
        %mul3A_346 = arith.constant 80 : i32
        %mul3A_347 = arith.muli %add3A_345, %mul3A_346 : i32
        %dma_start3A_348 = arith.constant 1 : i32
        %dma_start3A_349 = arith.constant 0 : i32
        %dma_start3A_350 = arith.constant 0 : i32
        %dma_start3A_351 = tpu.memref_slice %arg11[%dma_start3A_348, %dma_start3A_349, %dma_start3A_350] : memref<4x80x128xf32, #tpu.memory_space<vmem>> -> memref<1x80x128xf32, #tpu.memory_space<vmem>>
        %dma_start3A_352 = tpu.memref_squeeze %dma_start3A_351 : memref<1x80x128xf32, #tpu.memory_space<vmem>> -> memref<80x128xf32, #tpu.memory_space<vmem>>
        %dma_start3A_353 = tpu.memref_slice %arg9[%mul3A_347] : memref<10000xi32, #tpu.memory_space<vmem>> -> memref<80xi32, #tpu.memory_space<vmem>>
        %dma_start3A_354 = arith.constant 0 : i32
        %dma_start3A_355 = arith.constant 0 : i32
        %dma_start3A_356 = tpu.memref_slice %arg2[%dma_start3A_354, %dma_start3A_355] : memref<10000x128xf32, #tpu.memory_space<hbm>> -> memref<10000x128xf32, #tpu.memory_space<hbm>>
        tpu.enqueue_indirect_dma source(%dma_start3A_356 : memref<10000x128xf32, #tpu.memory_space<hbm>>) target(%dma_start3A_352 : memref<80x128xf32, #tpu.memory_space<vmem>>) offsets(%dma_start3A_353 : memref<80xi32, #tpu.memory_space<vmem>>) semaphore(%arg17 : memref<!tpu.dma_semaphore, #tpu.memory_space<semaphore_mem>>)
        %dma_start3A_357 = arith.constant 1 : i32
        %dma_start3A_358 = arith.constant 0 : i32
        %dma_start3A_359 = arith.constant 0 : i32
        %dma_start3A_360 = tpu.memref_slice %arg12[%dma_start3A_357, %dma_start3A_358, %dma_start3A_359] : memref<4x80x128xf32, #tpu.memory_space<vmem>> -> memref<1x80x128xf32, #tpu.memory_space<vmem>>
        %dma_start3A_361 = tpu.memref_squeeze %dma_start3A_360 : memref<1x80x128xf32, #tpu.memory_space<vmem>> -> memref<80x128xf32, #tpu.memory_space<vmem>>
        %dma_start3A_362 = tpu.memref_slice %arg10[%mul3A_347] : memref<10000xi32, #tpu.memory_space<vmem>> -> memref<80xi32, #tpu.memory_space<vmem>>
        %dma_start3A_363 = arith.constant 0 : i32
        %dma_start3A_364 = arith.constant 0 : i32
        %dma_start3A_365 = tpu.memref_slice %arg3[%dma_start3A_363, %dma_start3A_364] : memref<10000x128xf32, #tpu.memory_space<hbm>> -> memref<10000x128xf32, #tpu.memory_space<hbm>>
        tpu.enqueue_indirect_dma source(%dma_start3A_365 : memref<10000x128xf32, #tpu.memory_space<hbm>>) target(%dma_start3A_361 : memref<80x128xf32, #tpu.memory_space<vmem>>) offsets(%dma_start3A_362 : memref<80xi32, #tpu.memory_space<vmem>>) semaphore(%arg21 : memref<!tpu.dma_semaphore, #tpu.memory_space<semaphore_mem>>)
      } else {
      }
      %mul3A_247 = arith.constant 4 : i32
      %mul3A_248 = arith.muli %scan3A_152, %mul3A_247 : i32
      %add3A_249 = arith.constant 2 : i32
      %add3A_250 = arith.addi %mul3A_248, %add3A_249 : i32
      %dma_wait3A_251 = arith.constant 2 : i32
      %dma_wait3A_252 = arith.constant 0 : i32
      %dma_wait3A_253 = arith.constant 0 : i32
      %dma_wait3A_254 = tpu.memref_slice %arg11[%dma_wait3A_251, %dma_wait3A_252, %dma_wait3A_253] : memref<4x80x128xf32, #tpu.memory_space<vmem>> -> memref<1x80x128xf32, #tpu.memory_space<vmem>>
      %dma_wait3A_255 = tpu.memref_squeeze %dma_wait3A_254 : memref<1x80x128xf32, #tpu.memory_space<vmem>> -> memref<80x128xf32, #tpu.memory_space<vmem>>
      %dma_wait3A_256 = arith.constant 0 : i32
      %dma_wait3A_257 = arith.constant 0 : i32
      %dma_wait3A_258 = tpu.memref_slice %arg2[%dma_wait3A_256, %dma_wait3A_257] : memref<10000x128xf32, #tpu.memory_space<hbm>> -> memref<80x128xf32, #tpu.memory_space<hbm>>
      %dma_wait3A_259 = arith.constant 0 : i32
      %dma_wait3A_260 = arith.constant 0 : i32
      %dma_wait3A_261 = tpu.memref_slice %arg11[%dma_wait3A_251, %dma_wait3A_259, %dma_wait3A_260] : memref<4x80x128xf32, #tpu.memory_space<vmem>> -> memref<1x80x128xf32, #tpu.memory_space<vmem>>
      %dma_wait3A_262 = tpu.memref_squeeze %dma_wait3A_261 : memref<1x80x128xf32, #tpu.memory_space<vmem>> -> memref<80x128xf32, #tpu.memory_space<vmem>>
      %dma_wait3A_263 = arith.constant 0 : i32
      %dma_wait3A_264 = arith.constant 0 : i32
      %dma_wait3A_265 = tpu.memref_slice %arg2[%dma_wait3A_263, %dma_wait3A_264] : memref<10000x128xf32, #tpu.memory_space<hbm>> -> memref<80x128xf32, #tpu.memory_space<hbm>>
      tpu.wait_dma2 semaphore(%arg18 : memref<!tpu.dma_semaphore, #tpu.memory_space<semaphore_mem>>) src(%dma_wait3A_265 : memref<80x128xf32, #tpu.memory_space<hbm>>) dst(%dma_wait3A_262 : memref<80x128xf32, #tpu.memory_space<vmem>>)
      %dma_wait3A_266 = arith.constant 2 : i32
      %dma_wait3A_267 = arith.constant 0 : i32
      %dma_wait3A_268 = arith.constant 0 : i32
      %dma_wait3A_269 = tpu.memref_slice %arg12[%dma_wait3A_266, %dma_wait3A_267, %dma_wait3A_268] : memref<4x80x128xf32, #tpu.memory_space<vmem>> -> memref<1x80x128xf32, #tpu.memory_space<vmem>>
      %dma_wait3A_270 = tpu.memref_squeeze %dma_wait3A_269 : memref<1x80x128xf32, #tpu.memory_space<vmem>> -> memref<80x128xf32, #tpu.memory_space<vmem>>
      %dma_wait3A_271 = arith.constant 0 : i32
      %dma_wait3A_272 = arith.constant 0 : i32
      %dma_wait3A_273 = tpu.memref_slice %arg3[%dma_wait3A_271, %dma_wait3A_272] : memref<10000x128xf32, #tpu.memory_space<hbm>> -> memref<80x128xf32, #tpu.memory_space<hbm>>
      %dma_wait3A_274 = arith.constant 0 : i32
      %dma_wait3A_275 = arith.constant 0 : i32
      %dma_wait3A_276 = tpu.memref_slice %arg12[%dma_wait3A_266, %dma_wait3A_274, %dma_wait3A_275] : memref<4x80x128xf32, #tpu.memory_space<vmem>> -> memref<1x80x128xf32, #tpu.memory_space<vmem>>
      %dma_wait3A_277 = tpu.memref_squeeze %dma_wait3A_276 : memref<1x80x128xf32, #tpu.memory_space<vmem>> -> memref<80x128xf32, #tpu.memory_space<vmem>>
      %dma_wait3A_278 = arith.constant 0 : i32
      %dma_wait3A_279 = arith.constant 0 : i32
      %dma_wait3A_280 = tpu.memref_slice %arg3[%dma_wait3A_278, %dma_wait3A_279] : memref<10000x128xf32, #tpu.memory_space<hbm>> -> memref<80x128xf32, #tpu.memory_space<hbm>>
      tpu.wait_dma2 semaphore(%arg22 : memref<!tpu.dma_semaphore, #tpu.memory_space<semaphore_mem>>) src(%dma_wait3A_280 : memref<80x128xf32, #tpu.memory_space<hbm>>) dst(%dma_wait3A_277 : memref<80x128xf32, #tpu.memory_space<vmem>>)
      %mul3A_281 = arith.constant 80 : i32
      %mul3A_282 = arith.muli %add3A_250, %mul3A_281 : i32
      %parallel_loop3A_283 = arith.constant 0 : i32
      %parallel_loop3A_284 = arith.constant 80 : i32
      %parallel_loop3A_285 = arith.constant 1 : i32
      %parallel_loop3A_286 = arith.constant 2 : i32
      %parallel_loop3A_287 = arith.constant 2 : i32
      scf.for %parallel_loop3A_344 = %parallel_loop3A_283 to %parallel_loop3A_284 step %parallel_loop3A_285  : i32 {
        %parallel_loop3A_345 = arith.constant 0 : i32
        %parallel_loop3A_346 = arith.constant 0 : i32
        %parallel_loop3A_347 = tpu.memref_slice %arg11[%parallel_loop3A_286, %parallel_loop3A_345, %parallel_loop3A_346] : memref<4x80x128xf32, #tpu.memory_space<vmem>> -> memref<1x80x128xf32, #tpu.memory_space<vmem>>
        %parallel_loop3A_348 = tpu.memref_squeeze %parallel_loop3A_347 : memref<1x80x128xf32, #tpu.memory_space<vmem>> -> memref<80x128xf32, #tpu.memory_space<vmem>>
        %parallel_loop3A_349 = arith.index_cast %parallel_loop3A_344 : i32 to index
        %parallel_loop3A_350 = arith.constant 0 : index
        %parallel_loop3A_351 = tpu.vector_load %parallel_loop3A_348[%parallel_loop3A_349, %parallel_loop3A_350] {strides = array<i32>} : memref<80x128xf32, #tpu.memory_space<vmem>>, vector<16xf32>,
        %parallel_loop3A_352 = arith.constant 0 : i32
        %parallel_loop3A_353 = arith.constant 0 : i32
        %parallel_loop3A_354 = tpu.memref_slice %arg12[%parallel_loop3A_287, %parallel_loop3A_352, %parallel_loop3A_353] : memref<4x80x128xf32, #tpu.memory_space<vmem>> -> memref<1x80x128xf32, #tpu.memory_space<vmem>>
        %parallel_loop3A_355 = tpu.memref_squeeze %parallel_loop3A_354 : memref<1x80x128xf32, #tpu.memory_space<vmem>> -> memref<80x128xf32, #tpu.memory_space<vmem>>
        %parallel_loop3A_356 = arith.index_cast %parallel_loop3A_344 : i32 to index
        %parallel_loop3A_357 = arith.constant 0 : index
        %parallel_loop3A_358 = tpu.vector_load %parallel_loop3A_355[%parallel_loop3A_356, %parallel_loop3A_357] {strides = array<i32>} : memref<80x128xf32, #tpu.memory_space<vmem>>, vector<16xf32>,
        %parallel_loop3A_359 = arith.addf %parallel_loop3A_351, %parallel_loop3A_358 : vector<16xf32>
        %parallel_loop3A_360 = arith.constant 0.000000e+00 : f32
        %parallel_loop3A_361 = vector.broadcast %parallel_loop3A_360 : f32 to vector<16xf32>
        %parallel_loop3A_362 = arith.maximumf %parallel_loop3A_359, %parallel_loop3A_361 : vector<16xf32>
        %parallel_loop3A_363 = arith.mulf %parallel_loop3A_362, %get3A_19 : vector<16xf32>
        %parallel_loop3A_364 = arith.constant 0 : i32
        %parallel_loop3A_365 = arith.constant 0 : i32
        %parallel_loop3A_366 = tpu.memref_slice %arg11[%parallel_loop3A_286, %parallel_loop3A_364, %parallel_loop3A_365] : memref<4x80x128xf32, #tpu.memory_space<vmem>> -> memref<1x80x128xf32, #tpu.memory_space<vmem>>
        %parallel_loop3A_367 = tpu.memref_squeeze %parallel_loop3A_366 : memref<1x80x128xf32, #tpu.memory_space<vmem>> -> memref<80x128xf32, #tpu.memory_space<vmem>>
        %parallel_loop3A_368 = arith.index_cast %parallel_loop3A_344 : i32 to index
        %parallel_loop3A_369 = arith.constant 16 : index
        %parallel_loop3A_370 = tpu.vector_load %parallel_loop3A_367[%parallel_loop3A_368, %parallel_loop3A_369] {strides = array<i32>} : memref<80x128xf32, #tpu.memory_space<vmem>>, vector<16xf32>,
        %parallel_loop3A_371 = arith.constant 0 : i32
        %parallel_loop3A_372 = arith.constant 0 : i32
        %parallel_loop3A_373 = tpu.memref_slice %arg12[%parallel_loop3A_287, %parallel_loop3A_371, %parallel_loop3A_372] : memref<4x80x128xf32, #tpu.memory_space<vmem>> -> memref<1x80x128xf32, #tpu.memory_space<vmem>>
        %parallel_loop3A_374 = tpu.memref_squeeze %parallel_loop3A_373 : memref<1x80x128xf32, #tpu.memory_space<vmem>> -> memref<80x128xf32, #tpu.memory_space<vmem>>
        %parallel_loop3A_375 = arith.index_cast %parallel_loop3A_344 : i32 to index
        %parallel_loop3A_376 = arith.constant 16 : index
        %parallel_loop3A_377 = tpu.vector_load %parallel_loop3A_374[%parallel_loop3A_375, %parallel_loop3A_376] {strides = array<i32>} : memref<80x128xf32, #tpu.memory_space<vmem>>, vector<16xf32>,
        %parallel_loop3A_378 = arith.addf %parallel_loop3A_370, %parallel_loop3A_377 : vector<16xf32>
        %parallel_loop3A_379 = arith.constant 0.000000e+00 : f32
        %parallel_loop3A_380 = vector.broadcast %parallel_loop3A_379 : f32 to vector<16xf32>
        %parallel_loop3A_381 = arith.maximumf %parallel_loop3A_378, %parallel_loop3A_380 : vector<16xf32>
        %parallel_loop3A_382 = arith.mulf %parallel_loop3A_381, %get3A_21 : vector<16xf32>
        %parallel_loop3A_383 = arith.constant 0 : i32
        %parallel_loop3A_384 = arith.constant 0 : i32
        %parallel_loop3A_385 = tpu.memref_slice %arg11[%parallel_loop3A_286, %parallel_loop3A_383, %parallel_loop3A_384] : memref<4x80x128xf32, #tpu.memory_space<vmem>> -> memref<1x80x128xf32, #tpu.memory_space<vmem>>
        %parallel_loop3A_386 = tpu.memref_squeeze %parallel_loop3A_385 : memref<1x80x128xf32, #tpu.memory_space<vmem>> -> memref<80x128xf32, #tpu.memory_space<vmem>>
        %parallel_loop3A_387 = arith.index_cast %parallel_loop3A_344 : i32 to index
        %parallel_loop3A_388 = arith.constant 32 : index
        %parallel_loop3A_389 = tpu.vector_load %parallel_loop3A_386[%parallel_loop3A_387, %parallel_loop3A_388] {strides = array<i32>} : memref<80x128xf32, #tpu.memory_space<vmem>>, vector<16xf32>,
        %parallel_loop3A_390 = arith.constant 0 : i32
        %parallel_loop3A_391 = arith.constant 0 : i32
        %parallel_loop3A_392 = tpu.memref_slice %arg12[%parallel_loop3A_287, %parallel_loop3A_390, %parallel_loop3A_391] : memref<4x80x128xf32, #tpu.memory_space<vmem>> -> memref<1x80x128xf32, #tpu.memory_space<vmem>>
        %parallel_loop3A_393 = tpu.memref_squeeze %parallel_loop3A_392 : memref<1x80x128xf32, #tpu.memory_space<vmem>> -> memref<80x128xf32, #tpu.memory_space<vmem>>
        %parallel_loop3A_394 = arith.index_cast %parallel_loop3A_344 : i32 to index
        %parallel_loop3A_395 = arith.constant 32 : index
        %parallel_loop3A_396 = tpu.vector_load %parallel_loop3A_393[%parallel_loop3A_394, %parallel_loop3A_395] {strides = array<i32>} : memref<80x128xf32, #tpu.memory_space<vmem>>, vector<16xf32>,
        %parallel_loop3A_397 = arith.addf %parallel_loop3A_389, %parallel_loop3A_396 : vector<16xf32>
        %parallel_loop3A_398 = arith.constant 0.000000e+00 : f32
        %parallel_loop3A_399 = vector.broadcast %parallel_loop3A_398 : f32 to vector<16xf32>
        %parallel_loop3A_400 = arith.maximumf %parallel_loop3A_397, %parallel_loop3A_399 : vector<16xf32>
        %parallel_loop3A_401 = arith.mulf %parallel_loop3A_400, %get3A_23 : vector<16xf32>
        %parallel_loop3A_402 = arith.constant 0 : i32
        %parallel_loop3A_403 = arith.constant 0 : i32
        %parallel_loop3A_404 = tpu.memref_slice %arg11[%parallel_loop3A_286, %parallel_loop3A_402, %parallel_loop3A_403] : memref<4x80x128xf32, #tpu.memory_space<vmem>> -> memref<1x80x128xf32, #tpu.memory_space<vmem>>
        %parallel_loop3A_405 = tpu.memref_squeeze %parallel_loop3A_404 : memref<1x80x128xf32, #tpu.memory_space<vmem>> -> memref<80x128xf32, #tpu.memory_space<vmem>>
        %parallel_loop3A_406 = arith.index_cast %parallel_loop3A_344 : i32 to index
        %parallel_loop3A_407 = arith.constant 48 : index
        %parallel_loop3A_408 = tpu.vector_load %parallel_loop3A_405[%parallel_loop3A_406, %parallel_loop3A_407] {strides = array<i32>} : memref<80x128xf32, #tpu.memory_space<vmem>>, vector<16xf32>,
        %parallel_loop3A_409 = arith.constant 0 : i32
        %parallel_loop3A_410 = arith.constant 0 : i32
        %parallel_loop3A_411 = tpu.memref_slice %arg12[%parallel_loop3A_287, %parallel_loop3A_409, %parallel_loop3A_410] : memref<4x80x128xf32, #tpu.memory_space<vmem>> -> memref<1x80x128xf32, #tpu.memory_space<vmem>>
        %parallel_loop3A_412 = tpu.memref_squeeze %parallel_loop3A_411 : memref<1x80x128xf32, #tpu.memory_space<vmem>> -> memref<80x128xf32, #tpu.memory_space<vmem>>
        %parallel_loop3A_413 = arith.index_cast %parallel_loop3A_344 : i32 to index
        %parallel_loop3A_414 = arith.constant 48 : index
        %parallel_loop3A_415 = tpu.vector_load %parallel_loop3A_412[%parallel_loop3A_413, %parallel_loop3A_414] {strides = array<i32>} : memref<80x128xf32, #tpu.memory_space<vmem>>, vector<16xf32>,
        %parallel_loop3A_416 = arith.addf %parallel_loop3A_408, %parallel_loop3A_415 : vector<16xf32>
        %parallel_loop3A_417 = arith.constant 0.000000e+00 : f32
        %parallel_loop3A_418 = vector.broadcast %parallel_loop3A_417 : f32 to vector<16xf32>
        %parallel_loop3A_419 = arith.maximumf %parallel_loop3A_416, %parallel_loop3A_418 : vector<16xf32>
        %parallel_loop3A_420 = arith.mulf %parallel_loop3A_419, %get3A_25 : vector<16xf32>
        %parallel_loop3A_421 = arith.constant 0 : i32
        %parallel_loop3A_422 = arith.constant 0 : i32
        %parallel_loop3A_423 = tpu.memref_slice %arg11[%parallel_loop3A_286, %parallel_loop3A_421, %parallel_loop3A_422] : memref<4x80x128xf32, #tpu.memory_space<vmem>> -> memref<1x80x128xf32, #tpu.memory_space<vmem>>
        %parallel_loop3A_424 = tpu.memref_squeeze %parallel_loop3A_423 : memref<1x80x128xf32, #tpu.memory_space<vmem>> -> memref<80x128xf32, #tpu.memory_space<vmem>>
        %parallel_loop3A_425 = arith.index_cast %parallel_loop3A_344 : i32 to index
        %parallel_loop3A_426 = arith.constant 64 : index
        %parallel_loop3A_427 = tpu.vector_load %parallel_loop3A_424[%parallel_loop3A_425, %parallel_loop3A_426] {strides = array<i32>} : memref<80x128xf32, #tpu.memory_space<vmem>>, vector<16xf32>,
        %parallel_loop3A_428 = arith.constant 0 : i32
        %parallel_loop3A_429 = arith.constant 0 : i32
        %parallel_loop3A_430 = tpu.memref_slice %arg12[%parallel_loop3A_287, %parallel_loop3A_428, %parallel_loop3A_429] : memref<4x80x128xf32, #tpu.memory_space<vmem>> -> memref<1x80x128xf32, #tpu.memory_space<vmem>>
        %parallel_loop3A_431 = tpu.memref_squeeze %parallel_loop3A_430 : memref<1x80x128xf32, #tpu.memory_space<vmem>> -> memref<80x128xf32, #tpu.memory_space<vmem>>
        %parallel_loop3A_432 = arith.index_cast %parallel_loop3A_344 : i32 to index
        %parallel_loop3A_433 = arith.constant 64 : index
        %parallel_loop3A_434 = tpu.vector_load %parallel_loop3A_431[%parallel_loop3A_432, %parallel_loop3A_433] {strides = array<i32>} : memref<80x128xf32, #tpu.memory_space<vmem>>, vector<16xf32>,
        %parallel_loop3A_435 = arith.addf %parallel_loop3A_427, %parallel_loop3A_434 : vector<16xf32>
        %parallel_loop3A_436 = arith.constant 0.000000e+00 : f32
        %parallel_loop3A_437 = vector.broadcast %parallel_loop3A_436 : f32 to vector<16xf32>
        %parallel_loop3A_438 = arith.maximumf %parallel_loop3A_435, %parallel_loop3A_437 : vector<16xf32>
        %parallel_loop3A_439 = arith.mulf %parallel_loop3A_438, %get3A_27 : vector<16xf32>
        %parallel_loop3A_440 = arith.constant 0 : i32
        %parallel_loop3A_441 = arith.constant 0 : i32
        %parallel_loop3A_442 = tpu.memref_slice %arg11[%parallel_loop3A_286, %parallel_loop3A_440, %parallel_loop3A_441] : memref<4x80x128xf32, #tpu.memory_space<vmem>> -> memref<1x80x128xf32, #tpu.memory_space<vmem>>
        %parallel_loop3A_443 = tpu.memref_squeeze %parallel_loop3A_442 : memref<1x80x128xf32, #tpu.memory_space<vmem>> -> memref<80x128xf32, #tpu.memory_space<vmem>>
        %parallel_loop3A_444 = arith.index_cast %parallel_loop3A_344 : i32 to index
        %parallel_loop3A_445 = arith.constant 80 : index
        %parallel_loop3A_446 = tpu.vector_load %parallel_loop3A_443[%parallel_loop3A_444, %parallel_loop3A_445] {strides = array<i32>} : memref<80x128xf32, #tpu.memory_space<vmem>>, vector<16xf32>,
        %parallel_loop3A_447 = arith.constant 0 : i32
        %parallel_loop3A_448 = arith.constant 0 : i32
        %parallel_loop3A_449 = tpu.memref_slice %arg12[%parallel_loop3A_287, %parallel_loop3A_447, %parallel_loop3A_448] : memref<4x80x128xf32, #tpu.memory_space<vmem>> -> memref<1x80x128xf32, #tpu.memory_space<vmem>>
        %parallel_loop3A_450 = tpu.memref_squeeze %parallel_loop3A_449 : memref<1x80x128xf32, #tpu.memory_space<vmem>> -> memref<80x128xf32, #tpu.memory_space<vmem>>
        %parallel_loop3A_451 = arith.index_cast %parallel_loop3A_344 : i32 to index
        %parallel_loop3A_452 = arith.constant 80 : index
        %parallel_loop3A_453 = tpu.vector_load %parallel_loop3A_450[%parallel_loop3A_451, %parallel_loop3A_452] {strides = array<i32>} : memref<80x128xf32, #tpu.memory_space<vmem>>, vector<16xf32>,
        %parallel_loop3A_454 = arith.addf %parallel_loop3A_446, %parallel_loop3A_453 : vector<16xf32>
        %parallel_loop3A_455 = arith.constant 0.000000e+00 : f32
        %parallel_loop3A_456 = vector.broadcast %parallel_loop3A_455 : f32 to vector<16xf32>
        %parallel_loop3A_457 = arith.maximumf %parallel_loop3A_454, %parallel_loop3A_456 : vector<16xf32>
        %parallel_loop3A_458 = arith.mulf %parallel_loop3A_457, %get3A_29 : vector<16xf32>
        %parallel_loop3A_459 = arith.constant 0 : i32
        %parallel_loop3A_460 = arith.constant 0 : i32
        %parallel_loop3A_461 = tpu.memref_slice %arg11[%parallel_loop3A_286, %parallel_loop3A_459, %parallel_loop3A_460] : memref<4x80x128xf32, #tpu.memory_space<vmem>> -> memref<1x80x128xf32, #tpu.memory_space<vmem>>
        %parallel_loop3A_462 = tpu.memref_squeeze %parallel_loop3A_461 : memref<1x80x128xf32, #tpu.memory_space<vmem>> -> memref<80x128xf32, #tpu.memory_space<vmem>>
        %parallel_loop3A_463 = arith.index_cast %parallel_loop3A_344 : i32 to index
        %parallel_loop3A_464 = arith.constant 96 : index
        %parallel_loop3A_465 = tpu.vector_load %parallel_loop3A_462[%parallel_loop3A_463, %parallel_loop3A_464] {strides = array<i32>} : memref<80x128xf32, #tpu.memory_space<vmem>>, vector<16xf32>,
        %parallel_loop3A_466 = arith.constant 0 : i32
        %parallel_loop3A_467 = arith.constant 0 : i32
        %parallel_loop3A_468 = tpu.memref_slice %arg12[%parallel_loop3A_287, %parallel_loop3A_466, %parallel_loop3A_467] : memref<4x80x128xf32, #tpu.memory_space<vmem>> -> memref<1x80x128xf32, #tpu.memory_space<vmem>>
        %parallel_loop3A_469 = tpu.memref_squeeze %parallel_loop3A_468 : memref<1x80x128xf32, #tpu.memory_space<vmem>> -> memref<80x128xf32, #tpu.memory_space<vmem>>
        %parallel_loop3A_470 = arith.index_cast %parallel_loop3A_344 : i32 to index
        %parallel_loop3A_471 = arith.constant 96 : index
        %parallel_loop3A_472 = tpu.vector_load %parallel_loop3A_469[%parallel_loop3A_470, %parallel_loop3A_471] {strides = array<i32>} : memref<80x128xf32, #tpu.memory_space<vmem>>, vector<16xf32>,
        %parallel_loop3A_473 = arith.addf %parallel_loop3A_465, %parallel_loop3A_472 : vector<16xf32>
        %parallel_loop3A_474 = arith.constant 0.000000e+00 : f32
        %parallel_loop3A_475 = vector.broadcast %parallel_loop3A_474 : f32 to vector<16xf32>
        %parallel_loop3A_476 = arith.maximumf %parallel_loop3A_473, %parallel_loop3A_475 : vector<16xf32>
        %parallel_loop3A_477 = arith.mulf %parallel_loop3A_476, %get3A_31 : vector<16xf32>
        %parallel_loop3A_478 = arith.constant 0 : i32
        %parallel_loop3A_479 = arith.constant 0 : i32
        %parallel_loop3A_480 = tpu.memref_slice %arg11[%parallel_loop3A_286, %parallel_loop3A_478, %parallel_loop3A_479] : memref<4x80x128xf32, #tpu.memory_space<vmem>> -> memref<1x80x128xf32, #tpu.memory_space<vmem>>
        %parallel_loop3A_481 = tpu.memref_squeeze %parallel_loop3A_480 : memref<1x80x128xf32, #tpu.memory_space<vmem>> -> memref<80x128xf32, #tpu.memory_space<vmem>>
        %parallel_loop3A_482 = arith.index_cast %parallel_loop3A_344 : i32 to index
        %parallel_loop3A_483 = arith.constant 112 : index
        %parallel_loop3A_484 = tpu.vector_load %parallel_loop3A_481[%parallel_loop3A_482, %parallel_loop3A_483] {strides = array<i32>} : memref<80x128xf32, #tpu.memory_space<vmem>>, vector<16xf32>,
        %parallel_loop3A_485 = arith.constant 0 : i32
        %parallel_loop3A_486 = arith.constant 0 : i32
        %parallel_loop3A_487 = tpu.memref_slice %arg12[%parallel_loop3A_287, %parallel_loop3A_485, %parallel_loop3A_486] : memref<4x80x128xf32, #tpu.memory_space<vmem>> -> memref<1x80x128xf32, #tpu.memory_space<vmem>>
        %parallel_loop3A_488 = tpu.memref_squeeze %parallel_loop3A_487 : memref<1x80x128xf32, #tpu.memory_space<vmem>> -> memref<80x128xf32, #tpu.memory_space<vmem>>
        %parallel_loop3A_489 = arith.index_cast %parallel_loop3A_344 : i32 to index
        %parallel_loop3A_490 = arith.constant 112 : index
        %parallel_loop3A_491 = tpu.vector_load %parallel_loop3A_488[%parallel_loop3A_489, %parallel_loop3A_490] {strides = array<i32>} : memref<80x128xf32, #tpu.memory_space<vmem>>, vector<16xf32>,
        %parallel_loop3A_492 = arith.addf %parallel_loop3A_484, %parallel_loop3A_491 : vector<16xf32>
        %parallel_loop3A_493 = arith.constant 0.000000e+00 : f32
        %parallel_loop3A_494 = vector.broadcast %parallel_loop3A_493 : f32 to vector<16xf32>
        %parallel_loop3A_495 = arith.maximumf %parallel_loop3A_492, %parallel_loop3A_494 : vector<16xf32>
        %parallel_loop3A_496 = arith.mulf %parallel_loop3A_495, %get3A_33 : vector<16xf32>
        %parallel_loop3A_497 = arith.addf %parallel_loop3A_363, %parallel_loop3A_382 : vector<16xf32>
        %parallel_loop3A_498 = arith.addf %parallel_loop3A_401, %parallel_loop3A_420 : vector<16xf32>
        %parallel_loop3A_499 = arith.addf %parallel_loop3A_439, %parallel_loop3A_458 : vector<16xf32>
        %parallel_loop3A_500 = arith.addf %parallel_loop3A_477, %parallel_loop3A_496 : vector<16xf32>
        %parallel_loop3A_501 = arith.addf %parallel_loop3A_497, %parallel_loop3A_498 : vector<16xf32>
        %parallel_loop3A_502 = arith.addf %parallel_loop3A_499, %parallel_loop3A_500 : vector<16xf32>
        %parallel_loop3A_503 = arith.addf %parallel_loop3A_501, %parallel_loop3A_502 : vector<16xf32>
        %parallel_loop3A_504 = arith.addf %parallel_loop3A_503, %select_n3A : vector<16xf32>
        %parallel_loop3A_505 = arith.constant 0 : i32
        %parallel_loop3A_506 = vector.broadcast %parallel_loop3A_505 : i32 to vector<16xi32>
        %parallel_loop3A_507 = arith.cmpi slt, %xor3A_6, %parallel_loop3A_506 : vector<16xi32>
        %parallel_loop3A_508 = arith.constant 16 : i32
        %parallel_loop3A_509 = vector.broadcast %parallel_loop3A_508 : i32 to vector<16xi32>
        %parallel_loop3A_510 = arith.addi %xor3A_6, %parallel_loop3A_509 : vector<16xi32>
        %parallel_loop3A_511 = arith.select %parallel_loop3A_507, %parallel_loop3A_510, %xor3A_6 : vector<16xi1>, vector<16xi32>
        %parallel_loop3A_512 = vector.shape_cast %parallel_loop3A_511 : vector<16xi32> to vector<16x1xi32>
        %parallel_loop3A_513 = vector.shape_cast %parallel_loop3A_512 : vector<16x1xi32> to vector<16xi32>
        %parallel_loop3A_514 = tpu.dynamic_gather %parallel_loop3A_504[%parallel_loop3A_513] in [0] : vector<16xf32>, vector<16xi32> -> vector<16xf32>
        %parallel_loop3A_515 = arith.addf %parallel_loop3A_504, %parallel_loop3A_514 : vector<16xf32>
        %parallel_loop3A_516 = arith.constant 0 : i32
        %parallel_loop3A_517 = vector.broadcast %parallel_loop3A_516 : i32 to vector<16xi32>
        %parallel_loop3A_518 = arith.cmpi slt, %xor3A_9, %parallel_loop3A_517 : vector<16xi32>
        %parallel_loop3A_519 = arith.constant 16 : i32
        %parallel_loop3A_520 = vector.broadcast %parallel_loop3A_519 : i32 to vector<16xi32>
        %parallel_loop3A_521 = arith.addi %xor3A_9, %parallel_loop3A_520 : vector<16xi32>
        %parallel_loop3A_522 = arith.select %parallel_loop3A_518, %parallel_loop3A_521, %xor3A_9 : vector<16xi1>, vector<16xi32>
        %parallel_loop3A_523 = vector.shape_cast %parallel_loop3A_522 : vector<16xi32> to vector<16x1xi32>
        %parallel_loop3A_524 = vector.shape_cast %parallel_loop3A_523 : vector<16x1xi32> to vector<16xi32>
        %parallel_loop3A_525 = tpu.dynamic_gather %parallel_loop3A_515[%parallel_loop3A_524] in [0] : vector<16xf32>, vector<16xi32> -> vector<16xf32>
        %parallel_loop3A_526 = arith.addf %parallel_loop3A_515, %parallel_loop3A_525 : vector<16xf32>
        %parallel_loop3A_527 = arith.constant 0 : i32
        %parallel_loop3A_528 = vector.broadcast %parallel_loop3A_527 : i32 to vector<16xi32>
        %parallel_loop3A_529 = arith.cmpi slt, %xor3A_12, %parallel_loop3A_528 : vector<16xi32>
        %parallel_loop3A_530 = arith.constant 16 : i32
        %parallel_loop3A_531 = vector.broadcast %parallel_loop3A_530 : i32 to vector<16xi32>
        %parallel_loop3A_532 = arith.addi %xor3A_12, %parallel_loop3A_531 : vector<16xi32>
        %parallel_loop3A_533 = arith.select %parallel_loop3A_529, %parallel_loop3A_532, %xor3A_12 : vector<16xi1>, vector<16xi32>
        %parallel_loop3A_534 = vector.shape_cast %parallel_loop3A_533 : vector<16xi32> to vector<16x1xi32>
        %parallel_loop3A_535 = vector.shape_cast %parallel_loop3A_534 : vector<16x1xi32> to vector<16xi32>
        %parallel_loop3A_536 = tpu.dynamic_gather %parallel_loop3A_526[%parallel_loop3A_535] in [0] : vector<16xf32>, vector<16xi32> -> vector<16xf32>
        %parallel_loop3A_537 = arith.addf %parallel_loop3A_526, %parallel_loop3A_536 : vector<16xf32>
        %parallel_loop3A_538 = arith.constant 0 : i32
        %parallel_loop3A_539 = vector.broadcast %parallel_loop3A_538 : i32 to vector<16xi32>
        %parallel_loop3A_540 = arith.cmpi slt, %xor3A_15, %parallel_loop3A_539 : vector<16xi32>
        %parallel_loop3A_541 = arith.constant 16 : i32
        %parallel_loop3A_542 = vector.broadcast %parallel_loop3A_541 : i32 to vector<16xi32>
        %parallel_loop3A_543 = arith.addi %xor3A_15, %parallel_loop3A_542 : vector<16xi32>
        %parallel_loop3A_544 = arith.select %parallel_loop3A_540, %parallel_loop3A_543, %xor3A_15 : vector<16xi1>, vector<16xi32>
        %parallel_loop3A_545 = vector.shape_cast %parallel_loop3A_544 : vector<16xi32> to vector<16x1xi32>
        %parallel_loop3A_546 = vector.shape_cast %parallel_loop3A_545 : vector<16x1xi32> to vector<16xi32>
        %parallel_loop3A_547 = tpu.dynamic_gather %parallel_loop3A_537[%parallel_loop3A_546] in [0] : vector<16xf32>, vector<16xi32> -> vector<16xf32>
        %parallel_loop3A_548 = arith.addf %parallel_loop3A_537, %parallel_loop3A_547 : vector<16xf32>
        %parallel_loop3A_549 = arith.addi %mul3A_282, %parallel_loop3A_344 : i32
        %parallel_loop3A_550 = vector.broadcast %parallel_loop3A_549 : i32 to vector<16xi32>
        tpu.vector_store_idx %arg15[%parallel_loop3A_550], %parallel_loop3A_548 masked %eq3A_4 : memref<10000xf32, #tpu.memory_space<vmem>>[vector<16xi32>], vector<16xf32>, vector<16xi1>
      } {sc.loop_unroll_factor = 4 : i64, sc.parallel_access}
      %add3A_288 = arith.constant 4 : i32
      %add3A_289 = arith.addi %add3A_250, %add3A_288 : i32
      %lt3A_290 = arith.constant 125 : i32
      %lt3A_291 = arith.cmpi slt, %add3A_289, %lt3A_290 : i32
      %convert_element_type3A_292 = arith.extui %lt3A_291 : i1 to i32
      %cond3A_293 = arith.constant 0 : i32
      %cond3A_294 = arith.cmpi ne, %convert_element_type3A_292, %cond3A_293 : i32
      scf.if %cond3A_294 {
        %add3A_344 = arith.constant 4 : i32
        %add3A_345 = arith.addi %add3A_250, %add3A_344 : i32
        %mul3A_346 = arith.constant 80 : i32
        %mul3A_347 = arith.muli %add3A_345, %mul3A_346 : i32
        %dma_start3A_348 = arith.constant 2 : i32
        %dma_start3A_349 = arith.constant 0 : i32
        %dma_start3A_350 = arith.constant 0 : i32
        %dma_start3A_351 = tpu.memref_slice %arg11[%dma_start3A_348, %dma_start3A_349, %dma_start3A_350] : memref<4x80x128xf32, #tpu.memory_space<vmem>> -> memref<1x80x128xf32, #tpu.memory_space<vmem>>
        %dma_start3A_352 = tpu.memref_squeeze %dma_start3A_351 : memref<1x80x128xf32, #tpu.memory_space<vmem>> -> memref<80x128xf32, #tpu.memory_space<vmem>>
        %dma_start3A_353 = tpu.memref_slice %arg9[%mul3A_347] : memref<10000xi32, #tpu.memory_space<vmem>> -> memref<80xi32, #tpu.memory_space<vmem>>
        %dma_start3A_354 = arith.constant 0 : i32
        %dma_start3A_355 = arith.constant 0 : i32
        %dma_start3A_356 = tpu.memref_slice %arg2[%dma_start3A_354, %dma_start3A_355] : memref<10000x128xf32, #tpu.memory_space<hbm>> -> memref<10000x128xf32, #tpu.memory_space<hbm>>
        tpu.enqueue_indirect_dma source(%dma_start3A_356 : memref<10000x128xf32, #tpu.memory_space<hbm>>) target(%dma_start3A_352 : memref<80x128xf32, #tpu.memory_space<vmem>>) offsets(%dma_start3A_353 : memref<80xi32, #tpu.memory_space<vmem>>) semaphore(%arg18 : memref<!tpu.dma_semaphore, #tpu.memory_space<semaphore_mem>>)
        %dma_start3A_357 = arith.constant 2 : i32
        %dma_start3A_358 = arith.constant 0 : i32
        %dma_start3A_359 = arith.constant 0 : i32
        %dma_start3A_360 = tpu.memref_slice %arg12[%dma_start3A_357, %dma_start3A_358, %dma_start3A_359] : memref<4x80x128xf32, #tpu.memory_space<vmem>> -> memref<1x80x128xf32, #tpu.memory_space<vmem>>
        %dma_start3A_361 = tpu.memref_squeeze %dma_start3A_360 : memref<1x80x128xf32, #tpu.memory_space<vmem>> -> memref<80x128xf32, #tpu.memory_space<vmem>>
        %dma_start3A_362 = tpu.memref_slice %arg10[%mul3A_347] : memref<10000xi32, #tpu.memory_space<vmem>> -> memref<80xi32, #tpu.memory_space<vmem>>
        %dma_start3A_363 = arith.constant 0 : i32
        %dma_start3A_364 = arith.constant 0 : i32
        %dma_start3A_365 = tpu.memref_slice %arg3[%dma_start3A_363, %dma_start3A_364] : memref<10000x128xf32, #tpu.memory_space<hbm>> -> memref<10000x128xf32, #tpu.memory_space<hbm>>
        tpu.enqueue_indirect_dma source(%dma_start3A_365 : memref<10000x128xf32, #tpu.memory_space<hbm>>) target(%dma_start3A_361 : memref<80x128xf32, #tpu.memory_space<vmem>>) offsets(%dma_start3A_362 : memref<80xi32, #tpu.memory_space<vmem>>) semaphore(%arg22 : memref<!tpu.dma_semaphore, #tpu.memory_space<semaphore_mem>>)
      } else {
      }
      %mul3A_295 = arith.constant 4 : i32
      %mul3A_296 = arith.muli %scan3A_152, %mul3A_295 : i32
      %add3A_297 = arith.constant 3 : i32
      %add3A_298 = arith.addi %mul3A_296, %add3A_297 : i32
      %dma_wait3A_299 = arith.constant 3 : i32
      %dma_wait3A_300 = arith.constant 0 : i32
      %dma_wait3A_301 = arith.constant 0 : i32
      %dma_wait3A_302 = tpu.memref_slice %arg11[%dma_wait3A_299, %dma_wait3A_300, %dma_wait3A_301] : memref<4x80x128xf32, #tpu.memory_space<vmem>> -> memref<1x80x128xf32, #tpu.memory_space<vmem>>
      %dma_wait3A_303 = tpu.memref_squeeze %dma_wait3A_302 : memref<1x80x128xf32, #tpu.memory_space<vmem>> -> memref<80x128xf32, #tpu.memory_space<vmem>>
      %dma_wait3A_304 = arith.constant 0 : i32
      %dma_wait3A_305 = arith.constant 0 : i32
      %dma_wait3A_306 = tpu.memref_slice %arg2[%dma_wait3A_304, %dma_wait3A_305] : memref<10000x128xf32, #tpu.memory_space<hbm>> -> memref<80x128xf32, #tpu.memory_space<hbm>>
      %dma_wait3A_307 = arith.constant 0 : i32
      %dma_wait3A_308 = arith.constant 0 : i32
      %dma_wait3A_309 = tpu.memref_slice %arg11[%dma_wait3A_299, %dma_wait3A_307, %dma_wait3A_308] : memref<4x80x128xf32, #tpu.memory_space<vmem>> -> memref<1x80x128xf32, #tpu.memory_space<vmem>>
      %dma_wait3A_310 = tpu.memref_squeeze %dma_wait3A_309 : memref<1x80x128xf32, #tpu.memory_space<vmem>> -> memref<80x128xf32, #tpu.memory_space<vmem>>
      %dma_wait3A_311 = arith.constant 0 : i32
      %dma_wait3A_312 = arith.constant 0 : i32
      %dma_wait3A_313 = tpu.memref_slice %arg2[%dma_wait3A_311, %dma_wait3A_312] : memref<10000x128xf32, #tpu.memory_space<hbm>> -> memref<80x128xf32, #tpu.memory_space<hbm>>
      tpu.wait_dma2 semaphore(%arg19 : memref<!tpu.dma_semaphore, #tpu.memory_space<semaphore_mem>>) src(%dma_wait3A_313 : memref<80x128xf32, #tpu.memory_space<hbm>>) dst(%dma_wait3A_310 : memref<80x128xf32, #tpu.memory_space<vmem>>)
      %dma_wait3A_314 = arith.constant 3 : i32
      %dma_wait3A_315 = arith.constant 0 : i32
      %dma_wait3A_316 = arith.constant 0 : i32
      %dma_wait3A_317 = tpu.memref_slice %arg12[%dma_wait3A_314, %dma_wait3A_315, %dma_wait3A_316] : memref<4x80x128xf32, #tpu.memory_space<vmem>> -> memref<1x80x128xf32, #tpu.memory_space<vmem>>
      %dma_wait3A_318 = tpu.memref_squeeze %dma_wait3A_317 : memref<1x80x128xf32, #tpu.memory_space<vmem>> -> memref<80x128xf32, #tpu.memory_space<vmem>>
      %dma_wait3A_319 = arith.constant 0 : i32
      %dma_wait3A_320 = arith.constant 0 : i32
      %dma_wait3A_321 = tpu.memref_slice %arg3[%dma_wait3A_319, %dma_wait3A_320] : memref<10000x128xf32, #tpu.memory_space<hbm>> -> memref<80x128xf32, #tpu.memory_space<hbm>>
      %dma_wait3A_322 = arith.constant 0 : i32
      %dma_wait3A_323 = arith.constant 0 : i32
      %dma_wait3A_324 = tpu.memref_slice %arg12[%dma_wait3A_314, %dma_wait3A_322, %dma_wait3A_323] : memref<4x80x128xf32, #tpu.memory_space<vmem>> -> memref<1x80x128xf32, #tpu.memory_space<vmem>>
      %dma_wait3A_325 = tpu.memref_squeeze %dma_wait3A_324 : memref<1x80x128xf32, #tpu.memory_space<vmem>> -> memref<80x128xf32, #tpu.memory_space<vmem>>
      %dma_wait3A_326 = arith.constant 0 : i32
      %dma_wait3A_327 = arith.constant 0 : i32
      %dma_wait3A_328 = tpu.memref_slice %arg3[%dma_wait3A_326, %dma_wait3A_327] : memref<10000x128xf32, #tpu.memory_space<hbm>> -> memref<80x128xf32, #tpu.memory_space<hbm>>
      tpu.wait_dma2 semaphore(%arg23 : memref<!tpu.dma_semaphore, #tpu.memory_space<semaphore_mem>>) src(%dma_wait3A_328 : memref<80x128xf32, #tpu.memory_space<hbm>>) dst(%dma_wait3A_325 : memref<80x128xf32, #tpu.memory_space<vmem>>)
      %mul3A_329 = arith.constant 80 : i32
      %mul3A_330 = arith.muli %add3A_298, %mul3A_329 : i32
      %parallel_loop3A_331 = arith.constant 0 : i32
      %parallel_loop3A_332 = arith.constant 80 : i32
      %parallel_loop3A_333 = arith.constant 1 : i32
      %parallel_loop3A_334 = arith.constant 3 : i32
      %parallel_loop3A_335 = arith.constant 3 : i32
      scf.for %parallel_loop3A_344 = %parallel_loop3A_331 to %parallel_loop3A_332 step %parallel_loop3A_333  : i32 {
        %parallel_loop3A_345 = arith.constant 0 : i32
        %parallel_loop3A_346 = arith.constant 0 : i32
        %parallel_loop3A_347 = tpu.memref_slice %arg11[%parallel_loop3A_334, %parallel_loop3A_345, %parallel_loop3A_346] : memref<4x80x128xf32, #tpu.memory_space<vmem>> -> memref<1x80x128xf32, #tpu.memory_space<vmem>>
        %parallel_loop3A_348 = tpu.memref_squeeze %parallel_loop3A_347 : memref<1x80x128xf32, #tpu.memory_space<vmem>> -> memref<80x128xf32, #tpu.memory_space<vmem>>
        %parallel_loop3A_349 = arith.index_cast %parallel_loop3A_344 : i32 to index
        %parallel_loop3A_350 = arith.constant 0 : index
        %parallel_loop3A_351 = tpu.vector_load %parallel_loop3A_348[%parallel_loop3A_349, %parallel_loop3A_350] {strides = array<i32>} : memref<80x128xf32, #tpu.memory_space<vmem>>, vector<16xf32>,
        %parallel_loop3A_352 = arith.constant 0 : i32
        %parallel_loop3A_353 = arith.constant 0 : i32
        %parallel_loop3A_354 = tpu.memref_slice %arg12[%parallel_loop3A_335, %parallel_loop3A_352, %parallel_loop3A_353] : memref<4x80x128xf32, #tpu.memory_space<vmem>> -> memref<1x80x128xf32, #tpu.memory_space<vmem>>
        %parallel_loop3A_355 = tpu.memref_squeeze %parallel_loop3A_354 : memref<1x80x128xf32, #tpu.memory_space<vmem>> -> memref<80x128xf32, #tpu.memory_space<vmem>>
        %parallel_loop3A_356 = arith.index_cast %parallel_loop3A_344 : i32 to index
        %parallel_loop3A_357 = arith.constant 0 : index
        %parallel_loop3A_358 = tpu.vector_load %parallel_loop3A_355[%parallel_loop3A_356, %parallel_loop3A_357] {strides = array<i32>} : memref<80x128xf32, #tpu.memory_space<vmem>>, vector<16xf32>,
        %parallel_loop3A_359 = arith.addf %parallel_loop3A_351, %parallel_loop3A_358 : vector<16xf32>
        %parallel_loop3A_360 = arith.constant 0.000000e+00 : f32
        %parallel_loop3A_361 = vector.broadcast %parallel_loop3A_360 : f32 to vector<16xf32>
        %parallel_loop3A_362 = arith.maximumf %parallel_loop3A_359, %parallel_loop3A_361 : vector<16xf32>
        %parallel_loop3A_363 = arith.mulf %parallel_loop3A_362, %get3A_19 : vector<16xf32>
        %parallel_loop3A_364 = arith.constant 0 : i32
        %parallel_loop3A_365 = arith.constant 0 : i32
        %parallel_loop3A_366 = tpu.memref_slice %arg11[%parallel_loop3A_334, %parallel_loop3A_364, %parallel_loop3A_365] : memref<4x80x128xf32, #tpu.memory_space<vmem>> -> memref<1x80x128xf32, #tpu.memory_space<vmem>>
        %parallel_loop3A_367 = tpu.memref_squeeze %parallel_loop3A_366 : memref<1x80x128xf32, #tpu.memory_space<vmem>> -> memref<80x128xf32, #tpu.memory_space<vmem>>
        %parallel_loop3A_368 = arith.index_cast %parallel_loop3A_344 : i32 to index
        %parallel_loop3A_369 = arith.constant 16 : index
        %parallel_loop3A_370 = tpu.vector_load %parallel_loop3A_367[%parallel_loop3A_368, %parallel_loop3A_369] {strides = array<i32>} : memref<80x128xf32, #tpu.memory_space<vmem>>, vector<16xf32>,
        %parallel_loop3A_371 = arith.constant 0 : i32
        %parallel_loop3A_372 = arith.constant 0 : i32
        %parallel_loop3A_373 = tpu.memref_slice %arg12[%parallel_loop3A_335, %parallel_loop3A_371, %parallel_loop3A_372] : memref<4x80x128xf32, #tpu.memory_space<vmem>> -> memref<1x80x128xf32, #tpu.memory_space<vmem>>
        %parallel_loop3A_374 = tpu.memref_squeeze %parallel_loop3A_373 : memref<1x80x128xf32, #tpu.memory_space<vmem>> -> memref<80x128xf32, #tpu.memory_space<vmem>>
        %parallel_loop3A_375 = arith.index_cast %parallel_loop3A_344 : i32 to index
        %parallel_loop3A_376 = arith.constant 16 : index
        %parallel_loop3A_377 = tpu.vector_load %parallel_loop3A_374[%parallel_loop3A_375, %parallel_loop3A_376] {strides = array<i32>} : memref<80x128xf32, #tpu.memory_space<vmem>>, vector<16xf32>,
        %parallel_loop3A_378 = arith.addf %parallel_loop3A_370, %parallel_loop3A_377 : vector<16xf32>
        %parallel_loop3A_379 = arith.constant 0.000000e+00 : f32
        %parallel_loop3A_380 = vector.broadcast %parallel_loop3A_379 : f32 to vector<16xf32>
        %parallel_loop3A_381 = arith.maximumf %parallel_loop3A_378, %parallel_loop3A_380 : vector<16xf32>
        %parallel_loop3A_382 = arith.mulf %parallel_loop3A_381, %get3A_21 : vector<16xf32>
        %parallel_loop3A_383 = arith.constant 0 : i32
        %parallel_loop3A_384 = arith.constant 0 : i32
        %parallel_loop3A_385 = tpu.memref_slice %arg11[%parallel_loop3A_334, %parallel_loop3A_383, %parallel_loop3A_384] : memref<4x80x128xf32, #tpu.memory_space<vmem>> -> memref<1x80x128xf32, #tpu.memory_space<vmem>>
        %parallel_loop3A_386 = tpu.memref_squeeze %parallel_loop3A_385 : memref<1x80x128xf32, #tpu.memory_space<vmem>> -> memref<80x128xf32, #tpu.memory_space<vmem>>
        %parallel_loop3A_387 = arith.index_cast %parallel_loop3A_344 : i32 to index
        %parallel_loop3A_388 = arith.constant 32 : index
        %parallel_loop3A_389 = tpu.vector_load %parallel_loop3A_386[%parallel_loop3A_387, %parallel_loop3A_388] {strides = array<i32>} : memref<80x128xf32, #tpu.memory_space<vmem>>, vector<16xf32>,
        %parallel_loop3A_390 = arith.constant 0 : i32
        %parallel_loop3A_391 = arith.constant 0 : i32
        %parallel_loop3A_392 = tpu.memref_slice %arg12[%parallel_loop3A_335, %parallel_loop3A_390, %parallel_loop3A_391] : memref<4x80x128xf32, #tpu.memory_space<vmem>> -> memref<1x80x128xf32, #tpu.memory_space<vmem>>
        %parallel_loop3A_393 = tpu.memref_squeeze %parallel_loop3A_392 : memref<1x80x128xf32, #tpu.memory_space<vmem>> -> memref<80x128xf32, #tpu.memory_space<vmem>>
        %parallel_loop3A_394 = arith.index_cast %parallel_loop3A_344 : i32 to index
        %parallel_loop3A_395 = arith.constant 32 : index
        %parallel_loop3A_396 = tpu.vector_load %parallel_loop3A_393[%parallel_loop3A_394, %parallel_loop3A_395] {strides = array<i32>} : memref<80x128xf32, #tpu.memory_space<vmem>>, vector<16xf32>,
        %parallel_loop3A_397 = arith.addf %parallel_loop3A_389, %parallel_loop3A_396 : vector<16xf32>
        %parallel_loop3A_398 = arith.constant 0.000000e+00 : f32
        %parallel_loop3A_399 = vector.broadcast %parallel_loop3A_398 : f32 to vector<16xf32>
        %parallel_loop3A_400 = arith.maximumf %parallel_loop3A_397, %parallel_loop3A_399 : vector<16xf32>
        %parallel_loop3A_401 = arith.mulf %parallel_loop3A_400, %get3A_23 : vector<16xf32>
        %parallel_loop3A_402 = arith.constant 0 : i32
        %parallel_loop3A_403 = arith.constant 0 : i32
        %parallel_loop3A_404 = tpu.memref_slice %arg11[%parallel_loop3A_334, %parallel_loop3A_402, %parallel_loop3A_403] : memref<4x80x128xf32, #tpu.memory_space<vmem>> -> memref<1x80x128xf32, #tpu.memory_space<vmem>>
        %parallel_loop3A_405 = tpu.memref_squeeze %parallel_loop3A_404 : memref<1x80x128xf32, #tpu.memory_space<vmem>> -> memref<80x128xf32, #tpu.memory_space<vmem>>
        %parallel_loop3A_406 = arith.index_cast %parallel_loop3A_344 : i32 to index
        %parallel_loop3A_407 = arith.constant 48 : index
        %parallel_loop3A_408 = tpu.vector_load %parallel_loop3A_405[%parallel_loop3A_406, %parallel_loop3A_407] {strides = array<i32>} : memref<80x128xf32, #tpu.memory_space<vmem>>, vector<16xf32>,
        %parallel_loop3A_409 = arith.constant 0 : i32
        %parallel_loop3A_410 = arith.constant 0 : i32
        %parallel_loop3A_411 = tpu.memref_slice %arg12[%parallel_loop3A_335, %parallel_loop3A_409, %parallel_loop3A_410] : memref<4x80x128xf32, #tpu.memory_space<vmem>> -> memref<1x80x128xf32, #tpu.memory_space<vmem>>
        %parallel_loop3A_412 = tpu.memref_squeeze %parallel_loop3A_411 : memref<1x80x128xf32, #tpu.memory_space<vmem>> -> memref<80x128xf32, #tpu.memory_space<vmem>>
        %parallel_loop3A_413 = arith.index_cast %parallel_loop3A_344 : i32 to index
        %parallel_loop3A_414 = arith.constant 48 : index
        %parallel_loop3A_415 = tpu.vector_load %parallel_loop3A_412[%parallel_loop3A_413, %parallel_loop3A_414] {strides = array<i32>} : memref<80x128xf32, #tpu.memory_space<vmem>>, vector<16xf32>,
        %parallel_loop3A_416 = arith.addf %parallel_loop3A_408, %parallel_loop3A_415 : vector<16xf32>
        %parallel_loop3A_417 = arith.constant 0.000000e+00 : f32
        %parallel_loop3A_418 = vector.broadcast %parallel_loop3A_417 : f32 to vector<16xf32>
        %parallel_loop3A_419 = arith.maximumf %parallel_loop3A_416, %parallel_loop3A_418 : vector<16xf32>
        %parallel_loop3A_420 = arith.mulf %parallel_loop3A_419, %get3A_25 : vector<16xf32>
        %parallel_loop3A_421 = arith.constant 0 : i32
        %parallel_loop3A_422 = arith.constant 0 : i32
        %parallel_loop3A_423 = tpu.memref_slice %arg11[%parallel_loop3A_334, %parallel_loop3A_421, %parallel_loop3A_422] : memref<4x80x128xf32, #tpu.memory_space<vmem>> -> memref<1x80x128xf32, #tpu.memory_space<vmem>>
        %parallel_loop3A_424 = tpu.memref_squeeze %parallel_loop3A_423 : memref<1x80x128xf32, #tpu.memory_space<vmem>> -> memref<80x128xf32, #tpu.memory_space<vmem>>
        %parallel_loop3A_425 = arith.index_cast %parallel_loop3A_344 : i32 to index
        %parallel_loop3A_426 = arith.constant 64 : index
        %parallel_loop3A_427 = tpu.vector_load %parallel_loop3A_424[%parallel_loop3A_425, %parallel_loop3A_426] {strides = array<i32>} : memref<80x128xf32, #tpu.memory_space<vmem>>, vector<16xf32>,
        %parallel_loop3A_428 = arith.constant 0 : i32
        %parallel_loop3A_429 = arith.constant 0 : i32
        %parallel_loop3A_430 = tpu.memref_slice %arg12[%parallel_loop3A_335, %parallel_loop3A_428, %parallel_loop3A_429] : memref<4x80x128xf32, #tpu.memory_space<vmem>> -> memref<1x80x128xf32, #tpu.memory_space<vmem>>
        %parallel_loop3A_431 = tpu.memref_squeeze %parallel_loop3A_430 : memref<1x80x128xf32, #tpu.memory_space<vmem>> -> memref<80x128xf32, #tpu.memory_space<vmem>>
        %parallel_loop3A_432 = arith.index_cast %parallel_loop3A_344 : i32 to index
        %parallel_loop3A_433 = arith.constant 64 : index
        %parallel_loop3A_434 = tpu.vector_load %parallel_loop3A_431[%parallel_loop3A_432, %parallel_loop3A_433] {strides = array<i32>} : memref<80x128xf32, #tpu.memory_space<vmem>>, vector<16xf32>,
        %parallel_loop3A_435 = arith.addf %parallel_loop3A_427, %parallel_loop3A_434 : vector<16xf32>
        %parallel_loop3A_436 = arith.constant 0.000000e+00 : f32
        %parallel_loop3A_437 = vector.broadcast %parallel_loop3A_436 : f32 to vector<16xf32>
        %parallel_loop3A_438 = arith.maximumf %parallel_loop3A_435, %parallel_loop3A_437 : vector<16xf32>
        %parallel_loop3A_439 = arith.mulf %parallel_loop3A_438, %get3A_27 : vector<16xf32>
        %parallel_loop3A_440 = arith.constant 0 : i32
        %parallel_loop3A_441 = arith.constant 0 : i32
        %parallel_loop3A_442 = tpu.memref_slice %arg11[%parallel_loop3A_334, %parallel_loop3A_440, %parallel_loop3A_441] : memref<4x80x128xf32, #tpu.memory_space<vmem>> -> memref<1x80x128xf32, #tpu.memory_space<vmem>>
        %parallel_loop3A_443 = tpu.memref_squeeze %parallel_loop3A_442 : memref<1x80x128xf32, #tpu.memory_space<vmem>> -> memref<80x128xf32, #tpu.memory_space<vmem>>
        %parallel_loop3A_444 = arith.index_cast %parallel_loop3A_344 : i32 to index
        %parallel_loop3A_445 = arith.constant 80 : index
        %parallel_loop3A_446 = tpu.vector_load %parallel_loop3A_443[%parallel_loop3A_444, %parallel_loop3A_445] {strides = array<i32>} : memref<80x128xf32, #tpu.memory_space<vmem>>, vector<16xf32>,
        %parallel_loop3A_447 = arith.constant 0 : i32
        %parallel_loop3A_448 = arith.constant 0 : i32
        %parallel_loop3A_449 = tpu.memref_slice %arg12[%parallel_loop3A_335, %parallel_loop3A_447, %parallel_loop3A_448] : memref<4x80x128xf32, #tpu.memory_space<vmem>> -> memref<1x80x128xf32, #tpu.memory_space<vmem>>
        %parallel_loop3A_450 = tpu.memref_squeeze %parallel_loop3A_449 : memref<1x80x128xf32, #tpu.memory_space<vmem>> -> memref<80x128xf32, #tpu.memory_space<vmem>>
        %parallel_loop3A_451 = arith.index_cast %parallel_loop3A_344 : i32 to index
        %parallel_loop3A_452 = arith.constant 80 : index
        %parallel_loop3A_453 = tpu.vector_load %parallel_loop3A_450[%parallel_loop3A_451, %parallel_loop3A_452] {strides = array<i32>} : memref<80x128xf32, #tpu.memory_space<vmem>>, vector<16xf32>,
        %parallel_loop3A_454 = arith.addf %parallel_loop3A_446, %parallel_loop3A_453 : vector<16xf32>
        %parallel_loop3A_455 = arith.constant 0.000000e+00 : f32
        %parallel_loop3A_456 = vector.broadcast %parallel_loop3A_455 : f32 to vector<16xf32>
        %parallel_loop3A_457 = arith.maximumf %parallel_loop3A_454, %parallel_loop3A_456 : vector<16xf32>
        %parallel_loop3A_458 = arith.mulf %parallel_loop3A_457, %get3A_29 : vector<16xf32>
        %parallel_loop3A_459 = arith.constant 0 : i32
        %parallel_loop3A_460 = arith.constant 0 : i32
        %parallel_loop3A_461 = tpu.memref_slice %arg11[%parallel_loop3A_334, %parallel_loop3A_459, %parallel_loop3A_460] : memref<4x80x128xf32, #tpu.memory_space<vmem>> -> memref<1x80x128xf32, #tpu.memory_space<vmem>>
        %parallel_loop3A_462 = tpu.memref_squeeze %parallel_loop3A_461 : memref<1x80x128xf32, #tpu.memory_space<vmem>> -> memref<80x128xf32, #tpu.memory_space<vmem>>
        %parallel_loop3A_463 = arith.index_cast %parallel_loop3A_344 : i32 to index
        %parallel_loop3A_464 = arith.constant 96 : index
        %parallel_loop3A_465 = tpu.vector_load %parallel_loop3A_462[%parallel_loop3A_463, %parallel_loop3A_464] {strides = array<i32>} : memref<80x128xf32, #tpu.memory_space<vmem>>, vector<16xf32>,
        %parallel_loop3A_466 = arith.constant 0 : i32
        %parallel_loop3A_467 = arith.constant 0 : i32
        %parallel_loop3A_468 = tpu.memref_slice %arg12[%parallel_loop3A_335, %parallel_loop3A_466, %parallel_loop3A_467] : memref<4x80x128xf32, #tpu.memory_space<vmem>> -> memref<1x80x128xf32, #tpu.memory_space<vmem>>
        %parallel_loop3A_469 = tpu.memref_squeeze %parallel_loop3A_468 : memref<1x80x128xf32, #tpu.memory_space<vmem>> -> memref<80x128xf32, #tpu.memory_space<vmem>>
        %parallel_loop3A_470 = arith.index_cast %parallel_loop3A_344 : i32 to index
        %parallel_loop3A_471 = arith.constant 96 : index
        %parallel_loop3A_472 = tpu.vector_load %parallel_loop3A_469[%parallel_loop3A_470, %parallel_loop3A_471] {strides = array<i32>} : memref<80x128xf32, #tpu.memory_space<vmem>>, vector<16xf32>,
        %parallel_loop3A_473 = arith.addf %parallel_loop3A_465, %parallel_loop3A_472 : vector<16xf32>
        %parallel_loop3A_474 = arith.constant 0.000000e+00 : f32
        %parallel_loop3A_475 = vector.broadcast %parallel_loop3A_474 : f32 to vector<16xf32>
        %parallel_loop3A_476 = arith.maximumf %parallel_loop3A_473, %parallel_loop3A_475 : vector<16xf32>
        %parallel_loop3A_477 = arith.mulf %parallel_loop3A_476, %get3A_31 : vector<16xf32>
        %parallel_loop3A_478 = arith.constant 0 : i32
        %parallel_loop3A_479 = arith.constant 0 : i32
        %parallel_loop3A_480 = tpu.memref_slice %arg11[%parallel_loop3A_334, %parallel_loop3A_478, %parallel_loop3A_479] : memref<4x80x128xf32, #tpu.memory_space<vmem>> -> memref<1x80x128xf32, #tpu.memory_space<vmem>>
        %parallel_loop3A_481 = tpu.memref_squeeze %parallel_loop3A_480 : memref<1x80x128xf32, #tpu.memory_space<vmem>> -> memref<80x128xf32, #tpu.memory_space<vmem>>
        %parallel_loop3A_482 = arith.index_cast %parallel_loop3A_344 : i32 to index
        %parallel_loop3A_483 = arith.constant 112 : index
        %parallel_loop3A_484 = tpu.vector_load %parallel_loop3A_481[%parallel_loop3A_482, %parallel_loop3A_483] {strides = array<i32>} : memref<80x128xf32, #tpu.memory_space<vmem>>, vector<16xf32>,
        %parallel_loop3A_485 = arith.constant 0 : i32
        %parallel_loop3A_486 = arith.constant 0 : i32
        %parallel_loop3A_487 = tpu.memref_slice %arg12[%parallel_loop3A_335, %parallel_loop3A_485, %parallel_loop3A_486] : memref<4x80x128xf32, #tpu.memory_space<vmem>> -> memref<1x80x128xf32, #tpu.memory_space<vmem>>
        %parallel_loop3A_488 = tpu.memref_squeeze %parallel_loop3A_487 : memref<1x80x128xf32, #tpu.memory_space<vmem>> -> memref<80x128xf32, #tpu.memory_space<vmem>>
        %parallel_loop3A_489 = arith.index_cast %parallel_loop3A_344 : i32 to index
        %parallel_loop3A_490 = arith.constant 112 : index
        %parallel_loop3A_491 = tpu.vector_load %parallel_loop3A_488[%parallel_loop3A_489, %parallel_loop3A_490] {strides = array<i32>} : memref<80x128xf32, #tpu.memory_space<vmem>>, vector<16xf32>,
        %parallel_loop3A_492 = arith.addf %parallel_loop3A_484, %parallel_loop3A_491 : vector<16xf32>
        %parallel_loop3A_493 = arith.constant 0.000000e+00 : f32
        %parallel_loop3A_494 = vector.broadcast %parallel_loop3A_493 : f32 to vector<16xf32>
        %parallel_loop3A_495 = arith.maximumf %parallel_loop3A_492, %parallel_loop3A_494 : vector<16xf32>
        %parallel_loop3A_496 = arith.mulf %parallel_loop3A_495, %get3A_33 : vector<16xf32>
        %parallel_loop3A_497 = arith.addf %parallel_loop3A_363, %parallel_loop3A_382 : vector<16xf32>
        %parallel_loop3A_498 = arith.addf %parallel_loop3A_401, %parallel_loop3A_420 : vector<16xf32>
        %parallel_loop3A_499 = arith.addf %parallel_loop3A_439, %parallel_loop3A_458 : vector<16xf32>
        %parallel_loop3A_500 = arith.addf %parallel_loop3A_477, %parallel_loop3A_496 : vector<16xf32>
        %parallel_loop3A_501 = arith.addf %parallel_loop3A_497, %parallel_loop3A_498 : vector<16xf32>
        %parallel_loop3A_502 = arith.addf %parallel_loop3A_499, %parallel_loop3A_500 : vector<16xf32>
        %parallel_loop3A_503 = arith.addf %parallel_loop3A_501, %parallel_loop3A_502 : vector<16xf32>
        %parallel_loop3A_504 = arith.addf %parallel_loop3A_503, %select_n3A : vector<16xf32>
        %parallel_loop3A_505 = arith.constant 0 : i32
        %parallel_loop3A_506 = vector.broadcast %parallel_loop3A_505 : i32 to vector<16xi32>
        %parallel_loop3A_507 = arith.cmpi slt, %xor3A_6, %parallel_loop3A_506 : vector<16xi32>
        %parallel_loop3A_508 = arith.constant 16 : i32
        %parallel_loop3A_509 = vector.broadcast %parallel_loop3A_508 : i32 to vector<16xi32>
        %parallel_loop3A_510 = arith.addi %xor3A_6, %parallel_loop3A_509 : vector<16xi32>
        %parallel_loop3A_511 = arith.select %parallel_loop3A_507, %parallel_loop3A_510, %xor3A_6 : vector<16xi1>, vector<16xi32>
        %parallel_loop3A_512 = vector.shape_cast %parallel_loop3A_511 : vector<16xi32> to vector<16x1xi32>
        %parallel_loop3A_513 = vector.shape_cast %parallel_loop3A_512 : vector<16x1xi32> to vector<16xi32>
        %parallel_loop3A_514 = tpu.dynamic_gather %parallel_loop3A_504[%parallel_loop3A_513] in [0] : vector<16xf32>, vector<16xi32> -> vector<16xf32>
        %parallel_loop3A_515 = arith.addf %parallel_loop3A_504, %parallel_loop3A_514 : vector<16xf32>
        %parallel_loop3A_516 = arith.constant 0 : i32
        %parallel_loop3A_517 = vector.broadcast %parallel_loop3A_516 : i32 to vector<16xi32>
        %parallel_loop3A_518 = arith.cmpi slt, %xor3A_9, %parallel_loop3A_517 : vector<16xi32>
        %parallel_loop3A_519 = arith.constant 16 : i32
        %parallel_loop3A_520 = vector.broadcast %parallel_loop3A_519 : i32 to vector<16xi32>
        %parallel_loop3A_521 = arith.addi %xor3A_9, %parallel_loop3A_520 : vector<16xi32>
        %parallel_loop3A_522 = arith.select %parallel_loop3A_518, %parallel_loop3A_521, %xor3A_9 : vector<16xi1>, vector<16xi32>
        %parallel_loop3A_523 = vector.shape_cast %parallel_loop3A_522 : vector<16xi32> to vector<16x1xi32>
        %parallel_loop3A_524 = vector.shape_cast %parallel_loop3A_523 : vector<16x1xi32> to vector<16xi32>
        %parallel_loop3A_525 = tpu.dynamic_gather %parallel_loop3A_515[%parallel_loop3A_524] in [0] : vector<16xf32>, vector<16xi32> -> vector<16xf32>
        %parallel_loop3A_526 = arith.addf %parallel_loop3A_515, %parallel_loop3A_525 : vector<16xf32>
        %parallel_loop3A_527 = arith.constant 0 : i32
        %parallel_loop3A_528 = vector.broadcast %parallel_loop3A_527 : i32 to vector<16xi32>
        %parallel_loop3A_529 = arith.cmpi slt, %xor3A_12, %parallel_loop3A_528 : vector<16xi32>
        %parallel_loop3A_530 = arith.constant 16 : i32
        %parallel_loop3A_531 = vector.broadcast %parallel_loop3A_530 : i32 to vector<16xi32>
        %parallel_loop3A_532 = arith.addi %xor3A_12, %parallel_loop3A_531 : vector<16xi32>
        %parallel_loop3A_533 = arith.select %parallel_loop3A_529, %parallel_loop3A_532, %xor3A_12 : vector<16xi1>, vector<16xi32>
        %parallel_loop3A_534 = vector.shape_cast %parallel_loop3A_533 : vector<16xi32> to vector<16x1xi32>
        %parallel_loop3A_535 = vector.shape_cast %parallel_loop3A_534 : vector<16x1xi32> to vector<16xi32>
        %parallel_loop3A_536 = tpu.dynamic_gather %parallel_loop3A_526[%parallel_loop3A_535] in [0] : vector<16xf32>, vector<16xi32> -> vector<16xf32>
        %parallel_loop3A_537 = arith.addf %parallel_loop3A_526, %parallel_loop3A_536 : vector<16xf32>
        %parallel_loop3A_538 = arith.constant 0 : i32
        %parallel_loop3A_539 = vector.broadcast %parallel_loop3A_538 : i32 to vector<16xi32>
        %parallel_loop3A_540 = arith.cmpi slt, %xor3A_15, %parallel_loop3A_539 : vector<16xi32>
        %parallel_loop3A_541 = arith.constant 16 : i32
        %parallel_loop3A_542 = vector.broadcast %parallel_loop3A_541 : i32 to vector<16xi32>
        %parallel_loop3A_543 = arith.addi %xor3A_15, %parallel_loop3A_542 : vector<16xi32>
        %parallel_loop3A_544 = arith.select %parallel_loop3A_540, %parallel_loop3A_543, %xor3A_15 : vector<16xi1>, vector<16xi32>
        %parallel_loop3A_545 = vector.shape_cast %parallel_loop3A_544 : vector<16xi32> to vector<16x1xi32>
        %parallel_loop3A_546 = vector.shape_cast %parallel_loop3A_545 : vector<16x1xi32> to vector<16xi32>
        %parallel_loop3A_547 = tpu.dynamic_gather %parallel_loop3A_537[%parallel_loop3A_546] in [0] : vector<16xf32>, vector<16xi32> -> vector<16xf32>
        %parallel_loop3A_548 = arith.addf %parallel_loop3A_537, %parallel_loop3A_547 : vector<16xf32>
        %parallel_loop3A_549 = arith.addi %mul3A_330, %parallel_loop3A_344 : i32
        %parallel_loop3A_550 = vector.broadcast %parallel_loop3A_549 : i32 to vector<16xi32>
        tpu.vector_store_idx %arg15[%parallel_loop3A_550], %parallel_loop3A_548 masked %eq3A_4 : memref<10000xf32, #tpu.memory_space<vmem>>[vector<16xi32>], vector<16xf32>, vector<16xi1>
      } {sc.loop_unroll_factor = 4 : i64, sc.parallel_access}
      %add3A_336 = arith.constant 4 : i32
      %add3A_337 = arith.addi %add3A_298, %add3A_336 : i32
      %lt3A_338 = arith.constant 125 : i32
      %lt3A_339 = arith.cmpi slt, %add3A_337, %lt3A_338 : i32
      %convert_element_type3A_340 = arith.extui %lt3A_339 : i1 to i32
      %cond3A_341 = arith.constant 0 : i32
      %cond3A_342 = arith.cmpi ne, %convert_element_type3A_340, %cond3A_341 : i32
      scf.if %cond3A_342 {
        %add3A_344 = arith.constant 4 : i32
        %add3A_345 = arith.addi %add3A_298, %add3A_344 : i32
        %mul3A_346 = arith.constant 80 : i32
        %mul3A_347 = arith.muli %add3A_345, %mul3A_346 : i32
        %dma_start3A_348 = arith.constant 3 : i32
        %dma_start3A_349 = arith.constant 0 : i32
        %dma_start3A_350 = arith.constant 0 : i32
        %dma_start3A_351 = tpu.memref_slice %arg11[%dma_start3A_348, %dma_start3A_349, %dma_start3A_350] : memref<4x80x128xf32, #tpu.memory_space<vmem>> -> memref<1x80x128xf32, #tpu.memory_space<vmem>>
        %dma_start3A_352 = tpu.memref_squeeze %dma_start3A_351 : memref<1x80x128xf32, #tpu.memory_space<vmem>> -> memref<80x128xf32, #tpu.memory_space<vmem>>
        %dma_start3A_353 = tpu.memref_slice %arg9[%mul3A_347] : memref<10000xi32, #tpu.memory_space<vmem>> -> memref<80xi32, #tpu.memory_space<vmem>>
        %dma_start3A_354 = arith.constant 0 : i32
        %dma_start3A_355 = arith.constant 0 : i32
        %dma_start3A_356 = tpu.memref_slice %arg2[%dma_start3A_354, %dma_start3A_355] : memref<10000x128xf32, #tpu.memory_space<hbm>> -> memref<10000x128xf32, #tpu.memory_space<hbm>>
        tpu.enqueue_indirect_dma source(%dma_start3A_356 : memref<10000x128xf32, #tpu.memory_space<hbm>>) target(%dma_start3A_352 : memref<80x128xf32, #tpu.memory_space<vmem>>) offsets(%dma_start3A_353 : memref<80xi32, #tpu.memory_space<vmem>>) semaphore(%arg19 : memref<!tpu.dma_semaphore, #tpu.memory_space<semaphore_mem>>)
        %dma_start3A_357 = arith.constant 3 : i32
        %dma_start3A_358 = arith.constant 0 : i32
        %dma_start3A_359 = arith.constant 0 : i32
        %dma_start3A_360 = tpu.memref_slice %arg12[%dma_start3A_357, %dma_start3A_358, %dma_start3A_359] : memref<4x80x128xf32, #tpu.memory_space<vmem>> -> memref<1x80x128xf32, #tpu.memory_space<vmem>>
        %dma_start3A_361 = tpu.memref_squeeze %dma_start3A_360 : memref<1x80x128xf32, #tpu.memory_space<vmem>> -> memref<80x128xf32, #tpu.memory_space<vmem>>
        %dma_start3A_362 = tpu.memref_slice %arg10[%mul3A_347] : memref<10000xi32, #tpu.memory_space<vmem>> -> memref<80xi32, #tpu.memory_space<vmem>>
        %dma_start3A_363 = arith.constant 0 : i32
        %dma_start3A_364 = arith.constant 0 : i32
        %dma_start3A_365 = tpu.memref_slice %arg3[%dma_start3A_363, %dma_start3A_364] : memref<10000x128xf32, #tpu.memory_space<hbm>> -> memref<10000x128xf32, #tpu.memory_space<hbm>>
        tpu.enqueue_indirect_dma source(%dma_start3A_365 : memref<10000x128xf32, #tpu.memory_space<hbm>>) target(%dma_start3A_361 : memref<80x128xf32, #tpu.memory_space<vmem>>) offsets(%dma_start3A_362 : memref<80xi32, #tpu.memory_space<vmem>>) semaphore(%arg23 : memref<!tpu.dma_semaphore, #tpu.memory_space<semaphore_mem>>)
      } else {
      }
      %scan3A_343 = arith.constant 0 : i32
      scf.yield %scan3A_343 : i32
    }
    %scan3A_118 = arith.constant 31 : i32
    %dma_wait3A = arith.constant 0 : i32
    %dma_wait3A_119 = arith.constant 0 : i32
    %dma_wait3A_120 = arith.constant 0 : i32
    %dma_wait3A_121 = tpu.memref_slice %arg11[%dma_wait3A, %dma_wait3A_119, %dma_wait3A_120] : memref<4x80x128xf32, #tpu.memory_space<vmem>> -> memref<1x80x128xf32, #tpu.memory_space<vmem>>
    %dma_wait3A_122 = tpu.memref_squeeze %dma_wait3A_121 : memref<1x80x128xf32, #tpu.memory_space<vmem>> -> memref<80x128xf32, #tpu.memory_space<vmem>>
    %dma_wait3A_123 = arith.constant 0 : i32
    %dma_wait3A_124 = arith.constant 0 : i32
    %dma_wait3A_125 = tpu.memref_slice %arg2[%dma_wait3A_123, %dma_wait3A_124] : memref<10000x128xf32, #tpu.memory_space<hbm>> -> memref<80x128xf32, #tpu.memory_space<hbm>>
    %dma_wait3A_126 = arith.constant 0 : i32
    %dma_wait3A_127 = arith.constant 0 : i32
    %dma_wait3A_128 = tpu.memref_slice %arg11[%dma_wait3A, %dma_wait3A_126, %dma_wait3A_127] : memref<4x80x128xf32, #tpu.memory_space<vmem>> -> memref<1x80x128xf32, #tpu.memory_space<vmem>>
    %dma_wait3A_129 = tpu.memref_squeeze %dma_wait3A_128 : memref<1x80x128xf32, #tpu.memory_space<vmem>> -> memref<80x128xf32, #tpu.memory_space<vmem>>
    %dma_wait3A_130 = arith.constant 0 : i32
    %dma_wait3A_131 = arith.constant 0 : i32
    %dma_wait3A_132 = tpu.memref_slice %arg2[%dma_wait3A_130, %dma_wait3A_131] : memref<10000x128xf32, #tpu.memory_space<hbm>> -> memref<80x128xf32, #tpu.memory_space<hbm>>
    tpu.wait_dma2 semaphore(%arg16 : memref<!tpu.dma_semaphore, #tpu.memory_space<semaphore_mem>>) src(%dma_wait3A_132 : memref<80x128xf32, #tpu.memory_space<hbm>>) dst(%dma_wait3A_129 : memref<80x128xf32, #tpu.memory_space<vmem>>)
    %dma_wait3A_133 = arith.constant 0 : i32
    %dma_wait3A_134 = arith.constant 0 : i32
    %dma_wait3A_135 = arith.constant 0 : i32
    %dma_wait3A_136 = tpu.memref_slice %arg12[%dma_wait3A_133, %dma_wait3A_134, %dma_wait3A_135] : memref<4x80x128xf32, #tpu.memory_space<vmem>> -> memref<1x80x128xf32, #tpu.memory_space<vmem>>
    %dma_wait3A_137 = tpu.memref_squeeze %dma_wait3A_136 : memref<1x80x128xf32, #tpu.memory_space<vmem>> -> memref<80x128xf32, #tpu.memory_space<vmem>>
    %dma_wait3A_138 = arith.constant 0 : i32
    %dma_wait3A_139 = arith.constant 0 : i32
    %dma_wait3A_140 = tpu.memref_slice %arg3[%dma_wait3A_138, %dma_wait3A_139] : memref<10000x128xf32, #tpu.memory_space<hbm>> -> memref<80x128xf32, #tpu.memory_space<hbm>>
    %dma_wait3A_141 = arith.constant 0 : i32
    %dma_wait3A_142 = arith.constant 0 : i32
    %dma_wait3A_143 = tpu.memref_slice %arg12[%dma_wait3A_133, %dma_wait3A_141, %dma_wait3A_142] : memref<4x80x128xf32, #tpu.memory_space<vmem>> -> memref<1x80x128xf32, #tpu.memory_space<vmem>>
    %dma_wait3A_144 = tpu.memref_squeeze %dma_wait3A_143 : memref<1x80x128xf32, #tpu.memory_space<vmem>> -> memref<80x128xf32, #tpu.memory_space<vmem>>
    %dma_wait3A_145 = arith.constant 0 : i32
    %dma_wait3A_146 = arith.constant 0 : i32
    %dma_wait3A_147 = tpu.memref_slice %arg3[%dma_wait3A_145, %dma_wait3A_146] : memref<10000x128xf32, #tpu.memory_space<hbm>> -> memref<80x128xf32, #tpu.memory_space<hbm>>
    tpu.wait_dma2 semaphore(%arg20 : memref<!tpu.dma_semaphore, #tpu.memory_space<semaphore_mem>>) src(%dma_wait3A_147 : memref<80x128xf32, #tpu.memory_space<hbm>>) dst(%dma_wait3A_144 : memref<80x128xf32, #tpu.memory_space<vmem>>)
    %parallel_loop3A = arith.constant 0 : i32
    %parallel_loop3A_148 = arith.constant 80 : i32
    %parallel_loop3A_149 = arith.constant 1 : i32
    %parallel_loop3A_150 = arith.constant 0 : i32
    %parallel_loop3A_151 = arith.constant 0 : i32
    scf.for %parallel_loop3A_152 = %parallel_loop3A to %parallel_loop3A_148 step %parallel_loop3A_149  : i32 {
      %parallel_loop3A_153 = arith.constant 0 : i32
      %parallel_loop3A_154 = arith.constant 0 : i32
      %parallel_loop3A_155 = tpu.memref_slice %arg11[%parallel_loop3A_150, %parallel_loop3A_153, %parallel_loop3A_154] : memref<4x80x128xf32, #tpu.memory_space<vmem>> -> memref<1x80x128xf32, #tpu.memory_space<vmem>>
      %parallel_loop3A_156 = tpu.memref_squeeze %parallel_loop3A_155 : memref<1x80x128xf32, #tpu.memory_space<vmem>> -> memref<80x128xf32, #tpu.memory_space<vmem>>
      %parallel_loop3A_157 = arith.index_cast %parallel_loop3A_152 : i32 to index
      %parallel_loop3A_158 = arith.constant 0 : index
      %parallel_loop3A_159 = tpu.vector_load %parallel_loop3A_156[%parallel_loop3A_157, %parallel_loop3A_158] {strides = array<i32>} : memref<80x128xf32, #tpu.memory_space<vmem>>, vector<16xf32>,
      %parallel_loop3A_160 = arith.constant 0 : i32
      %parallel_loop3A_161 = arith.constant 0 : i32
      %parallel_loop3A_162 = tpu.memref_slice %arg12[%parallel_loop3A_151, %parallel_loop3A_160, %parallel_loop3A_161] : memref<4x80x128xf32, #tpu.memory_space<vmem>> -> memref<1x80x128xf32, #tpu.memory_space<vmem>>
      %parallel_loop3A_163 = tpu.memref_squeeze %parallel_loop3A_162 : memref<1x80x128xf32, #tpu.memory_space<vmem>> -> memref<80x128xf32, #tpu.memory_space<vmem>>
      %parallel_loop3A_164 = arith.index_cast %parallel_loop3A_152 : i32 to index
      %parallel_loop3A_165 = arith.constant 0 : index
      %parallel_loop3A_166 = tpu.vector_load %parallel_loop3A_163[%parallel_loop3A_164, %parallel_loop3A_165] {strides = array<i32>} : memref<80x128xf32, #tpu.memory_space<vmem>>, vector<16xf32>,
      %parallel_loop3A_167 = arith.addf %parallel_loop3A_159, %parallel_loop3A_166 : vector<16xf32>
      %parallel_loop3A_168 = arith.constant 0.000000e+00 : f32
      %parallel_loop3A_169 = vector.broadcast %parallel_loop3A_168 : f32 to vector<16xf32>
      %parallel_loop3A_170 = arith.maximumf %parallel_loop3A_167, %parallel_loop3A_169 : vector<16xf32>
      %parallel_loop3A_171 = arith.mulf %parallel_loop3A_170, %get3A_19 : vector<16xf32>
      %parallel_loop3A_172 = arith.constant 0 : i32
      %parallel_loop3A_173 = arith.constant 0 : i32
      %parallel_loop3A_174 = tpu.memref_slice %arg11[%parallel_loop3A_150, %parallel_loop3A_172, %parallel_loop3A_173] : memref<4x80x128xf32, #tpu.memory_space<vmem>> -> memref<1x80x128xf32, #tpu.memory_space<vmem>>
      %parallel_loop3A_175 = tpu.memref_squeeze %parallel_loop3A_174 : memref<1x80x128xf32, #tpu.memory_space<vmem>> -> memref<80x128xf32, #tpu.memory_space<vmem>>
      %parallel_loop3A_176 = arith.index_cast %parallel_loop3A_152 : i32 to index
      %parallel_loop3A_177 = arith.constant 16 : index
      %parallel_loop3A_178 = tpu.vector_load %parallel_loop3A_175[%parallel_loop3A_176, %parallel_loop3A_177] {strides = array<i32>} : memref<80x128xf32, #tpu.memory_space<vmem>>, vector<16xf32>,
      %parallel_loop3A_179 = arith.constant 0 : i32
      %parallel_loop3A_180 = arith.constant 0 : i32
      %parallel_loop3A_181 = tpu.memref_slice %arg12[%parallel_loop3A_151, %parallel_loop3A_179, %parallel_loop3A_180] : memref<4x80x128xf32, #tpu.memory_space<vmem>> -> memref<1x80x128xf32, #tpu.memory_space<vmem>>
      %parallel_loop3A_182 = tpu.memref_squeeze %parallel_loop3A_181 : memref<1x80x128xf32, #tpu.memory_space<vmem>> -> memref<80x128xf32, #tpu.memory_space<vmem>>
      %parallel_loop3A_183 = arith.index_cast %parallel_loop3A_152 : i32 to index
      %parallel_loop3A_184 = arith.constant 16 : index
      %parallel_loop3A_185 = tpu.vector_load %parallel_loop3A_182[%parallel_loop3A_183, %parallel_loop3A_184] {strides = array<i32>} : memref<80x128xf32, #tpu.memory_space<vmem>>, vector<16xf32>,
      %parallel_loop3A_186 = arith.addf %parallel_loop3A_178, %parallel_loop3A_185 : vector<16xf32>
      %parallel_loop3A_187 = arith.constant 0.000000e+00 : f32
      %parallel_loop3A_188 = vector.broadcast %parallel_loop3A_187 : f32 to vector<16xf32>
      %parallel_loop3A_189 = arith.maximumf %parallel_loop3A_186, %parallel_loop3A_188 : vector<16xf32>
      %parallel_loop3A_190 = arith.mulf %parallel_loop3A_189, %get3A_21 : vector<16xf32>
      %parallel_loop3A_191 = arith.constant 0 : i32
      %parallel_loop3A_192 = arith.constant 0 : i32
      %parallel_loop3A_193 = tpu.memref_slice %arg11[%parallel_loop3A_150, %parallel_loop3A_191, %parallel_loop3A_192] : memref<4x80x128xf32, #tpu.memory_space<vmem>> -> memref<1x80x128xf32, #tpu.memory_space<vmem>>
      %parallel_loop3A_194 = tpu.memref_squeeze %parallel_loop3A_193 : memref<1x80x128xf32, #tpu.memory_space<vmem>> -> memref<80x128xf32, #tpu.memory_space<vmem>>
      %parallel_loop3A_195 = arith.index_cast %parallel_loop3A_152 : i32 to index
      %parallel_loop3A_196 = arith.constant 32 : index
      %parallel_loop3A_197 = tpu.vector_load %parallel_loop3A_194[%parallel_loop3A_195, %parallel_loop3A_196] {strides = array<i32>} : memref<80x128xf32, #tpu.memory_space<vmem>>, vector<16xf32>,
      %parallel_loop3A_198 = arith.constant 0 : i32
      %parallel_loop3A_199 = arith.constant 0 : i32
      %parallel_loop3A_200 = tpu.memref_slice %arg12[%parallel_loop3A_151, %parallel_loop3A_198, %parallel_loop3A_199] : memref<4x80x128xf32, #tpu.memory_space<vmem>> -> memref<1x80x128xf32, #tpu.memory_space<vmem>>
      %parallel_loop3A_201 = tpu.memref_squeeze %parallel_loop3A_200 : memref<1x80x128xf32, #tpu.memory_space<vmem>> -> memref<80x128xf32, #tpu.memory_space<vmem>>
      %parallel_loop3A_202 = arith.index_cast %parallel_loop3A_152 : i32 to index
      %parallel_loop3A_203 = arith.constant 32 : index
      %parallel_loop3A_204 = tpu.vector_load %parallel_loop3A_201[%parallel_loop3A_202, %parallel_loop3A_203] {strides = array<i32>} : memref<80x128xf32, #tpu.memory_space<vmem>>, vector<16xf32>,
      %parallel_loop3A_205 = arith.addf %parallel_loop3A_197, %parallel_loop3A_204 : vector<16xf32>
      %parallel_loop3A_206 = arith.constant 0.000000e+00 : f32
      %parallel_loop3A_207 = vector.broadcast %parallel_loop3A_206 : f32 to vector<16xf32>
      %parallel_loop3A_208 = arith.maximumf %parallel_loop3A_205, %parallel_loop3A_207 : vector<16xf32>
      %parallel_loop3A_209 = arith.mulf %parallel_loop3A_208, %get3A_23 : vector<16xf32>
      %parallel_loop3A_210 = arith.constant 0 : i32
      %parallel_loop3A_211 = arith.constant 0 : i32
      %parallel_loop3A_212 = tpu.memref_slice %arg11[%parallel_loop3A_150, %parallel_loop3A_210, %parallel_loop3A_211] : memref<4x80x128xf32, #tpu.memory_space<vmem>> -> memref<1x80x128xf32, #tpu.memory_space<vmem>>
      %parallel_loop3A_213 = tpu.memref_squeeze %parallel_loop3A_212 : memref<1x80x128xf32, #tpu.memory_space<vmem>> -> memref<80x128xf32, #tpu.memory_space<vmem>>
      %parallel_loop3A_214 = arith.index_cast %parallel_loop3A_152 : i32 to index
      %parallel_loop3A_215 = arith.constant 48 : index
      %parallel_loop3A_216 = tpu.vector_load %parallel_loop3A_213[%parallel_loop3A_214, %parallel_loop3A_215] {strides = array<i32>} : memref<80x128xf32, #tpu.memory_space<vmem>>, vector<16xf32>,
      %parallel_loop3A_217 = arith.constant 0 : i32
      %parallel_loop3A_218 = arith.constant 0 : i32
      %parallel_loop3A_219 = tpu.memref_slice %arg12[%parallel_loop3A_151, %parallel_loop3A_217, %parallel_loop3A_218] : memref<4x80x128xf32, #tpu.memory_space<vmem>> -> memref<1x80x128xf32, #tpu.memory_space<vmem>>
      %parallel_loop3A_220 = tpu.memref_squeeze %parallel_loop3A_219 : memref<1x80x128xf32, #tpu.memory_space<vmem>> -> memref<80x128xf32, #tpu.memory_space<vmem>>
      %parallel_loop3A_221 = arith.index_cast %parallel_loop3A_152 : i32 to index
      %parallel_loop3A_222 = arith.constant 48 : index
      %parallel_loop3A_223 = tpu.vector_load %parallel_loop3A_220[%parallel_loop3A_221, %parallel_loop3A_222] {strides = array<i32>} : memref<80x128xf32, #tpu.memory_space<vmem>>, vector<16xf32>,
      %parallel_loop3A_224 = arith.addf %parallel_loop3A_216, %parallel_loop3A_223 : vector<16xf32>
      %parallel_loop3A_225 = arith.constant 0.000000e+00 : f32
      %parallel_loop3A_226 = vector.broadcast %parallel_loop3A_225 : f32 to vector<16xf32>
      %parallel_loop3A_227 = arith.maximumf %parallel_loop3A_224, %parallel_loop3A_226 : vector<16xf32>
      %parallel_loop3A_228 = arith.mulf %parallel_loop3A_227, %get3A_25 : vector<16xf32>
      %parallel_loop3A_229 = arith.constant 0 : i32
      %parallel_loop3A_230 = arith.constant 0 : i32
      %parallel_loop3A_231 = tpu.memref_slice %arg11[%parallel_loop3A_150, %parallel_loop3A_229, %parallel_loop3A_230] : memref<4x80x128xf32, #tpu.memory_space<vmem>> -> memref<1x80x128xf32, #tpu.memory_space<vmem>>
      %parallel_loop3A_232 = tpu.memref_squeeze %parallel_loop3A_231 : memref<1x80x128xf32, #tpu.memory_space<vmem>> -> memref<80x128xf32, #tpu.memory_space<vmem>>
      %parallel_loop3A_233 = arith.index_cast %parallel_loop3A_152 : i32 to index
      %parallel_loop3A_234 = arith.constant 64 : index
      %parallel_loop3A_235 = tpu.vector_load %parallel_loop3A_232[%parallel_loop3A_233, %parallel_loop3A_234] {strides = array<i32>} : memref<80x128xf32, #tpu.memory_space<vmem>>, vector<16xf32>,
      %parallel_loop3A_236 = arith.constant 0 : i32
      %parallel_loop3A_237 = arith.constant 0 : i32
      %parallel_loop3A_238 = tpu.memref_slice %arg12[%parallel_loop3A_151, %parallel_loop3A_236, %parallel_loop3A_237] : memref<4x80x128xf32, #tpu.memory_space<vmem>> -> memref<1x80x128xf32, #tpu.memory_space<vmem>>
      %parallel_loop3A_239 = tpu.memref_squeeze %parallel_loop3A_238 : memref<1x80x128xf32, #tpu.memory_space<vmem>> -> memref<80x128xf32, #tpu.memory_space<vmem>>
      %parallel_loop3A_240 = arith.index_cast %parallel_loop3A_152 : i32 to index
      %parallel_loop3A_241 = arith.constant 64 : index
      %parallel_loop3A_242 = tpu.vector_load %parallel_loop3A_239[%parallel_loop3A_240, %parallel_loop3A_241] {strides = array<i32>} : memref<80x128xf32, #tpu.memory_space<vmem>>, vector<16xf32>,
      %parallel_loop3A_243 = arith.addf %parallel_loop3A_235, %parallel_loop3A_242 : vector<16xf32>
      %parallel_loop3A_244 = arith.constant 0.000000e+00 : f32
      %parallel_loop3A_245 = vector.broadcast %parallel_loop3A_244 : f32 to vector<16xf32>
      %parallel_loop3A_246 = arith.maximumf %parallel_loop3A_243, %parallel_loop3A_245 : vector<16xf32>
      %parallel_loop3A_247 = arith.mulf %parallel_loop3A_246, %get3A_27 : vector<16xf32>
      %parallel_loop3A_248 = arith.constant 0 : i32
      %parallel_loop3A_249 = arith.constant 0 : i32
      %parallel_loop3A_250 = tpu.memref_slice %arg11[%parallel_loop3A_150, %parallel_loop3A_248, %parallel_loop3A_249] : memref<4x80x128xf32, #tpu.memory_space<vmem>> -> memref<1x80x128xf32, #tpu.memory_space<vmem>>
      %parallel_loop3A_251 = tpu.memref_squeeze %parallel_loop3A_250 : memref<1x80x128xf32, #tpu.memory_space<vmem>> -> memref<80x128xf32, #tpu.memory_space<vmem>>
      %parallel_loop3A_252 = arith.index_cast %parallel_loop3A_152 : i32 to index
      %parallel_loop3A_253 = arith.constant 80 : index
      %parallel_loop3A_254 = tpu.vector_load %parallel_loop3A_251[%parallel_loop3A_252, %parallel_loop3A_253] {strides = array<i32>} : memref<80x128xf32, #tpu.memory_space<vmem>>, vector<16xf32>,
      %parallel_loop3A_255 = arith.constant 0 : i32
      %parallel_loop3A_256 = arith.constant 0 : i32
      %parallel_loop3A_257 = tpu.memref_slice %arg12[%parallel_loop3A_151, %parallel_loop3A_255, %parallel_loop3A_256] : memref<4x80x128xf32, #tpu.memory_space<vmem>> -> memref<1x80x128xf32, #tpu.memory_space<vmem>>
      %parallel_loop3A_258 = tpu.memref_squeeze %parallel_loop3A_257 : memref<1x80x128xf32, #tpu.memory_space<vmem>> -> memref<80x128xf32, #tpu.memory_space<vmem>>
      %parallel_loop3A_259 = arith.index_cast %parallel_loop3A_152 : i32 to index
      %parallel_loop3A_260 = arith.constant 80 : index
      %parallel_loop3A_261 = tpu.vector_load %parallel_loop3A_258[%parallel_loop3A_259, %parallel_loop3A_260] {strides = array<i32>} : memref<80x128xf32, #tpu.memory_space<vmem>>, vector<16xf32>,
      %parallel_loop3A_262 = arith.addf %parallel_loop3A_254, %parallel_loop3A_261 : vector<16xf32>
      %parallel_loop3A_263 = arith.constant 0.000000e+00 : f32
      %parallel_loop3A_264 = vector.broadcast %parallel_loop3A_263 : f32 to vector<16xf32>
      %parallel_loop3A_265 = arith.maximumf %parallel_loop3A_262, %parallel_loop3A_264 : vector<16xf32>
      %parallel_loop3A_266 = arith.mulf %parallel_loop3A_265, %get3A_29 : vector<16xf32>
      %parallel_loop3A_267 = arith.constant 0 : i32
      %parallel_loop3A_268 = arith.constant 0 : i32
      %parallel_loop3A_269 = tpu.memref_slice %arg11[%parallel_loop3A_150, %parallel_loop3A_267, %parallel_loop3A_268] : memref<4x80x128xf32, #tpu.memory_space<vmem>> -> memref<1x80x128xf32, #tpu.memory_space<vmem>>
      %parallel_loop3A_270 = tpu.memref_squeeze %parallel_loop3A_269 : memref<1x80x128xf32, #tpu.memory_space<vmem>> -> memref<80x128xf32, #tpu.memory_space<vmem>>
      %parallel_loop3A_271 = arith.index_cast %parallel_loop3A_152 : i32 to index
      %parallel_loop3A_272 = arith.constant 96 : index
      %parallel_loop3A_273 = tpu.vector_load %parallel_loop3A_270[%parallel_loop3A_271, %parallel_loop3A_272] {strides = array<i32>} : memref<80x128xf32, #tpu.memory_space<vmem>>, vector<16xf32>,
      %parallel_loop3A_274 = arith.constant 0 : i32
      %parallel_loop3A_275 = arith.constant 0 : i32
      %parallel_loop3A_276 = tpu.memref_slice %arg12[%parallel_loop3A_151, %parallel_loop3A_274, %parallel_loop3A_275] : memref<4x80x128xf32, #tpu.memory_space<vmem>> -> memref<1x80x128xf32, #tpu.memory_space<vmem>>
      %parallel_loop3A_277 = tpu.memref_squeeze %parallel_loop3A_276 : memref<1x80x128xf32, #tpu.memory_space<vmem>> -> memref<80x128xf32, #tpu.memory_space<vmem>>
      %parallel_loop3A_278 = arith.index_cast %parallel_loop3A_152 : i32 to index
      %parallel_loop3A_279 = arith.constant 96 : index
      %parallel_loop3A_280 = tpu.vector_load %parallel_loop3A_277[%parallel_loop3A_278, %parallel_loop3A_279] {strides = array<i32>} : memref<80x128xf32, #tpu.memory_space<vmem>>, vector<16xf32>,
      %parallel_loop3A_281 = arith.addf %parallel_loop3A_273, %parallel_loop3A_280 : vector<16xf32>
      %parallel_loop3A_282 = arith.constant 0.000000e+00 : f32
      %parallel_loop3A_283 = vector.broadcast %parallel_loop3A_282 : f32 to vector<16xf32>
      %parallel_loop3A_284 = arith.maximumf %parallel_loop3A_281, %parallel_loop3A_283 : vector<16xf32>
      %parallel_loop3A_285 = arith.mulf %parallel_loop3A_284, %get3A_31 : vector<16xf32>
      %parallel_loop3A_286 = arith.constant 0 : i32
      %parallel_loop3A_287 = arith.constant 0 : i32
      %parallel_loop3A_288 = tpu.memref_slice %arg11[%parallel_loop3A_150, %parallel_loop3A_286, %parallel_loop3A_287] : memref<4x80x128xf32, #tpu.memory_space<vmem>> -> memref<1x80x128xf32, #tpu.memory_space<vmem>>
      %parallel_loop3A_289 = tpu.memref_squeeze %parallel_loop3A_288 : memref<1x80x128xf32, #tpu.memory_space<vmem>> -> memref<80x128xf32, #tpu.memory_space<vmem>>
      %parallel_loop3A_290 = arith.index_cast %parallel_loop3A_152 : i32 to index
      %parallel_loop3A_291 = arith.constant 112 : index
      %parallel_loop3A_292 = tpu.vector_load %parallel_loop3A_289[%parallel_loop3A_290, %parallel_loop3A_291] {strides = array<i32>} : memref<80x128xf32, #tpu.memory_space<vmem>>, vector<16xf32>,
      %parallel_loop3A_293 = arith.constant 0 : i32
      %parallel_loop3A_294 = arith.constant 0 : i32
      %parallel_loop3A_295 = tpu.memref_slice %arg12[%parallel_loop3A_151, %parallel_loop3A_293, %parallel_loop3A_294] : memref<4x80x128xf32, #tpu.memory_space<vmem>> -> memref<1x80x128xf32, #tpu.memory_space<vmem>>
      %parallel_loop3A_296 = tpu.memref_squeeze %parallel_loop3A_295 : memref<1x80x128xf32, #tpu.memory_space<vmem>> -> memref<80x128xf32, #tpu.memory_space<vmem>>
      %parallel_loop3A_297 = arith.index_cast %parallel_loop3A_152 : i32 to index
      %parallel_loop3A_298 = arith.constant 112 : index
      %parallel_loop3A_299 = tpu.vector_load %parallel_loop3A_296[%parallel_loop3A_297, %parallel_loop3A_298] {strides = array<i32>} : memref<80x128xf32, #tpu.memory_space<vmem>>, vector<16xf32>,
      %parallel_loop3A_300 = arith.addf %parallel_loop3A_292, %parallel_loop3A_299 : vector<16xf32>
      %parallel_loop3A_301 = arith.constant 0.000000e+00 : f32
      %parallel_loop3A_302 = vector.broadcast %parallel_loop3A_301 : f32 to vector<16xf32>
      %parallel_loop3A_303 = arith.maximumf %parallel_loop3A_300, %parallel_loop3A_302 : vector<16xf32>
      %parallel_loop3A_304 = arith.mulf %parallel_loop3A_303, %get3A_33 : vector<16xf32>
      %parallel_loop3A_305 = arith.addf %parallel_loop3A_171, %parallel_loop3A_190 : vector<16xf32>
      %parallel_loop3A_306 = arith.addf %parallel_loop3A_209, %parallel_loop3A_228 : vector<16xf32>
      %parallel_loop3A_307 = arith.addf %parallel_loop3A_247, %parallel_loop3A_266 : vector<16xf32>
      %parallel_loop3A_308 = arith.addf %parallel_loop3A_285, %parallel_loop3A_304 : vector<16xf32>
      %parallel_loop3A_309 = arith.addf %parallel_loop3A_305, %parallel_loop3A_306 : vector<16xf32>
      %parallel_loop3A_310 = arith.addf %parallel_loop3A_307, %parallel_loop3A_308 : vector<16xf32>
      %parallel_loop3A_311 = arith.addf %parallel_loop3A_309, %parallel_loop3A_310 : vector<16xf32>
      %parallel_loop3A_312 = arith.addf %parallel_loop3A_311, %select_n3A : vector<16xf32>
      %parallel_loop3A_313 = arith.constant 0 : i32
      %parallel_loop3A_314 = vector.broadcast %parallel_loop3A_313 : i32 to vector<16xi32>
      %parallel_loop3A_315 = arith.cmpi slt, %xor3A_6, %parallel_loop3A_314 : vector<16xi32>
      %parallel_loop3A_316 = arith.constant 16 : i32
      %parallel_loop3A_317 = vector.broadcast %parallel_loop3A_316 : i32 to vector<16xi32>
      %parallel_loop3A_318 = arith.addi %xor3A_6, %parallel_loop3A_317 : vector<16xi32>
      %parallel_loop3A_319 = arith.select %parallel_loop3A_315, %parallel_loop3A_318, %xor3A_6 : vector<16xi1>, vector<16xi32>
      %parallel_loop3A_320 = vector.shape_cast %parallel_loop3A_319 : vector<16xi32> to vector<16x1xi32>
      %parallel_loop3A_321 = vector.shape_cast %parallel_loop3A_320 : vector<16x1xi32> to vector<16xi32>
      %parallel_loop3A_322 = tpu.dynamic_gather %parallel_loop3A_312[%parallel_loop3A_321] in [0] : vector<16xf32>, vector<16xi32> -> vector<16xf32>
      %parallel_loop3A_323 = arith.addf %parallel_loop3A_312, %parallel_loop3A_322 : vector<16xf32>
      %parallel_loop3A_324 = arith.constant 0 : i32
      %parallel_loop3A_325 = vector.broadcast %parallel_loop3A_324 : i32 to vector<16xi32>
      %parallel_loop3A_326 = arith.cmpi slt, %xor3A_9, %parallel_loop3A_325 : vector<16xi32>
      %parallel_loop3A_327 = arith.constant 16 : i32
      %parallel_loop3A_328 = vector.broadcast %parallel_loop3A_327 : i32 to vector<16xi32>
      %parallel_loop3A_329 = arith.addi %xor3A_9, %parallel_loop3A_328 : vector<16xi32>
      %parallel_loop3A_330 = arith.select %parallel_loop3A_326, %parallel_loop3A_329, %xor3A_9 : vector<16xi1>, vector<16xi32>
      %parallel_loop3A_331 = vector.shape_cast %parallel_loop3A_330 : vector<16xi32> to vector<16x1xi32>
      %parallel_loop3A_332 = vector.shape_cast %parallel_loop3A_331 : vector<16x1xi32> to vector<16xi32>
      %parallel_loop3A_333 = tpu.dynamic_gather %parallel_loop3A_323[%parallel_loop3A_332] in [0] : vector<16xf32>, vector<16xi32> -> vector<16xf32>
      %parallel_loop3A_334 = arith.addf %parallel_loop3A_323, %parallel_loop3A_333 : vector<16xf32>
      %parallel_loop3A_335 = arith.constant 0 : i32
      %parallel_loop3A_336 = vector.broadcast %parallel_loop3A_335 : i32 to vector<16xi32>
      %parallel_loop3A_337 = arith.cmpi slt, %xor3A_12, %parallel_loop3A_336 : vector<16xi32>
      %parallel_loop3A_338 = arith.constant 16 : i32
      %parallel_loop3A_339 = vector.broadcast %parallel_loop3A_338 : i32 to vector<16xi32>
      %parallel_loop3A_340 = arith.addi %xor3A_12, %parallel_loop3A_339 : vector<16xi32>
      %parallel_loop3A_341 = arith.select %parallel_loop3A_337, %parallel_loop3A_340, %xor3A_12 : vector<16xi1>, vector<16xi32>
      %parallel_loop3A_342 = vector.shape_cast %parallel_loop3A_341 : vector<16xi32> to vector<16x1xi32>
      %parallel_loop3A_343 = vector.shape_cast %parallel_loop3A_342 : vector<16x1xi32> to vector<16xi32>
      %parallel_loop3A_344 = tpu.dynamic_gather %parallel_loop3A_334[%parallel_loop3A_343] in [0] : vector<16xf32>, vector<16xi32> -> vector<16xf32>
      %parallel_loop3A_345 = arith.addf %parallel_loop3A_334, %parallel_loop3A_344 : vector<16xf32>
      %parallel_loop3A_346 = arith.constant 0 : i32
      %parallel_loop3A_347 = vector.broadcast %parallel_loop3A_346 : i32 to vector<16xi32>
      %parallel_loop3A_348 = arith.cmpi slt, %xor3A_15, %parallel_loop3A_347 : vector<16xi32>
      %parallel_loop3A_349 = arith.constant 16 : i32
      %parallel_loop3A_350 = vector.broadcast %parallel_loop3A_349 : i32 to vector<16xi32>
      %parallel_loop3A_351 = arith.addi %xor3A_15, %parallel_loop3A_350 : vector<16xi32>
      %parallel_loop3A_352 = arith.select %parallel_loop3A_348, %parallel_loop3A_351, %xor3A_15 : vector<16xi1>, vector<16xi32>
      %parallel_loop3A_353 = vector.shape_cast %parallel_loop3A_352 : vector<16xi32> to vector<16x1xi32>
      %parallel_loop3A_354 = vector.shape_cast %parallel_loop3A_353 : vector<16x1xi32> to vector<16xi32>
      %parallel_loop3A_355 = tpu.dynamic_gather %parallel_loop3A_345[%parallel_loop3A_354] in [0] : vector<16xf32>, vector<16xi32> -> vector<16xf32>
      %parallel_loop3A_356 = arith.addf %parallel_loop3A_345, %parallel_loop3A_355 : vector<16xf32>
      %parallel_loop3A_357 = arith.constant 9920 : i32
      %parallel_loop3A_358 = arith.addi %parallel_loop3A_357, %parallel_loop3A_152 : i32
      %parallel_loop3A_359 = vector.broadcast %parallel_loop3A_358 : i32 to vector<16xi32>
      tpu.vector_store_idx %arg15[%parallel_loop3A_359], %parallel_loop3A_356 masked %eq3A_4 : memref<10000xf32, #tpu.memory_space<vmem>>[vector<16xi32>], vector<16xf32>, vector<16xi1>
    } {sc.loop_unroll_factor = 4 : i64, sc.parallel_access}
    "tpu.region"() ({
      %run_scoped3A = tpu.sem_alloc : memref<!tpu.dma_semaphore, #tpu.memory_space<semaphore_mem>>
      %dma_start3A_152 = tpu.memref_slice %arg8[%mul3A_2] : memref<320000xf32, #tpu.memory_space<hbm>> -> memref<10000xf32, #tpu.memory_space<hbm>>
      %dma_start3A_153 = tpu.memref_slice %arg8[%mul3A_2] : memref<320000xf32, #tpu.memory_space<hbm>> -> memref<10000xf32, #tpu.memory_space<hbm>>
      tpu.enqueue_dma source(%arg15 : memref<10000xf32, #tpu.memory_space<vmem>>) target(%dma_start3A_153 : memref<10000xf32, #tpu.memory_space<hbm>>) target_semaphore(%run_scoped3A : memref<!tpu.dma_semaphore, #tpu.memory_space<semaphore_mem>>)
      %dma_wait3A_154 = tpu.memref_slice %arg8[%mul3A_2] : memref<320000xf32, #tpu.memory_space<hbm>> -> memref<10000xf32, #tpu.memory_space<hbm>>
      %dma_wait3A_155 = tpu.memref_slice %arg8[%mul3A_2] : memref<320000xf32, #tpu.memory_space<hbm>> -> memref<10000xf32, #tpu.memory_space<hbm>>
      tpu.wait_dma2 semaphore(%run_scoped3A : memref<!tpu.dma_semaphore, #tpu.memory_space<semaphore_mem>>) src(%arg15 : memref<10000xf32, #tpu.memory_space<vmem>>) dst(%dma_wait3A_155 : memref<10000xf32, #tpu.memory_space<hbm>>)
      tpu.yield
    }) : () -> ()
    return
  }
}

module attributes {stable_mosaic.version = 14 : i64} {
  func.func @_proj_body(%arg0: i32, %arg1: memref<1000x128xf32, #tpu.memory_space<vmem>>, %arg2: memref<128x128xf32, #tpu.memory_space<vmem>>, %arg3: memref<128x128xf32, #tpu.memory_space<vmem>>, %arg4: memref<1x128xf32, #tpu.memory_space<vmem>>, %arg5: memref<1000x128xf32, #tpu.memory_space<vmem>>, %arg6: memref<1000x128xf32, #tpu.memory_space<vmem>>) attributes {dimension_semantics = [#tpu.dimension_semantics<arbitrary>], iteration_bounds = array<i64: 10>, scalar_prefetch = 0 : i64, scratch_operands = 0 : i64, tpu.core_type = #tpu.core_type<tc>, window_params = [{transform_indices = @transform_0, window_bounds = array<i64: 1000, 128>}, {pipeline_mode = #tpu.pipeline_mode<synchronous>, transform_indices = @transform_1, window_bounds = array<i64: 128, 128>}, {pipeline_mode = #tpu.pipeline_mode<synchronous>, transform_indices = @transform_2, window_bounds = array<i64: 128, 128>}, {pipeline_mode = #tpu.pipeline_mode<synchronous>, transform_indices = @transform_3, window_bounds = array<i64: 1, 128>}, {transform_indices = @transform_4, window_bounds = array<i64: 1000, 128>}, {transform_indices = @transform_5, window_bounds = array<i64: 1000, 128>}]} {
    %get3A = arith.constant 0 : index
    %get3A_0 = arith.constant 0 : index
    %get3A_1 = vector.load %arg1[%get3A, %get3A_0] : memref<1000x128xf32, #tpu.memory_space<vmem>>, vector<1000x128xf32>
    %get3A_2 = arith.constant 0 : index
    %get3A_3 = arith.constant 0 : index
    %get3A_4 = vector.load %arg2[%get3A_2, %get3A_3] : memref<128x128xf32, #tpu.memory_space<vmem>>, vector<128x128xf32>
    %dot_general3A = arith.constant dense<0.000000e+00> : vector<1000x128xf32>
    %dot_general3A_5 = tpu.matmul %get3A_1, %get3A_4, %dot_general3A {dimension_numbers = #tpu.dot_dimension_numbers<[1], [0], [0], [1], [0, 0, 1, 1], [], []>, transpose_lhs_hint = false} : vector<1000x128xf32>, vector<128x128xf32>, vector<1000x128xf32> -> vector<1000x128xf32>
    %swap3A = arith.constant 0 : index
    %swap3A_6 = arith.constant 0 : index
    %swap3A_7 = vector.load %arg5[%swap3A, %swap3A_6] : memref<1000x128xf32, #tpu.memory_space<vmem>>, vector<1000x128xf32>
    tpu.vector_store %arg5[%swap3A, %swap3A_6], %dot_general3A_5 {strides = array<i32>} : memref<1000x128xf32, #tpu.memory_space<vmem>>, vector<1000x128xf32>,
    %get3A_8 = arith.constant 0 : index
    %get3A_9 = arith.constant 0 : index
    %get3A_10 = vector.load %arg3[%get3A_8, %get3A_9] : memref<128x128xf32, #tpu.memory_space<vmem>>, vector<128x128xf32>
    %dot_general3A_11 = arith.constant dense<0.000000e+00> : vector<1000x128xf32>
    %dot_general3A_12 = tpu.matmul %get3A_1, %get3A_10, %dot_general3A_11 {dimension_numbers = #tpu.dot_dimension_numbers<[1], [0], [0], [1], [0, 0, 1, 1], [], []>, transpose_lhs_hint = false} : vector<1000x128xf32>, vector<128x128xf32>, vector<1000x128xf32> -> vector<1000x128xf32>
    %get3A_13 = arith.constant 0 : index
    %get3A_14 = arith.constant 0 : index
    %get3A_15 = vector.load %arg4[%get3A_13, %get3A_14] : memref<1x128xf32, #tpu.memory_space<vmem>>, vector<1x128xf32>
    %add3A = vector.broadcast %get3A_15 : vector<1x128xf32> to vector<1000x128xf32>
    %add3A_16 = arith.addf %dot_general3A_12, %add3A : vector<1000x128xf32>
    %swap3A_17 = arith.constant 0 : index
    %swap3A_18 = arith.constant 0 : index
    %swap3A_19 = vector.load %arg6[%swap3A_17, %swap3A_18] : memref<1000x128xf32, #tpu.memory_space<vmem>>, vector<1000x128xf32>
    tpu.vector_store %arg6[%swap3A_17, %swap3A_18], %add3A_16 {strides = array<i32>} : memref<1000x128xf32, #tpu.memory_space<vmem>>, vector<1000x128xf32>,
    return
  }
  func.func @transform_0(%arg0: i32) -> (i32, i32) {
    %c0_i32 = arith.constant 0 : i32
    %c0_i32_0 = arith.constant 0 : i32
    return %arg0, %c0_i32 : i32, i32
  }
  func.func @transform_1(%arg0: i32) -> (i32, i32) {
    %c0_i32 = arith.constant 0 : i32
    %c0_i32_0 = arith.constant 0 : i32
    %c0_i32_1 = arith.constant 0 : i32
    return %c0_i32, %c0_i32_0 : i32, i32
  }
  func.func @transform_2(%arg0: i32) -> (i32, i32) {
    %c0_i32 = arith.constant 0 : i32
    %c0_i32_0 = arith.constant 0 : i32
    %c0_i32_1 = arith.constant 0 : i32
    return %c0_i32, %c0_i32_0 : i32, i32
  }
  func.func @transform_3(%arg0: i32) -> (i32, i32) {
    %c0_i32 = arith.constant 0 : i32
    %c0_i32_0 = arith.constant 0 : i32
    %c0_i32_1 = arith.constant 0 : i32
    return %c0_i32, %c0_i32_0 : i32, i32
  }
  func.func @transform_4(%arg0: i32) -> (i32, i32) {
    %c0_i32 = arith.constant 0 : i32
    %c0_i32_0 = arith.constant 0 : i32
    return %arg0, %c0_i32 : i32, i32
  }
  func.func @transform_5(%arg0: i32) -> (i32, i32) {
    %c0_i32 = arith.constant 0 : i32
    %c0_i32_0 = arith.constant 0 : i32
    return %arg0, %c0_i32 : i32, i32
  }
}

</mosaic_0001>

<sc_bundles>
// kernel: kernel.4.cloned.1.call-start
scs
__scs_entry_jumppad:
0x0: {  	(pc) =	sbr.rel $0x88, $3  }
0x1: {  	(tag) =	ssettag $0x0;
	lr =	simm.s32 $0x1  }
0x2: {  	[smem:$0x3F9B] =	sst lr;
	_ =	strace $0xD0000000  }
0x3: {  	_ = 	snop  }
0x4: {  	_ = 	snop  }
0x5: {  	_ = 	snop  }
0x6: {  	_ = 	snop  }
0x7: {  	_ = 	snop  }
__scs_overlays_trampoline_lowered:
0x8: {  	[smem:$0x3FAA] =	sst s0  }
0x9: {  	[smem:$0x3FAB] =	sst s1  }
0xa: {  	[smem:$0x3FAC] =	sst s2  }
0xb: {  	[smem:$0x3FAD] =	sst s3  }
0xc: {  	[smem:$0x3FAE] =	sst s4  }
0xd: {  	[smem:$0x3FAF] =	sst s5  }
0xe: {  	[smem:$0x3FB0] =	sst s6  }
0xf: {  	[smem:$0x3FB1] =	sst s7  }
0x10: {  	[smem:$0x3FB2] =	sst s8  }
0x11: {  	[smem:$0x3FB3] =	sst s9;
	s0 =	simm.s32 @!p0 $0x0  }
0x12: {  	s1 =	sld [smem:$0x3F99];
	s0 =	simm.s32 @p0 $0x1  }
0x13: {  	[smem:$0x3FB4] =	sst s0;
	s0 =	simm.s32 @!p1 $0x0  }
0x14: {  	s2 =	sld [smem:$0x3F98];
	s0 =	simm.s32 @p1 $0x1  }
0x15: {  	[smem:$0x3FB5] =	sst s0;
	s0 =	simm.s32 @!p2 $0x0  }
0x16: {  	s3 =	sld [smem:$0x3FDB];
	s0 =	simm.s32 @p2 $0x1  }
0x17: {  	s4 =	simm.s32 $0x1BF5;
	[smem:$0x3FB7] =	sst s0  }
0x18: {  	s0 =	sld [smem:$0x3F9A];
	_ =	swait.ge [sflag:s4], $0x0  }
0x19: {  	s7 =	sld [smem:$0x3F9B]  }
0x1a: {  	s8 =	sadd.s32 $0xFFFFE003, lr  }
0x1b: {  	s9 =	sadd.s32 $0xFFFFFEF7, lr;
	s5 =	simm.s32 $0xFFFFFFFF;
	p2 =	slt.u32 s8, $0xFFFFF086  }
0x1c: {  	p1 =	slt.u32 s9, $0xF7A;
	s5 =	simm.s32 @!p2 $0x0  }
0x1d: {  	s5 =	simm.s32 @p1 $0x1;
	p0 =	seq.s32 s7, s2  }
0x1e: {  	s7 =	smul.u32 @!p0 $0xF7A, s2;
	p2 =	seq.s32 @!p0 s5, $0x0  }
0x1f: {  	s9 =	smul.u32 $0xF7A, s1;
	s8 =	simm.s32 @!p0 $0x1BF5;
	p2 =	por !p2, p0  }
0x20: {  	[sflag:s8] =	ssyncset.s32 @!p0 $0xFFFFF086;
	s6 =	sadd.s32 @!p0 s3, s7;
	s7 =	simm.s32 @!p0 $0x108  }
0x21: {  	s3 =	sadd.s32 s3, s9;
	s6 =	sadd.s32 @!p0 $0x88, s6;
	s7 =	simm.s32 @p2 $0x1082  }
0x22: {  	[simem:s7], [sflag:s8] =	dma.local @!p0 [hbm:s6], $0xF7A  }
0x23: {  	s9 =	sor.u32 $0xD0000000, s2;
	s6 =	simm.s32 $0x108;
	_ =	swait.ge @!p0 [sflag:s8], $0x0  }
0x24: {  	s3 =	sadd.s32 $0x88, s3;
	s6 =	simm.s32 @!p1 $0x1082;
	[sflag:s4] =	ssyncset.s32 $0xFFFFF086  }
0x25: {  	[simem:s6], [sflag:s4] =	dma.local [hbm:s3], $0xF7A  }
0x26: {  	[smem:$0x3F9B] =	sst s1;
	(tag) =	ssettag s2;
	_ =	strace s9  }
0x27: {  	s1 =	sld [smem:$0x3FAB]  }
0x28: {  	s2 =	sld [smem:$0x3FAC]  }
0x29: {  	s4 =	sld [smem:$0x3FAE]  }
0x2a: {  	p0 =	seq.s32 s5, $0x0;
	s5 =	sld [smem:$0x3FAF]  }
0x2b: {  	s6 =	sld [smem:$0x3FB0]  }
0x2c: {  	s7 =	sld [smem:$0x3FB1]  }
0x2d: {  	s3 =	simm.s32 $0x108;
	s8 =	sld [smem:$0x3FB2]  }
0x2e: {  	s3 =	simm.s32 @!p0 $0x1082;
	s9 =	sld [smem:$0x3FB3]  }
0x2f: {  	lr =	sadd.s32 s0, s3;
	s0 =	sld [smem:$0x3FAA]  }
0x30: {  	s3 =	sld [smem:$0x3FAD]  }
0x31: {  	[smem:$0x3FB6] =	sst s10  }
0x32: {  	s10 =	sld [smem:$0x3FB4];
	_ =	sdelay $0x3  }
0x33: {  	p0 =	seq.s32 s10, $0x1;
	s10 =	sld [smem:$0x3FB6];
	_ =	sdelay $0x3  }
0x34: {  	[smem:$0x3FB6] =	sst s10  }
0x35: {  	s10 =	sld [smem:$0x3FB5];
	_ =	sdelay $0x3  }
0x36: {  	p1 =	seq.s32 s10, $0x1;
	s10 =	sld [smem:$0x3FB6];
	_ =	sdelay $0x3  }
0x37: {  	[smem:$0x3FB6] =	sst s10  }
0x38: {  	s10 =	sld [smem:$0x3FB7]  }
0x39: {  	_ = 	snop;
	(pc) =	sbr.ind lr, $3  }
0x3a: {  	_ = 	snop  }
0x3b: {  	_ = 	snop  }
0x3c: {  	p2 =	seq.s32 s10, $0x1;
	s10 =	sld [smem:$0x3FB6]  }
0x3d: {  	_ =	shalt  }
0x3e: {  	_ =	shalt  }
0x3f: {  	_ =	shalt  }
0x40: {  	_ =	shalt  }
0x41: {  	_ =	shalt  }
0x42: {  	_ =	shalt  }
0x43: {  	_ =	shalt  }
0x44: {  	_ =	shalt  }
0x45: {  	_ =	shalt  }
0x46: {  	_ =	shalt  }
0x47: {  	_ =	shalt  }
0x48: {  	_ =	shalt  }
0x49: {  	_ =	shalt  }
0x4a: {  	_ =	shalt  }
0x4b: {  	_ =	shalt  }
0x4c: {  	_ =	shalt  }
0x4d: {  	_ =	shalt  }
0x4e: {  	_ =	shalt  }
0x4f: {  	_ =	shalt  }
0x50: {  	_ =	shalt  }
0x51: {  	_ =	shalt  }
0x52: {  	_ =	shalt  }
0x53: {  	_ =	shalt  }
0x54: {  	_ =	shalt  }
0x55: {  	_ =	shalt  }
0x56: {  	_ =	shalt  }
0x57: {  	_ =	shalt  }
0x58: {  	_ =	shalt  }
0x59: {  	_ =	shalt  }
0x5a: {  	_ =	shalt  }
0x5b: {  	_ =	shalt  }
0x5c: {  	_ =	shalt  }
0x5d: {  	_ =	shalt  }
0x5e: {  	_ =	shalt  }
0x5f: {  	_ =	shalt  }
0x60: {  	_ =	shalt  }
0x61: {  	_ =	shalt  }
0x62: {  	_ =	shalt  }
0x63: {  	_ =	shalt  }
0x64: {  	_ =	shalt  }
0x65: {  	_ =	shalt  }
0x66: {  	_ =	shalt  }
0x67: {  	_ =	shalt  }
0x68: {  	_ =	shalt  }
0x69: {  	_ =	shalt  }
0x6a: {  	_ =	shalt  }
0x6b: {  	_ =	shalt  }
0x6c: {  	_ =	shalt  }
0x6d: {  	_ =	shalt  }
0x6e: {  	_ =	shalt  }
0x6f: {  	_ =	shalt  }
0x70: {  	_ =	shalt  }
0x71: {  	_ =	shalt  }
0x72: {  	_ =	shalt  }
0x73: {  	_ =	shalt  }
0x74: {  	_ =	shalt  }
0x75: {  	_ =	shalt  }
0x76: {  	_ =	shalt  }
0x77: {  	_ =	shalt  }
0x78: {  	_ =	shalt  }
0x79: {  	_ =	shalt  }
0x7a: {  	_ =	shalt  }
0x7b: {  	_ =	shalt  }
0x7c: {  	_ =	shalt  }
0x7d: {  	_ =	shalt  }
0x7e: {  	_ =	shalt  }
0x7f: {  	_ =	shalt  }
0x80: {  	_ =	shalt  }
0x81: {  	_ =	shalt  }
0x82: {  	_ =	shalt  }
0x83: {  	_ =	shalt  }
0x84: {  	_ =	shalt  }
0x85: {  	_ =	shalt  }
0x86: {  	_ =	shalt  }
0x87: {  	_ =	shalt  }
.Lfunc_end0:
.L_simem_size_0:
called_computation_lowered:
.L_overlay_start_0:
0x88: {  	s2 =	sld [smem:$0x3FD9]  }
0x89: {  	s3 =	sld [smem:$0x3FFE];
	_ =	sdelay $0x1  }
0x8a: {  	s1 =	srdreg.scid  }
0x8b: {  	s0 =	sand.u32 $0x1, s1  }
0x8c: {  	s17 =	sshll.u32 s0, $0xA;
	s2 =	sadd.s32 s3, s2  }
0x8d: {  	s2 =	sadd.s32 s2, s17  }
0x8e: {  	[smem:$0x3FC2] =	sst s2  }
0x8f: {  	_ = 	snop  }
0x90: {  	s2 =	sld [smem:$0x3FC5]  }
0x91: {  	s18 =	sld [smem:$0x3FD0];
	(tm) =	ssettm $0x1  }
0x92: {  	s4 =	sld [smem:$0x3FFB];
	_ =	sdelay $0x3  }
0x93: {  	_ =	strace s4  }
0x94: {  	s4 =	sld [smem:$0x3FFC];
	_ =	sdelay $0x3  }
0x95: {  	_ =	strace s4  }
0x96: {  	s4 =	sld [smem:$0x3FFD];
	_ =	sdelay $0x3  }
0x97: {  	_ =	strace s4  }
0x98: {  	_ =	strace $0x8FFFFFFF  }
0x99: {  	s19 =	sld [smem:$0x3FDB];
	_ =	sdelay $0x1  }
0x9a: {  	s5 =	simm.s32 $_scs_section_size  }
0x9b: {  	s6 =	simm.s32 $_size__tile_overlayer_lowered;
	s7 =	simm.s32 $_tile_overlayer_lowered  }
0x9c: {  	s22 =	simm.s32 $0x1BFF;
	s21 =	sshll.u32 s7, $0x1;
	s4 =	sadd.s32 s5, s19  }
0x9d: {  	s8 =	simm.s32 $0x0;
	s20 =	sshll.u32 s6, $0x1;
	s6 =	sadd.s32 s21, s4  }
0x9e: {  	[timem:s8], [sflag:s22] =	dma.local [hbm:s6], s20  }
0x9f: {  	_ =	swait.ge [sflag:s22], s20  }
0xa0: {  	s5 =	ssub.s32 $0x0, s20;
	[sflag:s22] =	ssyncset.done $0x0  }
0xa1: {  	[sflag:s22] =	ssyncadd.s32 s5;
	_ =	sdelay $0x1  }
0xa2: {  	s23 =	simm.s32 $0x1B8B  }
0xa3: {  	_ =	swait.ge [sflag:s23], $0x1  }
0xa4: {  	[sflag:s23] =	ssyncset.done $0x0  }
0xa5: {  	s25 =	simm.s32 $0x1B8E;
	s24 =	sld [smem:$0x3FFE];
	[sflag:s23] =	ssyncadd.s32 $0xFFFFFFFF  }
0xa6: {  	s26 =	simm.s32 $execute0_lowered;
	[smem:$0x3FD2] =	sst s25  }
0xa7: {  	s6 =	sshll.u32 s26, $0x1;
	_ =	strace $0x80000046;
	[dreg:$0x1] =	wrdreg $0xFFFFFFFF  }
0xa8: {  	s28 =	simm.s32 $_size_execute0_lowered;
	s4 =	sadd.s32 s4, s6;
	[dreg:$0x0] =	wrdreg $0x0  }
0xa9: {  	s6 =	sshll.u32 s28, $0x1;
	[dreg:$0x2] =	wrdreg s4  }
0xaa: {  	[dreg:$0x3] =	wrdreg s6  }
0xab: {  	[dreg:$0x4] =	wrdreg $0xC0  }
0xac: {  	_ =	task [dreg:s8], $0x5FFFF  }
0xad: {  	[dreg:$0x1] =	wrdreg $0xFFFFFFFF  }
0xae: {  	[dreg:$0x0] =	wrdreg $0x60  }
0xaf: {  	[dreg:$0x2] =	wrdreg s24  }
0xb0: {  	[dreg:$0x3] =	wrdreg s2  }
0xb1: {  	[dreg:$0x4] =	wrdreg s18  }
0xb2: {  	[dreg:$0x5] =	wrdreg $0x9  }
0xb3: {  	_ =	task.clear_ibuf [dreg:s8], $0x6FFFF;
	_ =	strace $0x90000046  }
0xb4: {  	s29 =	simm.s32 $0x9;
	_ =	strace $0x80000048  }
0xb5: {  	_ =	swait.ge [sflag:s29], $0x1  }
0xb6: {  	[sflag:s29] =	ssyncadd.s32 $0xFFFFFFFF  }
0xb7: {  	_ =	strace $0x90000048  }
0xb8: {  	_ =	sfence  }
0xb9: {  	s30 =	sld [smem:$0x0];
	_ =	sdelay $0x2  }
0xba: {  	s31 =	sshll.u32 s1, $0xD;
	s1 =	sshrl.u32 s1, $0x2  }
0xbb: {  	s3 =	sand.u32 $0x4000, s31;
	s1 =	sadd.s32 s1, s30  }
0xbc: {  	s0 =	sor.u32 s3, s0;
	s1 =	sshll.u32 s1, $0x11  }
0xbd: {  	s0 =	sor.u32 s1, s0  }
0xbe: {  	s0 =	sadd.s32 $0x8F2B, s0  }
0xbf: {  	[sflag:s0] =	ssyncadd.remote.s32 $0x1  }
0xc0: {  	_ =	sfence.sel $0xFFFF  }
0xc1: {  	[dreg:$0x0] =	wrdreg $0xFFFFFFFF;
	(pc) =	sbr.abs _section_cstart, $3  }
0xc2: {  	[dreg:$0x1] =	wrdreg $0xFFFFFFFF  }
0xc3: {  	_ =	task.clear_ibuf [dreg:s8], $0x2FFFF;
	_ =	strace $0x9FFFFFFF  }
0xc4: {  	(tm) =	ssettm $0x7FFFFFFF  }
0xc5: {  	_ =	shalt  }
tec
execute0_lowered:
.L_overlay_start_1:
0x0: {  	(tag) =	ssettag $0x1  }
0x1: {  	s0 =	rddreg [dreg:$0x0]  }
0x2: {  	s1 =	rddreg [dreg:$0x2]  }
0x3: {  	s2 =	srdreg.scid;
	s4 =	stileid.u32;
	s3 =	simm.s32 $0x0;
	v0 =	vimm.s32 $0xEFCDAB89  }
0x4: {  	v1 =	vimm.s32 $0x67452301;
	s11 =	simm.s32 $0x9;
	s14 =	simm.s32 $0x50;
	s16 =	simm.s32 $0x4F00  }
0x5: {  	v2 =	vimm.s32 $0xDCFE98BA;
	v3 =	vimm.s32 $0x54761032;
	s17 =	simm.s32 $0xEF00;
	s29 =	simm.s32 $0x16700;
	s30 =	simm.s32 $0x1  }
0x6: {  	v4 =	vimm.s32 $0xBA98FEDC;
	v5 =	vimm.s32 $0x32107654;
	v6 =	vimm.s32 $0xFEDCBA98;
	s31 =	simm.s32 $0x5;
	s10 =	simm.s32 $0x3;
	s12 =	simm.s32 $0x7  }
0x7: {  	v7 =	vimm.s32 $0x76543210;
	s18 =	simm.s32 $0x4;
	s2 =	sand.u32 $0x1, s2;
	s4 =	sshll.u32 s4, $0x1;
	v0 =	vunpack.c.l.s4.s8 v0;
	v1 =	vunpack.c.l.s4.s8 v1  }
0x8: {  	s19 =	simm.s32 $0x8;
	s20 =	simm.s32 $0x0;
	v2 =	vunpack.c.l.s4.s8 v2;
	v3 =	vunpack.c.l.s4.s8 v3;
	v4 =	vunpack.c.l.s4.s8 v4;
	s4 =	sor.u32 s2, s4  }
0x9: {  	[smem:$0x7FF] =	sst s3;
	s5 =	sadd.s32 $0x3B600, s0;
	v5 =	vunpack.c.l.s4.s8 v5;
	v6 =	vunpack.c.l.s4.s8 v6;
	v7 =	vunpack.c.l.s4.s8 v7;
	s9 =	smul.u32 $0x4E2, s4  }
0xa: {  	_ =	strace $0x80000047;
	s2 =	ssub.s32 $0x2, s2;
	s4 =	sadd.s32 $0x14400, s0;
	v0 =	vunpack.c.0.s8.s32 v0;
	v1 =	vunpack.c.0.s8.s32 v1;
	v2 =	vunpack.c.0.s8.s32 v2  }
0xb: {  	s25 =	sshrl.u32 s2, $0x1;
	v3 =	vunpack.c.0.s8.s32 v3;
	v4 =	vunpack.c.0.s8.s32 v4;
	v5 =	vunpack.c.0.s8.s32 v5;
	s8 =	sadd.s32 s9, s0;
	s0 =	sadd.s32 $0x62800, s0  }
0xc: {  	s9 =	sadd.s32 s1, s9;
	v0 =	vcombine.low v1, v0;
	v1 =	vunpack.c.0.s8.s32 v6;
	[dreg:$0x4] =	wrdreg s0;
	s26 =	sadd.s32 $0xA600, s8  }
0xd: {  	v2 =	vcombine.low v3, v2;
	v3 =	vcombine.low v5, v4;
	v4 =	vunpack.c.0.s8.s32 v7;
	s1 =	simm.s32 $0x2;
	s28 =	sadd.s32 $0x800, s8;
	[dreg:$0x5] =	wrdreg s26  }
0xe: {  	vm0 =	vmmov $0x1;
	s0 =	ssub.s32 s2, s25;
	s2 =	simm.s32 $0x6;
	[dreg:$0x6] =	wrdreg s28;
	v0 =	vand.u32 $0xF, v0;
	v5 =	vand.u32 $0xF, v1  }
0xf: {  	s15 =	smax.u32 s0, $0x1;
	s26 =	simm.s32 $0xC700;
	s0 =	simm.s32 $0x19000;
	v1 =	vand.u32 $0xF, v2;
	v2 =	vand.u32 $0xF, v3;
	v3 =	vcombine.low v5, v4  }
.LBB2_1:
0x10: {  	s6 =	rddreg [dreg:$0x1];
	s7 =	simm.s32 $0x18F00  }
0x11: {  	[tilespmem:s7], [sflag:$0x9] =	stream.linear.gather [hbm4b:s6+s3], $0x80, $0x38;
	[tilespmem:$0x1B780] =	vst v63  }
0x12: {  	_ =	swait.ge [sflag:s11], $0x80  }
0x13: {  	[sflag:s11] =	ssyncset.done $0x0  }
0x14: {  	s23 =	simm.s32 $0x18F80;
	s22 =	rddreg [dreg:$0x4];
	[sflag:s11] =	ssyncadd.s32 $0xFFFFFF80  }
0x15: {  	[tilespmem:s23], [sflag:$0x9] =	stream.linear.gather [hbm4b:s22+s3], $0x80, $0x38;
	[tilespmem:$0x1B780] =	vst v63  }
0x16: {  	_ =	swait.ge [sflag:s11], $0x80  }
0x17: {  	[sflag:s11] =	ssyncset.done $0x0  }
0x18: {  	s24 =	rddreg [dreg:$0x5];
	[sflag:s11] =	ssyncadd.s32 $0xFFFFFF80  }
0x19: {  	[tilespmem:s3], [sflag:$0x9] =	stream.linear.gather [hbm4b:s24+s3], $0x2710, $0x38;
	[tilespmem:$0x1B780] =	vst v63  }
0x1a: {  	_ =	swait.ge [sflag:s11], $0x2710  }
0x1b: {  	[sflag:s11] =	ssyncset.done $0x0  }
0x1c: {  	s28 =	simm.s32 $0x2780;
	s25 =	rddreg [dreg:$0x6];
	[sflag:s11] =	ssyncadd.s32 $0xFFFFD8F0  }
0x1d: {  	[tilespmem:s28], [sflag:$0x9] =	stream.linear.gather [hbm4b:s25+s3], $0x2710, $0x38;
	[tilespmem:$0x1B780] =	vst v63  }
0x1e: {  	_ =	swait.ge [sflag:s11], $0x2710  }
0x1f: {  	[sflag:s11] =	ssyncset.done $0x0  }
0x20: {  	[sflag:s11] =	ssyncadd.s32 $0xFFFFD8F0  }
0x21: {  	v5 =	vld [tilespmem:$0x18F80]  }
0x22: {  	v4 =	vld [tilespmem:$0x18F00]  }
0x23: {  	v10 =	vld [tilespmem:$0x18F10]  }
0x24: {  	v11 =	vld [tilespmem:$0x18F20]  }
0x25: {  	v12 =	vld [tilespmem:$0x18F30]  }
0x26: {  	v8 =	vld [tilespmem:$0x18F40]  }
0x27: {  	v9 =	vld [tilespmem:$0x18F50]  }
0x28: {  	v6 =	vld [tilespmem:$0x18F60]  }
0x29: {  	v7 =	vld [tilespmem:$0x18F70];
	[tilespmem:s16], [sflag:$0x1] =	stream.indirect.gather [hbm4b:s4+s14], $0x80, s3, s14, $0xb8  }
0x2a: {  	_ = 	snop  }
0x2b: {  	[tilespmem:s17], [sflag:$0x5] =	stream.indirect.gather [hbm4b:s5+s14], $0x80, s28, s14, $0xb8;
	[tilespmem:$0x1B780] =	vst v63  }
0x2c: {  	s7 =	simm.s32 $0x7700  }
0x2d: {  	[tilespmem:s7], [sflag:$0x2] =	stream.indirect.gather [hbm4b:s4+s14], $0x80, s14, s14, $0xb8;
	[tilespmem:$0x1B780] =	vst v63  }
0x2e: {  	s8 =	simm.s32 $0x27D0;
	s13 =	simm.s32 $0x11700  }
0x2f: {  	[tilespmem:s13], [sflag:$0x6] =	stream.indirect.gather [hbm4b:s5+s14], $0x80, s8, s14, $0xb8;
	[tilespmem:$0x1B780] =	vst v63  }
0x30: {  	s21 =	simm.s32 $0xA0;
	s22 =	simm.s32 $0x9F00  }
0x31: {  	[tilespmem:s22], [sflag:$0x3] =	stream.indirect.gather [hbm4b:s4+s14], $0x80, s21, s14, $0xb8;
	[tilespmem:$0x1B780] =	vst v63  }
0x32: {  	s23 =	simm.s32 $0x2820;
	s24 =	simm.s32 $0x13F00  }
0x33: {  	[tilespmem:s24], [sflag:$0x7] =	stream.indirect.gather [hbm4b:s5+s14], $0x80, s23, s14, $0xb8;
	[tilespmem:$0x1B780] =	vst v63  }
0x34: {  	s25 =	simm.s32 $0xF0  }
0x35: {  	[tilespmem:s26], [sflag:$0x4] =	stream.indirect.gather [hbm4b:s4+s14], $0x80, s25, s14, $0xb8;
	[tilespmem:$0x1B780] =	vst v63  }
0x36: {  	s28 =	simm.s32 $0x2870;
	s21 =	simm.s32 $0x0;
	s22 =	simm.s32 $0x0  }
0x37: {  	v5 =	vnsel vm0, $0x0, v5;
	[tilespmem:s29], [sflag:$0x8] =	stream.indirect.gather [hbm4b:s5+s14], $0x80, s28, s14, $0xb8;
	[tilespmem:$0x1B780] =	vst v63  }
.LBB2_2:
0x38: {  	_ =	swait.ge [sflag:s30], $0x2800  }
0x39: {  	[sflag:s30] =	ssyncset.done $0x0  }
0x3a: {  	[sflag:s30] =	ssyncadd.s32 $0xFFFFD800  }
0x3b: {  	_ =	swait.ge [sflag:s31], $0x2800  }
0x3c: {  	[sflag:s31] =	ssyncset.done $0x0  }
0x3d: {  	s13 =	simm.s32 $0x5000;
	[sflag:s31] =	ssyncadd.s32 $0xFFFFD800  }
0x3e: {  	s24 =	simm.s32 $0xF000;
	v14 =	vld [tilespmem:s13+$0x80]  }
0x3f: {  	v15 =	vld [tilespmem:s24+$0x80]  }
0x40: {  	v16 =	vld [tilespmem:s13+$0x90]  }
0x41: {  	v17 =	vld [tilespmem:s24+$0x90]  }
0x42: {  	v18 =	vld [tilespmem:s13+$0xA0]  }
0x43: {  	v19 =	vld [tilespmem:s24+$0xA0]  }
0x44: {  	v20 =	vld [tilespmem:s13+$0xB0]  }
0x45: {  	v21 =	vld [tilespmem:s24+$0xB0]  }
0x46: {  	v22 =	vld [tilespmem:s13+$0xC0]  }
0x47: {  	v23 =	vld [tilespmem:s24+$0xC0]  }
0x48: {  	v24 =	vld [tilespmem:s13+$0xD0]  }
0x49: {  	v25 =	vld [tilespmem:s24+$0xD0]  }
0x4a: {  	v26 =	vld [tilespmem:s13+$0xE0]  }
0x4b: {  	v27 =	vld [tilespmem:s24+$0xE0]  }
0x4c: {  	v28 =	vld [tilespmem:s13+$0xF0]  }
0x4d: {  	v29 =	vld [tilespmem:s24+$0xF0]  }
0x4e: {  	v13 =	vld [tilespmem:s24+$0xFFFFFF00]  }
0x4f: {  	v30 =	vld [tilespmem:s13+$0xFFFFFF10]  }
0x50: {  	v31 =	vld [tilespmem:s24+$0xFFFFFF10];
	v14 =	vadd.f32 v15, v14  }
0x51: {  	v32 =	vld [tilespmem:s13+$0xFFFFFF60];
	v16 =	vadd.f32 v17, v16;
	v17 =	vadd.f32 v19, v18  }
0x52: {  	v33 =	vld [tilespmem:s24+$0xFFFFFF60];
	v19 =	vadd.f32 v21, v20;
	v20 =	vadd.f32 v23, v22  }
0x53: {  	v15 =	vld [tilespmem:s13+$0xFFFFFF20];
	v22 =	vadd.f32 v25, v24;
	v23 =	vadd.f32 v27, v26  }
0x54: {  	v18 =	vld [tilespmem:s24+$0xFFFFFF20];
	v25 =	vadd.f32 v29, v28;
	v14 =	vmax.f32 v14, $0.0e+00;
	v16 =	vmax.f32 v16, $0.0e+00  }
0x55: {  	v21 =	vld [tilespmem:s13+$0xFFFFFF30];
	v17 =	vmax.f32 v17, $0.0e+00;
	v19 =	vmax.f32 v19, $0.0e+00;
	v20 =	vmax.f32 v20, $0.0e+00  }
0x56: {  	v24 =	vld [tilespmem:s24+$0xFFFFFF30];
	v22 =	vmax.f32 v22, $0.0e+00;
	v14 =	vmul.f32 v14, v4;
	v16 =	vmul.f32 v16, v10  }
0x57: {  	v28 =	vld [tilespmem:s13+$0xFFFFFF50];
	v23 =	vmax.f32 v23, $0.0e+00;
	v17 =	vmul.f32 v17, v11;
	v19 =	vmul.f32 v19, v12  }
0x58: {  	v29 =	vld [tilespmem:s24+$0xFFFFFF50];
	v25 =	vmax.f32 v25, $0.0e+00;
	v20 =	vmul.f32 v20, v8;
	v22 =	vmul.f32 v22, v9  }
0x59: {  	v26 =	vld [tilespmem:s13+$0xFFFFFF40];
	v23 =	vmul.f32 v23, v6;
	v25 =	vmul.f32 v25, v7  }
0x5a: {  	v27 =	vld [tilespmem:s24+$0xFFFFFF40];
	v14 =	vadd.f32 v16, v14;
	v16 =	vadd.f32 v19, v17  }
0x5b: {  	v17 =	vld [tilespmem:s13+$0xFFFFFF70];
	v19 =	vadd.f32 v22, v20;
	v20 =	vadd.f32 v25, v23  }
0x5c: {  	v22 =	vld [tilespmem:s24+$0xFFFFFF70];
	v23 =	vadd.f32 v31, v30;
	v15 =	vadd.f32 v18, v15  }
0x5d: {  	v25 =	vld [tilespmem:s13+$0xFFFFFF80];
	v21 =	vadd.f32 v24, v21;
	v24 =	vadd.f32 v29, v28  }
0x5e: {  	v18 =	vld [tilespmem:s13+$0xFFFFFF90];
	v16 =	vadd.f32 v16, v14;
	v19 =	vadd.f32 v20, v19  }
0x5f: {  	v29 =	vadd.f32 v33, v32;
	v20 =	vld [tilespmem:s24+$0xFFFFFF80];
	v14 =	vmax.f32 v23, $0.0e+00;
	v15 =	vmax.f32 v15, $0.0e+00  }
0x60: {  	v23 =	vadd.f32 v27, v26;
	v21 =	vmax.f32 v21, $0.0e+00;
	v16 =	vadd.f32 v19, v16;
	v19 =	vld [tilespmem:s24+$0xFFFFFF90]  }
0x61: {  	v61 =	vld [tilespmem:s24+$0xFFFFFFC0];
	v24 =	vmax.f32 v24, $0.0e+00;
	v29 =	vmax.f32 v29, $0.0e+00;
	v15 =	vmul.f32 v15, v11  }
0x62: {  	v28 =	vld [tilespmem:s13+$0xFFFFFFB0];
	v21 =	vmul.f32 v21, v12;
	v17 =	vadd.f32 v22, v17;
	v16 =	vadd.f32 v16, v5  }
0x63: {  	v26 =	vld [tilespmem:s13+$0xFFFFFFA0];
	v24 =	vmul.f32 v24, v9;
	v29 =	vmul.f32 v29, v6;
	v23 =	vmax.f32 v23, $0.0e+00  }
0x64: {  	v27 =	vld [tilespmem:s24+$0xFFFFFFA0];
	v23 =	vmul.f32 v23, v8;
	v17 =	vmax.f32 v17, $0.0e+00;
	v22 =	vperm.xlane v16, v0  }
0x65: {  	v30 =	vld [tilespmem:s24+$0xFFFFFFB0];
	v20 =	vadd.f32 v20, v25;
	v17 =	vmul.f32 v17, v7;
	v18 =	vadd.f32 v19, v18  }
0x66: {  	v31 =	vld [tilespmem:s13+$0xFFFFFFC0];
	v22 =	vadd.f32 v16, v22;
	v16 =	vadd.f32 v21, v15  }
0x67: {  	v25 =	vld [tilespmem:s13+$0xFFFFFFD0];
	v15 =	vadd.f32 v24, v23;
	v17 =	vadd.f32 v17, v29  }
0x68: {  	v23 =	vld [tilespmem:s24+$0xFFFFFFD0];
	v21 =	vperm.xlane v22, v1  }
0x69: {  	v19 =	vld [tilespmem:s13+$0xFFFFFFE0];
	v24 =	vadd.f32 v27, v26;
	v26 =	vmax.f32 v18, $0.0e+00;
	v18 =	vadd.f32 v17, v15  }
0x6a: {  	v20 =	vmax.f32 v20, $0.0e+00;
	v15 =	vadd.f32 v30, v28;
	v17 =	vld [tilespmem:s13+$0xFFFFFFF0];
	v21 =	vadd.f32 v22, v21  }
0x6b: {  	v20 =	vmul.f32 v20, v4;
	v29 =	vadd.f32 v61, v31;
	v26 =	vmul.f32 v26, v10;
	v28 =	vld [tilespmem:s24+$0xFFFFFFF0]  }
0x6c: {  	v24 =	vmax.f32 v24, $0.0e+00;
	v22 =	vld [tilespmem:s24+$0xFFFFFFE0];
	v15 =	vmax.f32 v15, $0.0e+00;
	v27 =	vperm.xlane v21, v2  }
0x6d: {  	v30 =	vld [tilespmem:s13+$0x0];
	v24 =	vmul.f32 v24, v11;
	v15 =	vmul.f32 v15, v12;
	v23 =	vadd.f32 v23, v25  }
0x6e: {  	v20 =	vadd.f32 v26, v20;
	v26 =	vld [tilespmem:s24+$0x0];
	v21 =	vadd.f32 v21, v27  }
0x6f: {  	s23 =	sadd.s32 $0xFFFFFFFC, s21;
	v14 =	vmul.f32 v14, v10;
	v25 =	vld [tilespmem:s13+$0x10];
	v15 =	vadd.f32 v15, v24;
	v23 =	vmax.f32 v23, $0.0e+00  }
0x70: {  	s8 =	sadd.s32 $0x4, s23;
	v24 =	vld [tilespmem:s24+$0x10];
	v17 =	vadd.f32 v28, v17;
	v27 =	vmax.f32 v29, $0.0e+00;
	v29 =	vperm.xlane v21, v3  }
0x71: {  	v28 =	vmov s8;
	v27 =	vmul.f32 v27, v8;
	v19 =	vadd.f32 v22, v19;
	v22 =	vld [tilespmem:s13+$0x20]  }
0x72: {  	v15 =	vadd.f32 v15, v20;
	v20 =	vld [tilespmem:s24+$0x20];
	v29 =	vadd.f32 v21, v29;
	v21 =	vmul.f32 v23, v9  }
0x73: {  	v17 =	vmax.f32 v17, $0.0e+00;
	v19 =	vmax.f32 v19, $0.0e+00;
	v23 =	vadd.f32 v26, v30;
	v26 =	vld [tilespmem:s13+$0x30]  }
0x74: {  	s25 =	sadd.s32 $0x7, s23;
	s28 =	sadd.s32 $0x5, s23;
	v17 =	vmul.f32 v17, v7;
	v19 =	vmul.f32 v19, v6;
	v21 =	vadd.f32 v21, v27;
	v27 =	vld [tilespmem:s24+$0x30]  }
0x75: {  	s23 =	sadd.s32 $0x6, s23;
	v62 =	vld [tilespmem:s13+$0x40];
	v31 =	vmov s25;
	v28 =	vand.u32 $0xFFFFFFFC, v28;
	v30 =	vmov s28  }
0x76: {  	v24 =	vadd.f32 v24, v25;
	v25 =	vmov s23;
	v17 =	vadd.f32 v17, v19;
	v19 =	vld [tilespmem:s24+$0x40]  }
0x77: {  	v34 =	vld [tilespmem:s13+$0x50];
	v30 =	vand.u32 $0xFFFFFFFD, v30;
	v23 =	vmax.f32 v23, $0.0e+00;
	v20 =	vadd.f32 v20, v22  }
0x78: {  	v35 =	vld [tilespmem:s24+$0x50];
	v22 =	vmax.f32 v24, $0.0e+00;
	v63 =	vmul.f32 v23, v4;
	v17 =	vadd.f32 v17, v21  }
0x79: {  	v23 =	vld [tilespmem:s13+$0x60];
	v21 =	vmul.f32 v22, v10;
	v22 =	vmax.f32 v20, $0.0e+00;
	v27 =	vadd.f32 v27, v26  }
0x7a: {  	v20 =	vand.u32 $0xFFFFFFFE, v25;
	v24 =	vmul.f32 v22, v11;
	v17 =	vadd.f32 v17, v15;
	v26 =	vld [tilespmem:s24+$0x60]  }
0x7b: {  	v25 =	vld [tilespmem:s13+$0x70];
	v21 =	vadd.f32 v21, v63;
	v32 =	vadd.f32 v19, v62;
	v27 =	vmax.f32 v27, $0.0e+00  }
0x7c: {  	v15 =	vbroadcast v28, $0x0;
	v22 =	vadd.f32 v17, v5;
	v28 =	vmul.f32 v27, v12;
	v27 =	vld [tilespmem:s24+$0x70]  }
0x7d: {  	s25 =	simm.s32 $0x0;
	s23 =	smul.u32 $0x140, s22;
	s28 =	simm.s32 $0x5200;
	[tilespmem:v31+s0+$0x0] =	vst.idx.msk $0x1, v29;
	v29 =	vld [tilespmem:s13+$0xFFFFFF00];
	v19 =	vbroadcast v30, $0x0;
	v30 =	vadd.f32 v35, v34;
	v31 =	vmax.f32 v32, $0.0e+00  }
.LBB2_3:
0x7e: {  	v32 =	vld [tilespmem:s28+$0x80];
	v33 =	vperm.xlane v22, v0;
	v31 =	vmul.f32 v31, v8;
	v24 =	vadd.f32 v28, v24;
	s24 =	sadd.s32 $0x200, s24;
	s13 =	smov.u32 s25  }
0x7f: {  	v17 =	vbroadcast v20, $0x0;
	v28 =	vld [tilespmem:s24+$0x80];
	v30 =	vmax.f32 v30, $0.0e+00;
	v23 =	vadd.f32 v26, v23  }
0x80: {  	v20 =	vld [tilespmem:s28+$0x90];
	v22 =	vadd.f32 v22, v33;
	v26 =	vmul.f32 v30, v9;
	v21 =	vadd.f32 v24, v21  }
0x81: {  	v24 =	vld [tilespmem:s24+$0x90];
	v23 =	vmax.f32 v23, $0.0e+00;
	v25 =	vadd.f32 v27, v25  }
0x82: {  	v27 =	vld [tilespmem:s28+$0xA0];
	v13 =	vadd.f32 v13, v29;
	v23 =	vmul.f32 v23, v6;
	v26 =	vadd.f32 v26, v31  }
0x83: {  	v30 =	vperm.xlane v22, v1;
	v29 =	vld [tilespmem:s24+$0xA0];
	v25 =	vmax.f32 v25, $0.0e+00  }
0x84: {  	v31 =	vld [tilespmem:s28+$0xB0];
	v13 =	vmax.f32 v13, $0.0e+00;
	v25 =	vmul.f32 v25, v7  }
0x85: {  	v22 =	vadd.f32 v22, v30;
	v33 =	vld [tilespmem:s24+$0xB0];
	v13 =	vmul.f32 v13, v4  }
0x86: {  	v30 =	vld [tilespmem:s28+$0xC0];
	v23 =	vadd.f32 v25, v23  }
0x87: {  	v25 =	vld [tilespmem:s24+$0xC0];
	v13 =	vadd.f32 v14, v13;
	v14 =	vperm.xlane v22, v2  }
0x88: {  	v34 =	vld [tilespmem:s28+$0xD0];
	v23 =	vadd.f32 v23, v26  }
0x89: {  	v26 =	vld [tilespmem:s24+$0xD0];
	v13 =	vadd.f32 v16, v13;
	v14 =	vadd.f32 v22, v14  }
0x8a: {  	v16 =	vld [tilespmem:s28+$0xE0];
	v21 =	vadd.f32 v23, v21  }
0x8b: {  	v22 =	vld [tilespmem:s24+$0xE0];
	v13 =	vadd.f32 v18, v13;
	v18 =	vperm.xlane v14, v3  }
0x8c: {  	v23 =	vld [tilespmem:s28+$0xF0];
	v21 =	vadd.f32 v21, v5  }
0x8d: {  	v35 =	vld [tilespmem:s24+$0xF0];
	v36 =	vadd.f32 v13, v5;
	v14 =	vadd.f32 v14, v18  }
0x8e: {  	v18 =	vadd.f32 v28, v32;
	v13 =	vld [tilespmem:s24+$0xFFFFFF00];
	v28 =	vperm.xlane v21, v0  }
0x8f: {  	s25 =	sadd.s32 $0x4, s25;
	v20 =	vadd.f32 v24, v20;
	v24 =	vadd.f32 v29, v27;
	v32 =	vld [tilespmem:s28+$0xFFFFFF10];
	v27 =	vperm.xlane v36, v0  }
0x90: {  	p0 =	slt.u32 s25, $0x4C;
	v31 =	vadd.f32 v33, v31;
	v25 =	vadd.f32 v25, v30;
	v29 =	vld [tilespmem:s24+$0xFFFFFF10];
	[tilespmem:v19+s0+$0x0] =	vst.idx.msk $0x1, v14  }
0x91: {  	v14 =	vadd.f32 v26, v34;
	v16 =	vadd.f32 v22, v16;
	v19 =	vld [tilespmem:s28+$0xFFFFFF20]  }
0x92: {  	v20 =	vmax.f32 v20, $0.0e+00;
	v18 =	vmax.f32 v18, $0.0e+00;
	v22 =	vld [tilespmem:s24+$0xFFFFFF20];
	v23 =	vadd.f32 v35, v23  }
0x93: {  	v24 =	vmax.f32 v24, $0.0e+00;
	v30 =	vmax.f32 v31, $0.0e+00;
	v25 =	vmax.f32 v25, $0.0e+00;
	v26 =	vld [tilespmem:s28+$0xFFFFFF30]  }
0x94: {  	v20 =	vmul.f32 v20, v10;
	v18 =	vmul.f32 v18, v4;
	v14 =	vmax.f32 v14, $0.0e+00;
	v31 =	vld [tilespmem:s24+$0xFFFFFF30]  }
0x95: {  	v24 =	vmul.f32 v24, v11;
	v30 =	vmul.f32 v30, v12;
	v16 =	vmax.f32 v16, $0.0e+00;
	v33 =	vld [tilespmem:s28+$0xFFFFFF40]  }
0x96: {  	v25 =	vmul.f32 v25, v8;
	v14 =	vmul.f32 v14, v9;
	v23 =	vmax.f32 v23, $0.0e+00;
	v34 =	vld [tilespmem:s24+$0xFFFFFF40]  }
0x97: {  	v16 =	vmul.f32 v16, v6;
	v29 =	vadd.f32 v29, v32;
	v23 =	vmul.f32 v23, v7;
	v32 =	vld [tilespmem:s28+$0xFFFFFF50]  }
0x98: {  	v18 =	vadd.f32 v20, v18;
	v20 =	vadd.f32 v30, v24;
	v35 =	vld [tilespmem:s24+$0xFFFFFF50]  }
0x99: {  	v25 =	vadd.f32 v14, v25;
	v24 =	vmax.f32 v29, $0.0e+00;
	v16 =	vadd.f32 v23, v16;
	v29 =	vld [tilespmem:s28+$0xFFFFFF60]  }
0x9a: {  	v19 =	vadd.f32 v22, v19;
	v14 =	vmul.f32 v24, v10;
	v22 =	vadd.f32 v31, v26;
	v23 =	vld [tilespmem:s24+$0xFFFFFF60]  }
0x9b: {  	v18 =	vadd.f32 v20, v18;
	v16 =	vadd.f32 v16, v25;
	v24 =	vld [tilespmem:s28+$0xFFFFFF70]  }
0x9c: {  	v19 =	vmax.f32 v19, $0.0e+00;
	v20 =	vmax.f32 v22, $0.0e+00;
	v22 =	vadd.f32 v34, v33;
	v25 =	vld [tilespmem:s24+$0xFFFFFF70]  }
0x9d: {  	v19 =	vmul.f32 v19, v11;
	v16 =	vadd.f32 v16, v18;
	v26 =	vadd.f32 v35, v32;
	v30 =	vld [tilespmem:s28+$0xFFFFFF80]  }
0x9e: {  	v27 =	vadd.f32 v36, v27;
	v18 =	vmul.f32 v20, v12;
	v20 =	vmax.f32 v22, $0.0e+00;
	v22 =	vld [tilespmem:s24+$0xFFFFFF80]  }
0x9f: {  	v31 =	vadd.f32 v16, v5;
	v26 =	vmax.f32 v26, $0.0e+00;
	v23 =	vadd.f32 v23, v29;
	v29 =	vld [tilespmem:s28+$0xFFFFFF90]  }
0xa0: {  	v20 =	vmul.f32 v20, v8;
	v16 =	vadd.f32 v18, v19;
	v26 =	vmul.f32 v26, v9;
	v18 =	vld [tilespmem:s24+$0xFFFFFF90]  }
0xa1: {  	v19 =	vmax.f32 v23, $0.0e+00;
	v23 =	vadd.f32 v25, v24;
	v24 =	vld [tilespmem:s28+$0xFFFFFFA0];
	v25 =	vperm.xlane v31, v0  }
0xa2: {  	v21 =	vadd.f32 v21, v28;
	v19 =	vmul.f32 v19, v6;
	v20 =	vadd.f32 v26, v20;
	v26 =	vld [tilespmem:s24+$0xFFFFFFA0]  }
0xa3: {  	v23 =	vmax.f32 v23, $0.0e+00;
	v22 =	vadd.f32 v22, v30;
	v28 =	vld [tilespmem:s28+$0xFFFFFFB0];
	v25 =	vadd.f32 v31, v25  }
0xa4: {  	v31 =	vperm.xlane v27, v1;
	v23 =	vmul.f32 v23, v7;
	v30 =	vld [tilespmem:s24+$0xFFFFFFB0]  }
0xa5: {  	v22 =	vmax.f32 v22, $0.0e+00;
	v18 =	vadd.f32 v18, v29;
	v29 =	vld [tilespmem:s28+$0xFFFFFFC0];
	v32 =	vperm.xlane v25, v1  }
0xa6: {  	v33 =	vperm.xlane v21, v1;
	v19 =	vadd.f32 v23, v19;
	v22 =	vmul.f32 v22, v4;
	v23 =	vld [tilespmem:s24+$0xFFFFFFC0]  }
0xa7: {  	v34 =	vmax.f32 v18, $0.0e+00;
	v24 =	vadd.f32 v26, v24;
	v26 =	vld [tilespmem:s28+$0xFFFFFFD0];
	v25 =	vadd.f32 v25, v32  }
0xa8: {  	v27 =	vadd.f32 v27, v31;
	v18 =	vadd.f32 v19, v20;
	v19 =	vmul.f32 v34, v10;
	v20 =	vld [tilespmem:s24+$0xFFFFFFD0]  }
0xa9: {  	v24 =	vmax.f32 v24, $0.0e+00;
	v28 =	vadd.f32 v30, v28;
	v30 =	vld [tilespmem:s28+$0xFFFFFFE0];
	v31 =	vperm.xlane v25, v2  }
0xaa: {  	s13 =	sadd.s32 s13, s21;
	v21 =	vadd.f32 v21, v33;
	v24 =	vmul.f32 v24, v11;
	v32 =	vld [tilespmem:s24+$0xFFFFFFE0];
	v19 =	vadd.f32 v19, v22  }
0xab: {  	s6 =	sadd.s32 $0x4, s13;
	s7 =	sadd.s32 $0x5, s13;
	s8 =	sadd.s32 $0x7, s13;
	v22 =	vmax.f32 v28, $0.0e+00;
	v23 =	vadd.f32 v23, v29;
	v28 =	vld [tilespmem:s28+$0xFFFFFFF0];
	v25 =	vadd.f32 v25, v31  }
0xac: {  	s13 =	sadd.s32 $0x6, s13;
	v33 =	vperm.xlane v27, v2;
	v31 =	vmov s8;
	v22 =	vmul.f32 v22, v12;
	v29 =	vld [tilespmem:s24+$0xFFFFFFF0]  }
0xad: {  	v23 =	vmax.f32 v23, $0.0e+00;
	v20 =	vadd.f32 v20, v26;
	v26 =	vld [tilespmem:s28+$0x0];
	v34 =	vperm.xlane v25, v3  }
0xae: {  	v35 =	vperm.xlane v21, v2;
	v23 =	vmul.f32 v23, v8;
	v22 =	vadd.f32 v22, v24;
	v24 =	vld [tilespmem:s24+$0x0]  }
0xaf: {  	v20 =	vmax.f32 v20, $0.0e+00;
	v30 =	vadd.f32 v32, v30;
	v32 =	vld [tilespmem:s28+$0x10];
	v25 =	vadd.f32 v25, v34  }
0xb0: {  	v27 =	vadd.f32 v27, v33;
	v20 =	vmul.f32 v20, v9;
	v19 =	vadd.f32 v22, v19;
	v22 =	vld [tilespmem:s24+$0x10]  }
0xb1: {  	v30 =	vmax.f32 v30, $0.0e+00;
	v28 =	vadd.f32 v29, v28;
	v29 =	vld [tilespmem:s28+$0x20];
	[tilespmem:v31+s0+$0x0] =	vst.idx.msk $0x1, v25;
	v31 =	vadd.f32 v21, v35  }
0xb2: {  	v25 =	vperm.xlane v27, v3;
	v21 =	vmul.f32 v30, v6;
	v20 =	vadd.f32 v20, v23;
	v23 =	vld [tilespmem:s24+$0x20]  }
0xb3: {  	v28 =	vmax.f32 v28, $0.0e+00;
	v24 =	vadd.f32 v24, v26;
	v26 =	vld [tilespmem:s28+$0x30];
	v30 =	vperm.xlane v31, v3  }
0xb4: {  	v33 =	vmov s6;
	v34 =	vmov s7;
	v28 =	vmul.f32 v28, v7;
	v35 =	vld [tilespmem:s24+$0x30]  }
0xb5: {  	v36 =	vmov s13;
	v24 =	vmax.f32 v24, $0.0e+00;
	v22 =	vadd.f32 v22, v32;
	v32 =	vld [tilespmem:s28+$0x40]  }
0xb6: {  	v33 =	vand.u32 $0xFFFFFFFC, v33;
	v21 =	vadd.f32 v28, v21;
	v28 =	vmul.f32 v24, v4;
	v37 =	vld [tilespmem:s24+$0x40]  }
0xb7: {  	v34 =	vand.u32 $0xFFFFFFFD, v34;
	v22 =	vmax.f32 v22, $0.0e+00;
	v23 =	vadd.f32 v23, v29;
	v38 =	vld [tilespmem:s28+$0x50]  }
0xb8: {  	v21 =	vadd.f32 v21, v20;
	v22 =	vmul.f32 v22, v10;
	v39 =	vld [tilespmem:s24+$0x50];
	v20 =	vand.u32 $0xFFFFFFFE, v36  }
.Ltmp0:
0xb9: {  	v27 =	vadd.f32 v27, v25;
	v24 =	vmax.f32 v23, $0.0e+00;
	v29 =	vadd.f32 v35, v26;
	v23 =	vld [tilespmem:s28+$0x60];
	(pc) =	sbr.rel @p0 .LBB2_3-.Ltmp0, $4  }
0xba: {  	v19 =	vadd.f32 v21, v19;
	v24 =	vmul.f32 v24, v11;
	v26 =	vld [tilespmem:s24+$0x60];
	v21 =	vadd.f32 v22, v28  }
0xbb: {  	v35 =	vadd.f32 v31, v30;
	v28 =	vmax.f32 v29, $0.0e+00;
	v32 =	vadd.f32 v37, v32;
	v25 =	vld [tilespmem:s28+$0x70];
	[tilespmem:v15+s0+$0x0] =	vst.idx.msk $0x1, v27  }
0xbc: {  	v15 =	vbroadcast v33, $0x0;
	v22 =	vadd.f32 v19, v5;
	v28 =	vmul.f32 v28, v12;
	v27 =	vld [tilespmem:s24+$0x70]  }
0xbd: {  	v19 =	vbroadcast v34, $0x0;
	v29 =	vld [tilespmem:s28+$0xFFFFFF00];
	v31 =	vmax.f32 v32, $0.0e+00;
	v30 =	vadd.f32 v39, v38;
	s28 =	sadd.s32 $0x200, s28;
	[tilespmem:v17+s0+$0x0] =	vst.idx.msk $0x1, v35  }
0xbe: {  	_ =	sdelay $0x3  }
0xbf: {  	v13 =	vadd.f32 v13, v29  }
0xc0: {  	v17 =	vmax.f32 v30, $0.0e+00;
	v23 =	vadd.f32 v26, v23;
	v25 =	vadd.f32 v27, v25  }
0xc1: {  	v26 =	vmul.f32 v31, v8;
	v17 =	vmul.f32 v17, v9;
	v13 =	vmax.f32 v13, $0.0e+00  }
0xc2: {  	v23 =	vmax.f32 v23, $0.0e+00;
	v25 =	vmax.f32 v25, $0.0e+00;
	v13 =	vmul.f32 v13, v4  }
0xc3: {  	v23 =	vmul.f32 v23, v6;
	v25 =	vmul.f32 v25, v7  }
0xc4: {  	v24 =	vadd.f32 v28, v24;
	v13 =	vadd.f32 v14, v13  }
0xc5: {  	v14 =	vadd.f32 v17, v26;
	v17 =	vadd.f32 v25, v23  }
0xc6: {  	v13 =	vadd.f32 v16, v13  }
0xc7: {  	v16 =	vadd.f32 v24, v21;
	v14 =	vadd.f32 v17, v14  }
0xc8: {  	v13 =	vadd.f32 v18, v13  }
0xc9: {  	v14 =	vadd.f32 v14, v16  }
0xca: {  	v13 =	vadd.f32 v13, v5  }
0xcb: {  	v16 =	vperm.xlane v22, v0;
	v14 =	vadd.f32 v14, v5  }
0xcc: {  	v17 =	vperm.xlane v13, v0  }
0xcd: {  	v16 =	vadd.f32 v22, v16;
	v18 =	vperm.xlane v14, v0  }
0xce: {  	v13 =	vadd.f32 v13, v17  }
0xcf: {  	v17 =	vperm.xlane v16, v1;
	v14 =	vadd.f32 v14, v18  }
0xd0: {  	v18 =	vperm.xlane v13, v1  }
0xd1: {  	v16 =	vadd.f32 v16, v17;
	v17 =	vperm.xlane v14, v1  }
0xd2: {  	v13 =	vadd.f32 v13, v18  }
0xd3: {  	v18 =	vperm.xlane v16, v2;
	v14 =	vadd.f32 v14, v17  }
0xd4: {  	v17 =	vperm.xlane v13, v2  }
0xd5: {  	v16 =	vadd.f32 v16, v18;
	v18 =	vperm.xlane v14, v2  }
0xd6: {  	v13 =	vadd.f32 v13, v17  }
0xd7: {  	v17 =	vbroadcast v20, $0x0;
	v20 =	vperm.xlane v16, v3;
	v14 =	vadd.f32 v14, v18  }
0xd8: {  	v18 =	vperm.xlane v13, v3  }
0xd9: {  	v16 =	vadd.f32 v16, v20;
	v20 =	vperm.xlane v14, v3  }
0xda: {  	v13 =	vadd.f32 v13, v18  }
0xdb: {  	[tilespmem:v19+s0+$0x0] =	vst.idx.msk $0x1, v16;
	v14 =	vadd.f32 v14, v20  }
0xdc: {  	[tilespmem:v15+s0+$0x0] =	vst.idx.msk $0x1, v13  }
0xdd: {  	s6 =	sadd.s32 $0x140, s23;
	[tilespmem:v17+s0+$0x0] =	vst.idx.msk $0x1, v14  }
0xde: {  	[tilespmem:s16], [sflag:$0x1] =	stream.indirect.gather [hbm4b:s4+s14], $0x80, s6, s14, $0xb8;
	[tilespmem:$0x1B780] =	vst v63  }
0xdf: {  	s24 =	sadd.s32 $0x28C0, s23  }
0xe0: {  	[tilespmem:s17], [sflag:$0x5] =	stream.indirect.gather [hbm4b:s5+s14], $0x80, s24, s14, $0xb8;
	[tilespmem:$0x1B780] =	vst v63  }
0xe1: {  	_ =	swait.ge [sflag:s1], $0x2800  }
0xe2: {  	[sflag:s1] =	ssyncset.done $0x0  }
0xe3: {  	[sflag:s1] =	ssyncadd.s32 $0xFFFFD800  }
0xe4: {  	_ =	swait.ge [sflag:s2], $0x2800  }
0xe5: {  	[sflag:s2] =	ssyncset.done $0x0  }
0xe6: {  	s13 =	simm.s32 $0x78F0;
	[sflag:s2] =	ssyncadd.s32 $0xFFFFD800  }
0xe7: {  	s24 =	simm.s32 $0x118F0;
	v14 =	vld [tilespmem:s13+$0xFFFFFF90]  }
0xe8: {  	v15 =	vld [tilespmem:s24+$0xFFFFFF90]  }
0xe9: {  	v16 =	vld [tilespmem:s13+$0xFFFFFFA0]  }
0xea: {  	v17 =	vld [tilespmem:s24+$0xFFFFFFA0]  }
0xeb: {  	v18 =	vld [tilespmem:s13+$0xFFFFFFB0]  }
0xec: {  	v19 =	vld [tilespmem:s24+$0xFFFFFFB0]  }
0xed: {  	v20 =	vld [tilespmem:s13+$0xFFFFFFC0]  }
0xee: {  	v21 =	vld [tilespmem:s24+$0xFFFFFFC0]  }
0xef: {  	v22 =	vld [tilespmem:s13+$0xFFFFFFD0]  }
0xf0: {  	v23 =	vld [tilespmem:s24+$0xFFFFFFD0]  }
0xf1: {  	v24 =	vld [tilespmem:s13+$0xFFFFFFE0]  }
0xf2: {  	v25 =	vld [tilespmem:s24+$0xFFFFFFE0]  }
0xf3: {  	v26 =	vld [tilespmem:s13+$0xFFFFFFF0]  }
0xf4: {  	v27 =	vld [tilespmem:s24+$0xFFFFFFF0]  }
0xf5: {  	v28 =	vld [tilespmem:s13+$0x0]  }
0xf6: {  	v29 =	vld [tilespmem:s24+$0x0]  }
0xf7: {  	v13 =	vld [tilespmem:s24+$0xFFFFFE10]  }
0xf8: {  	v30 =	vld [tilespmem:s13+$0xFFFFFE20]  }
0xf9: {  	v31 =	vld [tilespmem:s24+$0xFFFFFE20];
	v14 =	vadd.f32 v15, v14  }
0xfa: {  	v32 =	vld [tilespmem:s13+$0xFFFFFE70];
	v16 =	vadd.f32 v17, v16;
	v17 =	vadd.f32 v19, v18  }
0xfb: {  	v33 =	vld [tilespmem:s24+$0xFFFFFE70];
	v19 =	vadd.f32 v21, v20;
	v20 =	vadd.f32 v23, v22  }
0xfc: {  	v15 =	vld [tilespmem:s13+$0xFFFFFE30];
	v22 =	vadd.f32 v25, v24;
	v23 =	vadd.f32 v27, v26  }
0xfd: {  	v18 =	vld [tilespmem:s24+$0xFFFFFE30];
	v25 =	vadd.f32 v29, v28;
	v14 =	vmax.f32 v14, $0.0e+00;
	v16 =	vmax.f32 v16, $0.0e+00  }
0xfe: {  	v21 =	vld [tilespmem:s13+$0xFFFFFE40];
	v17 =	vmax.f32 v17, $0.0e+00;
	v19 =	vmax.f32 v19, $0.0e+00;
	v20 =	vmax.f32 v20, $0.0e+00  }
0xff: {  	v24 =	vld [tilespmem:s24+$0xFFFFFE40];
	v22 =	vmax.f32 v22, $0.0e+00;
	v14 =	vmul.f32 v14, v4;
	v16 =	vmul.f32 v16, v10  }
0x100: {  	v28 =	vld [tilespmem:s13+$0xFFFFFE60];
	v23 =	vmax.f32 v23, $0.0e+00;
	v17 =	vmul.f32 v17, v11;
	v19 =	vmul.f32 v19, v12  }
0x101: {  	v29 =	vld [tilespmem:s24+$0xFFFFFE60];
	v25 =	vmax.f32 v25, $0.0e+00;
	v20 =	vmul.f32 v20, v8;
	v22 =	vmul.f32 v22, v9  }
0x102: {  	v26 =	vld [tilespmem:s13+$0xFFFFFE50];
	v23 =	vmul.f32 v23, v6;
	v25 =	vmul.f32 v25, v7  }
0x103: {  	v27 =	vld [tilespmem:s24+$0xFFFFFE50];
	v14 =	vadd.f32 v16, v14;
	v16 =	vadd.f32 v19, v17  }
0x104: {  	v17 =	vld [tilespmem:s13+$0xFFFFFE80];
	v19 =	vadd.f32 v22, v20;
	v20 =	vadd.f32 v25, v23  }
0x105: {  	v22 =	vld [tilespmem:s24+$0xFFFFFE80];
	v23 =	vadd.f32 v31, v30;
	v15 =	vadd.f32 v18, v15  }
0x106: {  	v25 =	vld [tilespmem:s13+$0xFFFFFE90];
	v21 =	vadd.f32 v24, v21;
	v24 =	vadd.f32 v29, v28  }
0x107: {  	v18 =	vld [tilespmem:s13+$0xFFFFFEA0];
	v16 =	vadd.f32 v16, v14;
	v19 =	vadd.f32 v20, v19  }
0x108: {  	v29 =	vadd.f32 v33, v32;
	v20 =	vld [tilespmem:s24+$0xFFFFFE90];
	v14 =	vmax.f32 v23, $0.0e+00;
	v15 =	vmax.f32 v15, $0.0e+00  }
0x109: {  	v23 =	vadd.f32 v27, v26;
	v21 =	vmax.f32 v21, $0.0e+00;
	v16 =	vadd.f32 v19, v16;
	v19 =	vld [tilespmem:s24+$0xFFFFFEA0]  }
0x10a: {  	v61 =	vld [tilespmem:s24+$0xFFFFFED0];
	v24 =	vmax.f32 v24, $0.0e+00;
	v29 =	vmax.f32 v29, $0.0e+00;
	v15 =	vmul.f32 v15, v11  }
0x10b: {  	v28 =	vld [tilespmem:s13+$0xFFFFFEC0];
	v21 =	vmul.f32 v21, v12;
	v17 =	vadd.f32 v22, v17;
	v16 =	vadd.f32 v16, v5  }
0x10c: {  	v26 =	vld [tilespmem:s13+$0xFFFFFEB0];
	v24 =	vmul.f32 v24, v9;
	v29 =	vmul.f32 v29, v6;
	v23 =	vmax.f32 v23, $0.0e+00  }
0x10d: {  	v27 =	vld [tilespmem:s24+$0xFFFFFEB0];
	v23 =	vmul.f32 v23, v8;
	v17 =	vmax.f32 v17, $0.0e+00;
	v22 =	vperm.xlane v16, v0  }
0x10e: {  	v30 =	vld [tilespmem:s24+$0xFFFFFEC0];
	v20 =	vadd.f32 v20, v25;
	v17 =	vmul.f32 v17, v7;
	v18 =	vadd.f32 v19, v18  }
0x10f: {  	v31 =	vld [tilespmem:s13+$0xFFFFFED0];
	v22 =	vadd.f32 v16, v22;
	v16 =	vadd.f32 v21, v15  }
0x110: {  	v25 =	vld [tilespmem:s13+$0xFFFFFEE0];
	v15 =	vadd.f32 v24, v23;
	v17 =	vadd.f32 v17, v29  }
0x111: {  	v23 =	vld [tilespmem:s24+$0xFFFFFEE0];
	v21 =	vperm.xlane v22, v1  }
0x112: {  	v19 =	vld [tilespmem:s13+$0xFFFFFEF0];
	v24 =	vadd.f32 v27, v26;
	v26 =	vmax.f32 v18, $0.0e+00;
	v18 =	vadd.f32 v17, v15  }
0x113: {  	v20 =	vmax.f32 v20, $0.0e+00;
	v15 =	vadd.f32 v30, v28;
	v17 =	vld [tilespmem:s13+$0xFFFFFF00];
	v21 =	vadd.f32 v22, v21  }
0x114: {  	v20 =	vmul.f32 v20, v4;
	v29 =	vadd.f32 v61, v31;
	v26 =	vmul.f32 v26, v10;
	v28 =	vld [tilespmem:s24+$0xFFFFFF00]  }
0x115: {  	v24 =	vmax.f32 v24, $0.0e+00;
	v22 =	vld [tilespmem:s24+$0xFFFFFEF0];
	v15 =	vmax.f32 v15, $0.0e+00;
	v27 =	vperm.xlane v21, v2  }
0x116: {  	v30 =	vld [tilespmem:s13+$0xFFFFFF10];
	v24 =	vmul.f32 v24, v11;
	v15 =	vmul.f32 v15, v12;
	v23 =	vadd.f32 v23, v25  }
0x117: {  	v20 =	vadd.f32 v26, v20;
	v26 =	vld [tilespmem:s24+$0xFFFFFF10];
	v21 =	vadd.f32 v21, v27  }
0x118: {  	s6 =	sadd.s32 $0xFFFFFFFC, s21;
	v14 =	vmul.f32 v14, v10;
	v25 =	vld [tilespmem:s13+$0xFFFFFF20];
	v15 =	vadd.f32 v15, v24;
	v23 =	vmax.f32 v23, $0.0e+00  }
0x119: {  	s25 =	sadd.s32 $0x54, s6;
	v24 =	vld [tilespmem:s24+$0xFFFFFF20];
	v17 =	vadd.f32 v28, v17;
	v27 =	vmax.f32 v29, $0.0e+00;
	v29 =	vperm.xlane v21, v3  }
0x11a: {  	v28 =	vmov s25;
	v27 =	vmul.f32 v27, v8;
	v19 =	vadd.f32 v22, v19;
	v22 =	vld [tilespmem:s13+$0xFFFFFF30]  }
0x11b: {  	v15 =	vadd.f32 v15, v20;
	v20 =	vld [tilespmem:s24+$0xFFFFFF30];
	v29 =	vadd.f32 v21, v29;
	v21 =	vmul.f32 v23, v9  }
0x11c: {  	v17 =	vmax.f32 v17, $0.0e+00;
	v19 =	vmax.f32 v19, $0.0e+00;
	v23 =	vadd.f32 v26, v30;
	v26 =	vld [tilespmem:s13+$0xFFFFFF40]  }
0x11d: {  	s7 =	sadd.s32 $0x57, s6;
	s8 =	sadd.s32 $0x55, s6;
	v17 =	vmul.f32 v17, v7;
	v19 =	vmul.f32 v19, v6;
	v21 =	vadd.f32 v21, v27;
	v27 =	vld [tilespmem:s24+$0xFFFFFF40]  }
0x11e: {  	s6 =	sadd.s32 $0x56, s6;
	v62 =	vld [tilespmem:s13+$0xFFFFFF50];
	v31 =	vmov s7;
	v28 =	vand.u32 $0xFFFFFFFC, v28;
	v30 =	vmov s8  }
0x11f: {  	v24 =	vadd.f32 v24, v25;
	v25 =	vmov s6;
	v17 =	vadd.f32 v17, v19;
	v19 =	vld [tilespmem:s24+$0xFFFFFF50]  }
0x120: {  	v34 =	vld [tilespmem:s13+$0xFFFFFF60];
	v30 =	vand.u32 $0xFFFFFFFD, v30;
	v23 =	vmax.f32 v23, $0.0e+00;
	v20 =	vadd.f32 v20, v22  }
0x121: {  	v35 =	vld [tilespmem:s24+$0xFFFFFF60];
	v22 =	vmax.f32 v24, $0.0e+00;
	v63 =	vmul.f32 v23, v4;
	v17 =	vadd.f32 v17, v21  }
0x122: {  	v23 =	vld [tilespmem:s13+$0xFFFFFF70];
	v21 =	vmul.f32 v22, v10;
	v22 =	vmax.f32 v20, $0.0e+00;
	v27 =	vadd.f32 v27, v26  }
0x123: {  	v20 =	vand.u32 $0xFFFFFFFE, v25;
	v24 =	vmul.f32 v22, v11;
	v17 =	vadd.f32 v17, v15;
	v26 =	vld [tilespmem:s24+$0xFFFFFF70]  }
0x124: {  	v25 =	vld [tilespmem:s13+$0xFFFFFF80];
	v21 =	vadd.f32 v21, v63;
	v32 =	vadd.f32 v19, v62;
	v27 =	vmax.f32 v27, $0.0e+00  }
0x125: {  	v15 =	vbroadcast v28, $0x0;
	v22 =	vadd.f32 v17, v5;
	v28 =	vmul.f32 v27, v12;
	v27 =	vld [tilespmem:s24+$0xFFFFFF80]  }
0x126: {  	s28 =	simm.s32 $0x7AF0;
	s25 =	simm.s32 $0x0;
	[tilespmem:v31+s0+$0x0] =	vst.idx.msk $0x1, v29;
	v29 =	vld [tilespmem:s13+$0xFFFFFE10];
	v19 =	vbroadcast v30, $0x0;
	v30 =	vadd.f32 v35, v34;
	v31 =	vmax.f32 v32, $0.0e+00  }
.LBB2_5:
0x127: {  	v32 =	vld [tilespmem:s28+$0xFFFFFF90];
	v33 =	vperm.xlane v22, v0;
	v31 =	vmul.f32 v31, v8;
	v24 =	vadd.f32 v28, v24;
	s24 =	sadd.s32 $0x200, s24;
	s13 =	smov.u32 s25  }
0x128: {  	v17 =	vbroadcast v20, $0x0;
	v28 =	vld [tilespmem:s24+$0xFFFFFF90];
	v30 =	vmax.f32 v30, $0.0e+00;
	v23 =	vadd.f32 v26, v23  }
0x129: {  	v20 =	vld [tilespmem:s28+$0xFFFFFFA0];
	v22 =	vadd.f32 v22, v33;
	v26 =	vmul.f32 v30, v9;
	v21 =	vadd.f32 v24, v21  }
0x12a: {  	v24 =	vld [tilespmem:s24+$0xFFFFFFA0];
	v23 =	vmax.f32 v23, $0.0e+00;
	v25 =	vadd.f32 v27, v25  }
0x12b: {  	v27 =	vld [tilespmem:s28+$0xFFFFFFB0];
	v13 =	vadd.f32 v13, v29;
	v23 =	vmul.f32 v23, v6;
	v26 =	vadd.f32 v26, v31  }
0x12c: {  	v30 =	vperm.xlane v22, v1;
	v29 =	vld [tilespmem:s24+$0xFFFFFFB0];
	v25 =	vmax.f32 v25, $0.0e+00  }
0x12d: {  	v31 =	vld [tilespmem:s28+$0xFFFFFFC0];
	v13 =	vmax.f32 v13, $0.0e+00;
	v25 =	vmul.f32 v25, v7  }
0x12e: {  	v22 =	vadd.f32 v22, v30;
	v33 =	vld [tilespmem:s24+$0xFFFFFFC0];
	v13 =	vmul.f32 v13, v4  }
0x12f: {  	v30 =	vld [tilespmem:s28+$0xFFFFFFD0];
	v23 =	vadd.f32 v25, v23  }
0x130: {  	v25 =	vld [tilespmem:s24+$0xFFFFFFD0];
	v13 =	vadd.f32 v14, v13;
	v14 =	vperm.xlane v22, v2  }
0x131: {  	v34 =	vld [tilespmem:s28+$0xFFFFFFE0];
	v23 =	vadd.f32 v23, v26  }
0x132: {  	v26 =	vld [tilespmem:s24+$0xFFFFFFE0];
	v13 =	vadd.f32 v16, v13;
	v14 =	vadd.f32 v22, v14  }
0x133: {  	v16 =	vld [tilespmem:s28+$0xFFFFFFF0];
	v21 =	vadd.f32 v23, v21  }
0x134: {  	v22 =	vld [tilespmem:s24+$0xFFFFFFF0];
	v13 =	vadd.f32 v18, v13;
	v18 =	vperm.xlane v14, v3  }
0x135: {  	v23 =	vld [tilespmem:s28+$0x0];
	v21 =	vadd.f32 v21, v5  }
0x136: {  	v35 =	vld [tilespmem:s24+$0x0];
	v36 =	vadd.f32 v13, v5;
	v14 =	vadd.f32 v14, v18  }
0x137: {  	v18 =	vadd.f32 v28, v32;
	v13 =	vld [tilespmem:s24+$0xFFFFFE10];
	v28 =	vperm.xlane v21, v0  }
0x138: {  	s25 =	sadd.s32 $0x4, s25;
	v20 =	vadd.f32 v24, v20;
	v24 =	vadd.f32 v29, v27;
	v32 =	vld [tilespmem:s28+$0xFFFFFE20];
	v27 =	vperm.xlane v36, v0  }
0x139: {  	p0 =	slt.u32 s25, $0x4C;
	v31 =	vadd.f32 v33, v31;
	v25 =	vadd.f32 v25, v30;
	v29 =	vld [tilespmem:s24+$0xFFFFFE20];
	[tilespmem:v19+s0+$0x0] =	vst.idx.msk $0x1, v14  }
0x13a: {  	v14 =	vadd.f32 v26, v34;
	v16 =	vadd.f32 v22, v16;
	v19 =	vld [tilespmem:s28+$0xFFFFFE30]  }
0x13b: {  	v20 =	vmax.f32 v20, $0.0e+00;
	v18 =	vmax.f32 v18, $0.0e+00;
	v22 =	vld [tilespmem:s24+$0xFFFFFE30];
	v23 =	vadd.f32 v35, v23  }
0x13c: {  	v24 =	vmax.f32 v24, $0.0e+00;
	v30 =	vmax.f32 v31, $0.0e+00;
	v25 =	vmax.f32 v25, $0.0e+00;
	v26 =	vld [tilespmem:s28+$0xFFFFFE40]  }
0x13d: {  	v20 =	vmul.f32 v20, v10;
	v18 =	vmul.f32 v18, v4;
	v14 =	vmax.f32 v14, $0.0e+00;
	v31 =	vld [tilespmem:s24+$0xFFFFFE40]  }
0x13e: {  	v24 =	vmul.f32 v24, v11;
	v30 =	vmul.f32 v30, v12;
	v16 =	vmax.f32 v16, $0.0e+00;
	v33 =	vld [tilespmem:s28+$0xFFFFFE50]  }
0x13f: {  	v25 =	vmul.f32 v25, v8;
	v14 =	vmul.f32 v14, v9;
	v23 =	vmax.f32 v23, $0.0e+00;
	v34 =	vld [tilespmem:s24+$0xFFFFFE50]  }
0x140: {  	v16 =	vmul.f32 v16, v6;
	v29 =	vadd.f32 v29, v32;
	v23 =	vmul.f32 v23, v7;
	v32 =	vld [tilespmem:s28+$0xFFFFFE60]  }
0x141: {  	v18 =	vadd.f32 v20, v18;
	v20 =	vadd.f32 v30, v24;
	v35 =	vld [tilespmem:s24+$0xFFFFFE60]  }
0x142: {  	v25 =	vadd.f32 v14, v25;
	v24 =	vmax.f32 v29, $0.0e+00;
	v16 =	vadd.f32 v23, v16;
	v29 =	vld [tilespmem:s28+$0xFFFFFE70]  }
0x143: {  	v19 =	vadd.f32 v22, v19;
	v14 =	vmul.f32 v24, v10;
	v22 =	vadd.f32 v31, v26;
	v23 =	vld [tilespmem:s24+$0xFFFFFE70]  }
0x144: {  	v18 =	vadd.f32 v20, v18;
	v16 =	vadd.f32 v16, v25;
	v24 =	vld [tilespmem:s28+$0xFFFFFE80]  }
0x145: {  	v19 =	vmax.f32 v19, $0.0e+00;
	v20 =	vmax.f32 v22, $0.0e+00;
	v22 =	vadd.f32 v34, v33;
	v25 =	vld [tilespmem:s24+$0xFFFFFE80]  }
0x146: {  	v19 =	vmul.f32 v19, v11;
	v16 =	vadd.f32 v16, v18;
	v26 =	vadd.f32 v35, v32;
	v30 =	vld [tilespmem:s28+$0xFFFFFE90]  }
0x147: {  	v27 =	vadd.f32 v36, v27;
	v18 =	vmul.f32 v20, v12;
	v20 =	vmax.f32 v22, $0.0e+00;
	v22 =	vld [tilespmem:s24+$0xFFFFFE90]  }
0x148: {  	v31 =	vadd.f32 v16, v5;
	v26 =	vmax.f32 v26, $0.0e+00;
	v23 =	vadd.f32 v23, v29;
	v29 =	vld [tilespmem:s28+$0xFFFFFEA0]  }
0x149: {  	v20 =	vmul.f32 v20, v8;
	v16 =	vadd.f32 v18, v19;
	v26 =	vmul.f32 v26, v9;
	v18 =	vld [tilespmem:s24+$0xFFFFFEA0]  }
0x14a: {  	v19 =	vmax.f32 v23, $0.0e+00;
	v23 =	vadd.f32 v25, v24;
	v24 =	vld [tilespmem:s28+$0xFFFFFEB0];
	v25 =	vperm.xlane v31, v0  }
0x14b: {  	v21 =	vadd.f32 v21, v28;
	v19 =	vmul.f32 v19, v6;
	v20 =	vadd.f32 v26, v20;
	v26 =	vld [tilespmem:s24+$0xFFFFFEB0]  }
0x14c: {  	v23 =	vmax.f32 v23, $0.0e+00;
	v22 =	vadd.f32 v22, v30;
	v28 =	vld [tilespmem:s28+$0xFFFFFEC0];
	v25 =	vadd.f32 v31, v25  }
0x14d: {  	v31 =	vperm.xlane v27, v1;
	v23 =	vmul.f32 v23, v7;
	v30 =	vld [tilespmem:s24+$0xFFFFFEC0]  }
0x14e: {  	v22 =	vmax.f32 v22, $0.0e+00;
	v18 =	vadd.f32 v18, v29;
	v29 =	vld [tilespmem:s28+$0xFFFFFED0];
	v32 =	vperm.xlane v25, v1  }
0x14f: {  	v33 =	vperm.xlane v21, v1;
	v19 =	vadd.f32 v23, v19;
	v22 =	vmul.f32 v22, v4;
	v23 =	vld [tilespmem:s24+$0xFFFFFED0]  }
0x150: {  	v34 =	vmax.f32 v18, $0.0e+00;
	v24 =	vadd.f32 v26, v24;
	v26 =	vld [tilespmem:s28+$0xFFFFFEE0];
	v25 =	vadd.f32 v25, v32  }
0x151: {  	v27 =	vadd.f32 v27, v31;
	v18 =	vadd.f32 v19, v20;
	v19 =	vmul.f32 v34, v10;
	v20 =	vld [tilespmem:s24+$0xFFFFFEE0]  }
0x152: {  	v24 =	vmax.f32 v24, $0.0e+00;
	v28 =	vadd.f32 v30, v28;
	v30 =	vld [tilespmem:s28+$0xFFFFFEF0];
	v31 =	vperm.xlane v25, v2  }
0x153: {  	s6 =	sadd.s32 s13, s21;
	v21 =	vadd.f32 v21, v33;
	v24 =	vmul.f32 v24, v11;
	v32 =	vld [tilespmem:s24+$0xFFFFFEF0];
	v19 =	vadd.f32 v19, v22  }
0x154: {  	s7 =	sadd.s32 $0x54, s6;
	s8 =	sadd.s32 $0x55, s6;
	s13 =	sadd.s32 $0x57, s6;
	v22 =	vmax.f32 v28, $0.0e+00;
	v23 =	vadd.f32 v23, v29;
	v28 =	vld [tilespmem:s28+$0xFFFFFF00];
	v25 =	vadd.f32 v25, v31  }
0x155: {  	s6 =	sadd.s32 $0x56, s6;
	v33 =	vperm.xlane v27, v2;
	v31 =	vmov s13;
	v22 =	vmul.f32 v22, v12;
	v29 =	vld [tilespmem:s24+$0xFFFFFF00]  }
0x156: {  	v23 =	vmax.f32 v23, $0.0e+00;
	v20 =	vadd.f32 v20, v26;
	v26 =	vld [tilespmem:s28+$0xFFFFFF10];
	v34 =	vperm.xlane v25, v3  }
0x157: {  	v35 =	vperm.xlane v21, v2;
	v23 =	vmul.f32 v23, v8;
	v22 =	vadd.f32 v22, v24;
	v24 =	vld [tilespmem:s24+$0xFFFFFF10]  }
0x158: {  	v20 =	vmax.f32 v20, $0.0e+00;
	v30 =	vadd.f32 v32, v30;
	v32 =	vld [tilespmem:s28+$0xFFFFFF20];
	v25 =	vadd.f32 v25, v34  }
0x159: {  	v27 =	vadd.f32 v27, v33;
	v20 =	vmul.f32 v20, v9;
	v19 =	vadd.f32 v22, v19;
	v22 =	vld [tilespmem:s24+$0xFFFFFF20]  }
0x15a: {  	v30 =	vmax.f32 v30, $0.0e+00;
	v28 =	vadd.f32 v29, v28;
	v29 =	vld [tilespmem:s28+$0xFFFFFF30];
	[tilespmem:v31+s0+$0x0] =	vst.idx.msk $0x1, v25;
	v31 =	vadd.f32 v21, v35  }
0x15b: {  	v25 =	vperm.xlane v27, v3;
	v21 =	vmul.f32 v30, v6;
	v20 =	vadd.f32 v20, v23;
	v23 =	vld [tilespmem:s24+$0xFFFFFF30]  }
0x15c: {  	v28 =	vmax.f32 v28, $0.0e+00;
	v24 =	vadd.f32 v24, v26;
	v26 =	vld [tilespmem:s28+$0xFFFFFF40];
	v30 =	vperm.xlane v31, v3  }
0x15d: {  	v33 =	vmov s7;
	v34 =	vmov s8;
	v28 =	vmul.f32 v28, v7;
	v35 =	vld [tilespmem:s24+$0xFFFFFF40]  }
0x15e: {  	v36 =	vmov s6;
	v24 =	vmax.f32 v24, $0.0e+00;
	v22 =	vadd.f32 v22, v32;
	v32 =	vld [tilespmem:s28+$0xFFFFFF50]  }
0x15f: {  	v33 =	vand.u32 $0xFFFFFFFC, v33;
	v21 =	vadd.f32 v28, v21;
	v28 =	vmul.f32 v24, v4;
	v37 =	vld [tilespmem:s24+$0xFFFFFF50]  }
0x160: {  	v34 =	vand.u32 $0xFFFFFFFD, v34;
	v22 =	vmax.f32 v22, $0.0e+00;
	v23 =	vadd.f32 v23, v29;
	v38 =	vld [tilespmem:s28+$0xFFFFFF60]  }
0x161: {  	v21 =	vadd.f32 v21, v20;
	v22 =	vmul.f32 v22, v10;
	v39 =	vld [tilespmem:s24+$0xFFFFFF60];
	v20 =	vand.u32 $0xFFFFFFFE, v36  }
.Ltmp1:
0x162: {  	v27 =	vadd.f32 v27, v25;
	v24 =	vmax.f32 v23, $0.0e+00;
	v29 =	vadd.f32 v35, v26;
	v23 =	vld [tilespmem:s28+$0xFFFFFF70];
	(pc) =	sbr.rel @p0 .LBB2_5-.Ltmp1, $4  }
0x163: {  	v19 =	vadd.f32 v21, v19;
	v24 =	vmul.f32 v24, v11;
	v26 =	vld [tilespmem:s24+$0xFFFFFF70];
	v21 =	vadd.f32 v22, v28  }
0x164: {  	v35 =	vadd.f32 v31, v30;
	v28 =	vmax.f32 v29, $0.0e+00;
	v32 =	vadd.f32 v37, v32;
	v25 =	vld [tilespmem:s28+$0xFFFFFF80];
	[tilespmem:v15+s0+$0x0] =	vst.idx.msk $0x1, v27  }
0x165: {  	v15 =	vbroadcast v33, $0x0;
	v22 =	vadd.f32 v19, v5;
	v28 =	vmul.f32 v28, v12;
	v27 =	vld [tilespmem:s24+$0xFFFFFF80]  }
0x166: {  	v19 =	vbroadcast v34, $0x0;
	v29 =	vld [tilespmem:s28+$0xFFFFFE10];
	v31 =	vmax.f32 v32, $0.0e+00;
	v30 =	vadd.f32 v39, v38;
	s28 =	sadd.s32 $0x200, s28;
	[tilespmem:v17+s0+$0x0] =	vst.idx.msk $0x1, v35  }
0x167: {  	_ =	sdelay $0x3  }
0x168: {  	v13 =	vadd.f32 v13, v29  }
0x169: {  	v17 =	vmax.f32 v30, $0.0e+00;
	v23 =	vadd.f32 v26, v23;
	v25 =	vadd.f32 v27, v25  }
0x16a: {  	v26 =	vmul.f32 v31, v8;
	v17 =	vmul.f32 v17, v9;
	v13 =	vmax.f32 v13, $0.0e+00  }
0x16b: {  	v23 =	vmax.f32 v23, $0.0e+00;
	v25 =	vmax.f32 v25, $0.0e+00;
	v13 =	vmul.f32 v13, v4  }
0x16c: {  	v23 =	vmul.f32 v23, v6;
	v25 =	vmul.f32 v25, v7  }
0x16d: {  	v24 =	vadd.f32 v28, v24;
	v13 =	vadd.f32 v14, v13  }
0x16e: {  	v14 =	vadd.f32 v17, v26;
	v17 =	vadd.f32 v25, v23  }
0x16f: {  	v13 =	vadd.f32 v16, v13  }
0x170: {  	v16 =	vadd.f32 v24, v21;
	v14 =	vadd.f32 v17, v14  }
0x171: {  	v13 =	vadd.f32 v18, v13  }
0x172: {  	v14 =	vadd.f32 v14, v16  }
0x173: {  	v13 =	vadd.f32 v13, v5  }
0x174: {  	v16 =	vperm.xlane v22, v0;
	v14 =	vadd.f32 v14, v5  }
0x175: {  	v17 =	vperm.xlane v13, v0  }
0x176: {  	v16 =	vadd.f32 v22, v16;
	v18 =	vperm.xlane v14, v0  }
0x177: {  	v13 =	vadd.f32 v13, v17  }
0x178: {  	v17 =	vperm.xlane v16, v1;
	v14 =	vadd.f32 v14, v18  }
0x179: {  	v18 =	vperm.xlane v13, v1  }
0x17a: {  	v16 =	vadd.f32 v16, v17;
	v17 =	vperm.xlane v14, v1  }
0x17b: {  	v13 =	vadd.f32 v13, v18  }
0x17c: {  	v18 =	vperm.xlane v16, v2;
	v14 =	vadd.f32 v14, v17  }
0x17d: {  	v17 =	vperm.xlane v13, v2  }
0x17e: {  	v16 =	vadd.f32 v16, v18;
	v18 =	vperm.xlane v14, v2  }
0x17f: {  	v13 =	vadd.f32 v13, v17  }
0x180: {  	v17 =	vbroadcast v20, $0x0;
	v20 =	vperm.xlane v16, v3;
	v14 =	vadd.f32 v14, v18  }
0x181: {  	v18 =	vperm.xlane v13, v3  }
0x182: {  	v16 =	vadd.f32 v16, v20;
	v20 =	vperm.xlane v14, v3  }
0x183: {  	v13 =	vadd.f32 v13, v18  }
0x184: {  	[tilespmem:v19+s0+$0x0] =	vst.idx.msk $0x1, v16;
	v14 =	vadd.f32 v14, v20  }
0x185: {  	p0 =	seq.s32 s22, $0x1E;
	[tilespmem:v15+s0+$0x0] =	vst.idx.msk $0x1, v13  }
0x186: {  	s6 =	sadd.s32 @!p0 $0x190, s23;
	s7 =	simm.s32 @!p0 $0x50;
	s8 =	simm.s32 @!p0 $0x7700;
	[tilespmem:v17+s0+$0x0] =	vst.idx.msk $0x1, v14  }
0x187: {  	[tilespmem:s8], [sflag:$0x2] =	stream.indirect.gather @!p0 [hbm4b:s4+s7], $0x80, s6, s7, $0xb8;
	[tilespmem:$0x1B780] =	vst v63  }
0x188: {  	s6 =	sadd.s32 @!p0 $0x2910, s23;
	s8 =	simm.s32 @!p0 $0x11700  }
0x189: {  	[tilespmem:s8], [sflag:$0x6] =	stream.indirect.gather @!p0 [hbm4b:s5+s7], $0x80, s6, s7, $0xb8;
	[tilespmem:$0x1B780] =	vst v63  }
0x18a: {  	_ =	swait.ge [sflag:s10], $0x2800  }
0x18b: {  	[sflag:s10] =	ssyncset.done $0x0  }
0x18c: {  	[sflag:s10] =	ssyncadd.s32 $0xFFFFD800  }
0x18d: {  	_ =	swait.ge [sflag:s12], $0x2800  }
0x18e: {  	[sflag:s12] =	ssyncset.done $0x0  }
0x18f: {  	s13 =	simm.s32 $0x0;
	[sflag:s12] =	ssyncadd.s32 $0xFFFFD800  }
0x190: {  	v13 =	vld [tilespmem:s13+$0xA080]  }
0x191: {  	v14 =	vld [tilespmem:s13+$0x14080]  }
0x192: {  	v15 =	vld [tilespmem:s13+$0xA090]  }
0x193: {  	v16 =	vld [tilespmem:s13+$0x14090]  }
0x194: {  	v17 =	vld [tilespmem:s13+$0xA0A0]  }
0x195: {  	v18 =	vld [tilespmem:s13+$0x140A0]  }
0x196: {  	v19 =	vld [tilespmem:s13+$0xA0B0]  }
0x197: {  	v20 =	vld [tilespmem:s13+$0x140B0]  }
0x198: {  	v21 =	vld [tilespmem:s13+$0xA0C0]  }
0x199: {  	v22 =	vld [tilespmem:s13+$0x140C0]  }
0x19a: {  	v23 =	vld [tilespmem:s13+$0xA0D0]  }
0x19b: {  	v24 =	vld [tilespmem:s13+$0x140D0]  }
0x19c: {  	v25 =	vld [tilespmem:s13+$0xA0E0]  }
0x19d: {  	v26 =	vld [tilespmem:s13+$0x140E0]  }
0x19e: {  	v27 =	vld [tilespmem:s13+$0xA0F0]  }
0x19f: {  	v28 =	vld [tilespmem:s13+$0x140F0]  }
0x1a0: {  	v29 =	vld [tilespmem:s13+$0x9F00]  }
0x1a1: {  	v30 =	vld [tilespmem:s13+$0x13F00]  }
0x1a2: {  	v31 =	vld [tilespmem:s13+$0x9F10]  }
0x1a3: {  	v32 =	vld [tilespmem:s13+$0x13F10]  }
0x1a4: {  	v33 =	vld [tilespmem:s13+$0x9F20]  }
0x1a5: {  	v34 =	vld [tilespmem:s13+$0x13F20]  }
0x1a6: {  	v35 =	vld [tilespmem:s13+$0x9F30]  }
0x1a7: {  	v36 =	vld [tilespmem:s13+$0x13F30]  }
0x1a8: {  	v37 =	vld [tilespmem:s13+$0x9F40]  }
0x1a9: {  	v38 =	vld [tilespmem:s13+$0x13F80]  }
0x1aa: {  	v47 =	vld [tilespmem:s13+$0x13FB0]  }
0x1ab: {  	v48 =	vld [tilespmem:s13+$0x9FD0]  }
0x1ac: {  	s24 =	simm.s32 $0x200;
	v49 =	vld [tilespmem:s13+$0x13FD0];
	v13 =	vadd.f32 v14, v13;
	v15 =	vadd.f32 v16, v15  }
0x1ad: {  	v43 =	vld [tilespmem:s24+$0x9F40];
	v16 =	vadd.f32 v18, v17;
	v18 =	vadd.f32 v20, v19  }
0x1ae: {  	v44 =	vld [tilespmem:s24+$0x13F40];
	v19 =	vadd.f32 v22, v21;
	v21 =	vadd.f32 v24, v23  }
0x1af: {  	v14 =	vld [tilespmem:s13+$0x13F40];
	v22 =	vadd.f32 v26, v25;
	v24 =	vadd.f32 v28, v27  }
0x1b0: {  	v17 =	vld [tilespmem:s13+$0x9F50];
	v29 =	vadd.f32 v30, v29;
	v13 =	vmax.f32 v13, $0.0e+00;
	v15 =	vmax.f32 v15, $0.0e+00  }
0x1b1: {  	v20 =	vld [tilespmem:s13+$0x13F50];
	v16 =	vmax.f32 v16, $0.0e+00;
	v18 =	vmax.f32 v18, $0.0e+00;
	v19 =	vmax.f32 v19, $0.0e+00  }
0x1b2: {  	v23 =	vld [tilespmem:s13+$0x9F60];
	v21 =	vmax.f32 v21, $0.0e+00;
	v13 =	vmul.f32 v13, v4;
	v15 =	vmul.f32 v15, v10  }
0x1b3: {  	v25 =	vld [tilespmem:s13+$0x13F60];
	v22 =	vmax.f32 v22, $0.0e+00;
	v16 =	vmul.f32 v16, v11;
	v18 =	vmul.f32 v18, v12  }
0x1b4: {  	v26 =	vld [tilespmem:s13+$0x9F70];
	v24 =	vmax.f32 v24, $0.0e+00;
	v19 =	vmul.f32 v19, v8;
	v21 =	vmul.f32 v21, v9  }
0x1b5: {  	v27 =	vld [tilespmem:s13+$0x13F70];
	v45 =	vadd.f32 v44, v43;
	v22 =	vmul.f32 v22, v6;
	v24 =	vmul.f32 v24, v7  }
0x1b6: {  	v28 =	vld [tilespmem:s13+$0x9F80];
	v13 =	vadd.f32 v15, v13;
	v15 =	vadd.f32 v18, v16  }
0x1b7: {  	s6 =	sadd.s32 $0xFFFFFFFC, s21;
	v50 =	vld [tilespmem:s13+$0x13FF0];
	v18 =	vadd.f32 v21, v19;
	v19 =	vadd.f32 v24, v22  }
0x1b8: {  	s25 =	sadd.s32 $0xA5, s6;
	v51 =	vld [tilespmem:s13+$0x14030];
	v22 =	vadd.f32 v32, v31;
	v31 =	vadd.f32 v36, v35  }
0x1b9: {  	v59 =	vmov s25;
	v53 =	vld [tilespmem:s13+$0xA050];
	v14 =	vadd.f32 v14, v37;
	v17 =	vadd.f32 v20, v17  }
0x1ba: {  	v30 =	vld [tilespmem:s13+$0x9F90];
	v29 =	vmax.f32 v29, $0.0e+00;
	v23 =	vadd.f32 v25, v23;
	v26 =	vadd.f32 v27, v26  }
0x1bb: {  	v16 =	vld [tilespmem:s13+$0x13F90];
	v28 =	vadd.f32 v38, v28;
	v32 =	vmax.f32 v45, $0.0e+00;
	v13 =	vadd.f32 v15, v13  }
0x1bc: {  	v21 =	vld [tilespmem:s13+$0x9FA0];
	v15 =	vadd.f32 v19, v18;
	v19 =	vmul.f32 v29, v4;
	v29 =	vadd.f32 v34, v33  }
0x1bd: {  	v24 =	vld [tilespmem:s13+$0x13FA0];
	v22 =	vmax.f32 v22, $0.0e+00;
	v31 =	vmax.f32 v31, $0.0e+00;
	v14 =	vmax.f32 v14, $0.0e+00  }
0x1be: {  	v20 =	vld [tilespmem:s13+$0x13FC0];
	v17 =	vmax.f32 v17, $0.0e+00;
	v23 =	vmax.f32 v23, $0.0e+00;
	v22 =	vmul.f32 v22, v10  }
0x1bf: {  	v18 =	vld [tilespmem:s13+$0x9FB0];
	v28 =	vmax.f32 v28, $0.0e+00;
	v14 =	vmul.f32 v14, v8;
	v17 =	vmul.f32 v17, v9  }
0x1c0: {  	v27 =	vld [tilespmem:s13+$0x9FE0];
	v31 =	vmul.f32 v31, v12;
	v13 =	vadd.f32 v15, v13;
	v29 =	vmax.f32 v29, $0.0e+00  }
0x1c1: {  	v15 =	vld [tilespmem:s13+$0x9FC0];
	v29 =	vmul.f32 v29, v11;
	v19 =	vadd.f32 v22, v19;
	v14 =	vadd.f32 v17, v14  }
0x1c2: {  	v23 =	vmul.f32 v23, v6;
	v22 =	vld [tilespmem:s13+$0x13FE0];
	v16 =	vadd.f32 v16, v30;
	v13 =	vadd.f32 v13, v5  }
0x1c3: {  	v54 =	vld [tilespmem:s24+$0x14090];
	v28 =	vmul.f32 v28, v4;
	v21 =	vadd.f32 v24, v21;
	v29 =	vadd.f32 v31, v29  }
0x1c4: {  	v56 =	vld [tilespmem:s24+$0x140A0];
	v16 =	vmax.f32 v16, $0.0e+00;
	v18 =	vadd.f32 v47, v18;
	v25 =	vperm.xlane v13, v0  }
0x1c5: {  	v31 =	vld [tilespmem:s13+$0xA000];
	v21 =	vmax.f32 v21, $0.0e+00;
	v16 =	vmul.f32 v16, v10;
	v19 =	vadd.f32 v29, v19  }
0x1c6: {  	v15 =	vadd.f32 v20, v15;
	v13 =	vadd.f32 v13, v25;
	v25 =	vmax.f32 v26, $0.0e+00;
	v26 =	vld [tilespmem:s13+$0x9FF0]  }
0x1c7: {  	v20 =	vmul.f32 v21, v11;
	v18 =	vmax.f32 v18, $0.0e+00;
	v22 =	vadd.f32 v22, v27;
	v27 =	vld [tilespmem:s13+$0xA040]  }
0x1c8: {  	v21 =	vadd.f32 v49, v48;
	v16 =	vadd.f32 v16, v28;
	v28 =	vld [tilespmem:s13+$0x14040];
	v25 =	vmul.f32 v25, v7  }
0x1c9: {  	v29 =	vld [tilespmem:s13+$0xA020];
	v18 =	vmul.f32 v18, v12;
	v15 =	vmax.f32 v15, $0.0e+00;
	v17 =	vperm.xlane v13, v1  }
0x1ca: {  	v21 =	vmax.f32 v21, $0.0e+00;
	v15 =	vmul.f32 v15, v8;
	v23 =	vadd.f32 v25, v23;
	v25 =	vld [tilespmem:s13+$0x14000]  }
0x1cb: {  	v21 =	vmul.f32 v21, v9;
	v18 =	vadd.f32 v18, v20;
	v13 =	vadd.f32 v13, v17;
	v17 =	vld [tilespmem:s13+$0xA010]  }
0x1cc: {  	v22 =	vmax.f32 v22, $0.0e+00;
	v14 =	vadd.f32 v23, v14;
	v23 =	vld [tilespmem:s13+$0x14010];
	v26 =	vadd.f32 v50, v26  }
0x1cd: {  	v22 =	vmul.f32 v22, v6;
	v27 =	vadd.f32 v28, v27;
	v28 =	vld [tilespmem:s24+$0xA0A0];
	v24 =	vperm.xlane v13, v2  }
0x1ce: {  	v15 =	vadd.f32 v21, v15;
	v14 =	vadd.f32 v14, v19;
	v19 =	vld [tilespmem:s13+$0x14020];
	v26 =	vmax.f32 v26, $0.0e+00  }
0x1cf: {  	v57 =	vld [tilespmem:s24+$0x140B0];
	v16 =	vadd.f32 v18, v16;
	v13 =	vadd.f32 v13, v24;
	v24 =	vmul.f32 v26, v7  }
0x1d0: {  	v32 =	vmul.f32 v32, v8;
	v26 =	vld [tilespmem:s13+$0x14050];
	v18 =	vadd.f32 v25, v31;
	v14 =	vadd.f32 v14, v5  }
0x1d1: {  	v30 =	vld [tilespmem:s13+$0xA030];
	v21 =	vadd.f32 v24, v22;
	v17 =	vadd.f32 v23, v17;
	v23 =	vperm.xlane v13, v3  }
0x1d2: {  	v20 =	vld [tilespmem:s13+$0xA060];
	v18 =	vmax.f32 v18, $0.0e+00;
	v28 =	vadd.f32 v56, v28;
	v52 =	vperm.xlane v14, v0  }
0x1d3: {  	v22 =	vld [tilespmem:s13+$0x14060];
	v15 =	vadd.f32 v21, v15;
	v17 =	vmax.f32 v17, $0.0e+00;
	v19 =	vadd.f32 v19, v29  }
0x1d4: {  	v25 =	vld [tilespmem:s13+$0xA070];
	v28 =	vmax.f32 v28, $0.0e+00;
	v14 =	vadd.f32 v14, v52;
	v17 =	vmul.f32 v17, v10  }
0x1d5: {  	v21 =	vld [tilespmem:s13+$0x14070];
	v26 =	vadd.f32 v26, v53;
	v28 =	vmul.f32 v28, v11;
	v15 =	vadd.f32 v15, v16  }
0x1d6: {  	v58 =	vld [tilespmem:s24+$0xA0D0];
	v16 =	vmul.f32 v18, v4;
	v18 =	vadd.f32 v51, v30;
	v19 =	vmax.f32 v19, $0.0e+00  }
0x1d7: {  	v61 =	vld [tilespmem:s24+$0xA0F0];
	v27 =	vmax.f32 v27, $0.0e+00;
	v24 =	vperm.xlane v14, v1;
	v19 =	vmul.f32 v19, v11  }
0x1d8: {  	v30 =	vld [tilespmem:s24+$0xA090];
	v20 =	vadd.f32 v22, v20;
	v26 =	vmax.f32 v26, $0.0e+00;
	v18 =	vmax.f32 v18, $0.0e+00  }
0x1d9: {  	v22 =	vld [tilespmem:s24+$0xA0B0];
	v15 =	vadd.f32 v15, v5;
	v14 =	vadd.f32 v14, v24;
	v18 =	vmul.f32 v18, v12  }
0x1da: {  	v40 =	vld [tilespmem:s24+$0x9F10];
	v21 =	vadd.f32 v21, v25;
	v25 =	vmul.f32 v27, v8;
	v20 =	vmax.f32 v20, $0.0e+00  }
0x1db: {  	v29 =	vld [tilespmem:s24+$0x14080];
	v16 =	vadd.f32 v17, v16;
	v55 =	vperm.xlane v15, v0;
	v17 =	vmul.f32 v20, v6  }
0x1dc: {  	v24 =	vld [tilespmem:s24+$0xA080];
	v31 =	vperm.xlane v14, v2;
	v21 =	vmax.f32 v21, $0.0e+00;
	v18 =	vadd.f32 v18, v19  }
0x1dd: {  	v41 =	vld [tilespmem:s24+$0x9F30];
	v30 =	vadd.f32 v54, v30;
	v27 =	vadd.f32 v15, v55;
	v15 =	vmul.f32 v26, v9  }
0x1de: {  	v26 =	vld [tilespmem:s24+$0xA0C0];
	v20 =	vmul.f32 v21, v7;
	v22 =	vadd.f32 v57, v22;
	v31 =	vadd.f32 v14, v31  }
0x1df: {  	v21 =	vld [tilespmem:s24+$0x140C0];
	v18 =	vadd.f32 v18, v16;
	v19 =	vperm.xlane v27, v1;
	v25 =	vadd.f32 v15, v25  }
0x1e0: {  	v42 =	vld [tilespmem:s24+$0x13F30];
	v17 =	vadd.f32 v20, v17;
	v15 =	vadd.f32 v13, v23;
	v22 =	vmax.f32 v22, $0.0e+00  }
0x1e1: {  	s13 =	sadd.s32 $0xA4, s6;
	v20 =	vld [tilespmem:s24+$0x140D0];
	v24 =	vadd.f32 v29, v24;
	v23 =	vperm.xlane v31, v3;
	v22 =	vmul.f32 v22, v12  }
0x1e2: {  	s8 =	sadd.s32 $0xA7, s6;
	s6 =	sadd.s32 $0xA6, s6;
	v13 =	vadd.f32 v27, v19;
	v19 =	vld [tilespmem:s24+$0xA0E0];
	v17 =	vadd.f32 v17, v25;
	v27 =	vmov s13  }
0x1e3: {  	v25 =	vld [tilespmem:s24+$0x140E0];
	v24 =	vmax.f32 v24, $0.0e+00;
	v16 =	vadd.f32 v31, v23;
	v23 =	vmov s6  }
0x1e4: {  	v31 =	vld [tilespmem:s24+$0x140F0];
	v21 =	vadd.f32 v21, v26;
	v24 =	vmul.f32 v24, v4;
	v22 =	vadd.f32 v22, v28  }
0x1e5: {  	v26 =	vld [tilespmem:s24+$0x13F10];
	v60 =	vperm.xlane v13, v2;
	v17 =	vadd.f32 v17, v18;
	v18 =	vand.u32 $0xFFFFFFFC, v27  }
0x1e6: {  	v46 =	vld [tilespmem:s24+$0x13F70];
	v27 =	vand.u32 $0xFFFFFFFD, v59;
	v23 =	vand.u32 $0xFFFFFFFE, v23;
	v20 =	vadd.f32 v20, v58  }
0x1e7: {  	v29 =	vld [tilespmem:s24+$0x13F00];
	v21 =	vmax.f32 v21, $0.0e+00;
	v62 =	vadd.f32 v13, v60;
	v63 =	vadd.f32 v17, v5  }
0x1e8: {  	v13 =	vld [tilespmem:s24+$0x9F00];
	v17 =	vbroadcast v27, $0x0;
	v27 =	vmax.f32 v30, $0.0e+00;
	v19 =	vadd.f32 v25, v19  }
0x1e9: {  	v25 =	vld [tilespmem:s24+$0x9F20];
	v27 =	vmul.f32 v27, v10;
	v20 =	vmax.f32 v20, $0.0e+00;
	v30 =	vadd.f32 v31, v61  }
0x1ea: {  	v21 =	vmul.f32 v21, v8;
	v31 =	vld [tilespmem:s24+$0x13F20];
	v20 =	vmul.f32 v20, v9;
	v26 =	vadd.f32 v26, v40  }
0x1eb: {  	v47 =	vld [tilespmem:s24+$0x9F90];
	v19 =	vmax.f32 v19, $0.0e+00;
	v24 =	vadd.f32 v27, v24;
	v30 =	vmax.f32 v30, $0.0e+00  }
0x1ec: {  	v27 =	vld [tilespmem:s24+$0x9F50];
	v19 =	vmul.f32 v19, v6;
	v20 =	vadd.f32 v20, v21;
	v21 =	vperm.xlane v62, v3  }
0x1ed: {  	v29 =	vadd.f32 v29, v13;
	v30 =	vmul.f32 v30, v7;
	v13 =	vbroadcast v23, $0x0;
	v23 =	vld [tilespmem:s24+$0x13F50]  }
0x1ee: {  	v28 =	vld [tilespmem:s24+$0x9F60];
	v22 =	vadd.f32 v22, v24;
	v24 =	vmax.f32 v26, $0.0e+00;
	v26 =	vadd.f32 v42, v41  }
0x1ef: {  	v14 =	vmov s8;
	v19 =	vadd.f32 v30, v19;
	v25 =	vadd.f32 v31, v25;
	v31 =	vld [tilespmem:s24+$0x13F60]  }
0x1f0: {  	v49 =	vld [tilespmem:s24+$0x9FA0];
	v18 =	vbroadcast v18, $0x0;
	v24 =	vmul.f32 v24, v10;
	v48 =	vadd.f32 v62, v21  }
0x1f1: {  	v29 =	vmax.f32 v29, $0.0e+00;
	v26 =	vmax.f32 v26, $0.0e+00;
	v19 =	vadd.f32 v19, v20;
	v20 =	vld [tilespmem:s24+$0x9F70]  }
0x1f2: {  	v29 =	vmul.f32 v29, v4;
	v25 =	vmax.f32 v25, $0.0e+00;
	v23 =	vadd.f32 v23, v27;
	v27 =	vld [tilespmem:s24+$0x13F80]  }
0x1f3: {  	v26 =	vmul.f32 v26, v12;
	v25 =	vmul.f32 v25, v11;
	v19 =	vadd.f32 v19, v22;
	v22 =	vld [tilespmem:s24+$0x9F80]  }
0x1f4: {  	v30 =	vperm.xlane v63, v0;
	v24 =	vadd.f32 v24, v29;
	v29 =	vld [tilespmem:s24+$0x13FA0];
	v28 =	vadd.f32 v31, v28  }
0x1f5: {  	v23 =	vmax.f32 v23, $0.0e+00;
	v31 =	vld [tilespmem:s24+$0x13F90];
	v25 =	vadd.f32 v26, v25;
	v19 =	vadd.f32 v19, v5  }
0x1f6: {  	v50 =	vld [tilespmem:s24+$0x13FC0];
	v30 =	vadd.f32 v63, v30;
	v21 =	vmul.f32 v23, v9;
	v20 =	vadd.f32 v46, v20  }
0x1f7: {  	v56 =	vld [tilespmem:s24+$0x14010];
	s6 =	sadd.s32 $0x0, s21;
	v28 =	vmax.f32 v28, $0.0e+00;
	v24 =	vadd.f32 v25, v24;
	v23 =	vperm.xlane v19, v0  }
0x1f8: {  	s8 =	sadd.s32 $0xA7, s6;
	v26 =	vmul.f32 v28, v6;
	v20 =	vmax.f32 v20, $0.0e+00;
	v22 =	vadd.f32 v27, v22;
	v27 =	vld [tilespmem:s24+$0x13FB0]  }
0x1f9: {  	s13 =	sadd.s32 $0xA4, s6;
	s25 =	sadd.s32 $0xA5, s6;
	s6 =	sadd.s32 $0xA6, s6;
	v21 =	vadd.f32 v21, v32;
	v19 =	vadd.f32 v19, v23;
	v23 =	vld [tilespmem:s24+$0x9FB0];
	v20 =	vmul.f32 v20, v7  }
0x1fa: {  	v52 =	vld [tilespmem:s24+$0x9FE0];
	[tilespmem:v14+s0+$0x0] =	vst.idx.msk $0x1, v15;
	v15 =	vmov s6;
	v29 =	vadd.f32 v29, v49;
	v31 =	vadd.f32 v31, v47  }
0x1fb: {  	v51 =	vld [tilespmem:s24+$0x13FD0];
	v22 =	vmax.f32 v22, $0.0e+00;
	v25 =	vperm.xlane v19, v1;
	v20 =	vadd.f32 v20, v26  }
0x1fc: {  	v28 =	vld [tilespmem:s24+$0x9FC0];
	v22 =	vmul.f32 v22, v4;
	v26 =	vmax.f32 v31, $0.0e+00;
	v31 =	vperm.xlane v30, v1  }
0x1fd: {  	v19 =	vadd.f32 v19, v25;
	v25 =	vld [tilespmem:s24+$0x9FD0];
	v20 =	vadd.f32 v20, v21;
	v21 =	vmul.f32 v26, v10  }
0x1fe: {  	v29 =	vmax.f32 v29, $0.0e+00;
	v23 =	vadd.f32 v27, v23;
	v27 =	vadd.f32 v30, v31;
	v31 =	vld [tilespmem:s24+$0x13FF0]  }
0x1ff: {  	v29 =	vmul.f32 v29, v11;
	v26 =	vperm.xlane v19, v2;
	v21 =	vadd.f32 v21, v22;
	v22 =	vld [tilespmem:s24+$0x9FF0]  }
0x200: {  	v30 =	vld [tilespmem:s24+$0x13FE0];
	v20 =	vadd.f32 v20, v24;
	v23 =	vmax.f32 v23, $0.0e+00;
	v54 =	vperm.xlane v27, v2  }
0x201: {  	v53 =	vld [tilespmem:s24+$0xA000];
	v19 =	vadd.f32 v19, v26;
	v26 =	vadd.f32 v50, v28;
	v23 =	vmul.f32 v23, v12  }
0x202: {  	v58 =	vld [tilespmem:s24+$0x14020];
	v28 =	vmov s8;
	v20 =	vadd.f32 v20, v5;
	v25 =	vadd.f32 v51, v25  }
0x203: {  	v24 =	vperm.xlane v19, v3;
	v26 =	vmax.f32 v26, $0.0e+00;
	v23 =	vadd.f32 v23, v29;
	v29 =	vld [tilespmem:s24+$0x14000]  }
0x204: {  	v60 =	vld [tilespmem:s24+$0xA040];
	v57 =	vperm.xlane v20, v0;
	v26 =	vmul.f32 v26, v8;
	v22 =	vadd.f32 v31, v22  }
0x205: {  	v62 =	vld [tilespmem:s24+$0x14040];
	v55 =	vadd.f32 v19, v24;
	v19 =	vmax.f32 v25, $0.0e+00;
	v24 =	vadd.f32 v30, v52  }
0x206: {  	v25 =	vld [tilespmem:s24+$0xA010];
	v30 =	vmov s13;
	v31 =	vadd.f32 v23, v21;
	v37 =	vadd.f32 v20, v57  }
0x207: {  	v23 =	vld [tilespmem:s24+$0xA020];
	v19 =	vmul.f32 v19, v9;
	v20 =	vmax.f32 v22, $0.0e+00;
	v21 =	vmax.f32 v24, $0.0e+00  }
0x208: {  	v20 =	vmul.f32 v20, v7;
	v59 =	vperm.xlane v37, v1;
	v22 =	vadd.f32 v29, v53;
	v29 =	vld [tilespmem:s24+$0xA030]  }
0x209: {  	v24 =	vmul.f32 v21, v6;
	v26 =	vadd.f32 v19, v26;
	v19 =	vadd.f32 v27, v54;
	v27 =	vld [tilespmem:s24+$0x14030]  }
0x20a: {  	v14 =	vand.u32 $0xFFFFFFFC, v30;
	[tilespmem:v28+s0+$0x0] =	vst.idx.msk $0x1, v55;
	v28 =	vadd.f32 v62, v60;
	v32 =	vadd.f32 v37, v59  }
0x20b: {  	v22 =	vmax.f32 v22, $0.0e+00;
	v25 =	vadd.f32 v56, v25;
	v24 =	vadd.f32 v20, v24  }
0x20c: {  	v21 =	vmov s25;
	v23 =	vadd.f32 v58, v23;
	v61 =	vmul.f32 v22, v4;
	v22 =	vld [tilespmem:s24+$0xA050]  }
0x20d: {  	[tilespmem:v18+s0+$0x0] =	vst.idx.msk $0x1, v16;
	v63 =	vperm.xlane v32, v2;
	v25 =	vmax.f32 v25, $0.0e+00;
	v16 =	vadd.f32 v24, v26;
	v24 =	vld [tilespmem:s24+$0x14050]  }
0x20e: {  	[tilespmem:v17+s0+$0x0] =	vst.idx.msk $0x1, v48;
	v17 =	vmax.f32 v23, $0.0e+00;
	v23 =	vld [tilespmem:s24+$0xA060];
	v30 =	vmul.f32 v25, v10;
	v27 =	vadd.f32 v27, v29  }
0x20f: {  	v20 =	vperm.xlane v19, v3;
	v26 =	vld [tilespmem:s24+$0x14060];
	v18 =	vmul.f32 v17, v11;
	v25 =	vadd.f32 v16, v31  }
0x210: {  	s28 =	simm.s32 $0x1000;
	s25 =	simm.s32 $0x4;
	v16 =	vadd.f32 v32, v63;
	v17 =	vadd.f32 v30, v61;
	v29 =	vmax.f32 v27, $0.0e+00;
	v27 =	vld [tilespmem:s24+$0xA070]  }
.LBB2_7:
0x211: {  	v25 =	vadd.f32 v25, v5;
	v21 =	vand.u32 $0xFFFFFFFD, v21;
	v29 =	vmul.f32 v29, v12;
	v30 =	vld [tilespmem:s24+$0x14070];
	s24 =	sshra.s32 s28, $0x2;
	s13 =	smov.u32 s25  }
0x212: {  	v31 =	vld [tilespmem:s24+$0xA080];
	v32 =	vperm.xlane v16, v3;
	v28 =	vmax.f32 v28, $0.0e+00;
	v22 =	vadd.f32 v24, v22  }
0x213: {  	v24 =	vld [tilespmem:s24+$0x14080];
	v33 =	vperm.xlane v25, v0;
	v28 =	vmul.f32 v28, v8;
	v18 =	vadd.f32 v29, v18  }
0x214: {  	v15 =	vand.u32 $0xFFFFFFFE, v15;
	v29 =	vld [tilespmem:s24+$0xA090];
	v22 =	vmax.f32 v22, $0.0e+00;
	v23 =	vadd.f32 v26, v23  }
0x215: {  	v26 =	vld [tilespmem:s24+$0x14090];
	v25 =	vadd.f32 v25, v33;
	v22 =	vmul.f32 v22, v9;
	v17 =	vadd.f32 v18, v17  }
0x216: {  	v16 =	vadd.f32 v16, v32;
	v18 =	vld [tilespmem:s24+$0xA0A0];
	v23 =	vmax.f32 v23, $0.0e+00;
	v27 =	vadd.f32 v30, v27  }
0x217: {  	v30 =	vld [tilespmem:s24+$0x140A0];
	v32 =	vperm.xlane v25, v1;
	v23 =	vmul.f32 v23, v6;
	v22 =	vadd.f32 v22, v28  }
0x218: {  	v14 =	vbroadcast v14, $0x0;
	v19 =	vadd.f32 v19, v20;
	v28 =	vld [tilespmem:s24+$0xA0B0];
	v27 =	vmax.f32 v27, $0.0e+00  }
0x219: {  	v21 =	vbroadcast v21, $0x0;
	v20 =	vld [tilespmem:s24+$0x140B0];
	v25 =	vadd.f32 v25, v32;
	v27 =	vmul.f32 v27, v7  }
0x21a: {  	v32 =	vld [tilespmem:s24+$0xA0C0];
	[tilespmem:v13+s0+$0x0] =	vst.idx.msk $0x1, v19;
	v13 =	vbroadcast v15, $0x0  }
0x21b: {  	v15 =	vld [tilespmem:s24+$0x140C0];
	v19 =	vperm.xlane v25, v2;
	v23 =	vadd.f32 v27, v23  }
0x21c: {  	v27 =	vld [tilespmem:s24+$0xA0D0]  }
0x21d: {  	v33 =	vld [tilespmem:s24+$0x140D0];
	v19 =	vadd.f32 v25, v19;
	v22 =	vadd.f32 v23, v22  }
0x21e: {  	v23 =	vld [tilespmem:s24+$0xA0E0];
	[tilespmem:v14+s0+$0x0] =	vst.idx.msk $0x1, v16  }
0x21f: {  	v14 =	vld [tilespmem:s24+$0x140E0];
	v16 =	vperm.xlane v19, v3;
	v17 =	vadd.f32 v22, v17  }
0x220: {  	v22 =	vld [tilespmem:s24+$0xA0F0]  }
0x221: {  	v25 =	vld [tilespmem:s24+$0x140F0];
	v16 =	vadd.f32 v19, v16;
	v17 =	vadd.f32 v17, v5  }
0x222: {  	s25 =	sadd.s32 $0x4, s25;
	v24 =	vadd.f32 v24, v31;
	v19 =	vld [tilespmem:s24+$0x9F00]  }
0x223: {  	p1 =	slt.u32 s25, $0x4C;
	v26 =	vadd.f32 v26, v29;
	v18 =	vadd.f32 v30, v18;
	v31 =	vld [tilespmem:s24+$0x13F00];
	v29 =	vperm.xlane v17, v0  }
0x224: {  	v20 =	vadd.f32 v20, v28;
	v15 =	vadd.f32 v15, v32;
	v30 =	vld [tilespmem:s24+$0x9F10];
	[tilespmem:v21+s0+$0x0] =	vst.idx.msk $0x1, v16  }
0x225: {  	v21 =	vadd.f32 v33, v27;
	v14 =	vadd.f32 v14, v23;
	v16 =	vld [tilespmem:s24+$0x13F10]  }
0x226: {  	v24 =	vmax.f32 v24, $0.0e+00;
	v26 =	vmax.f32 v26, $0.0e+00;
	v23 =	vld [tilespmem:s24+$0x9F20];
	v22 =	vadd.f32 v25, v22  }
0x227: {  	v18 =	vmax.f32 v18, $0.0e+00;
	v20 =	vmax.f32 v20, $0.0e+00;
	v15 =	vmax.f32 v15, $0.0e+00;
	v25 =	vld [tilespmem:s24+$0x13F20]  }
0x228: {  	v24 =	vmul.f32 v24, v4;
	v26 =	vmul.f32 v26, v10;
	v21 =	vmax.f32 v21, $0.0e+00;
	v27 =	vld [tilespmem:s24+$0x9F30]  }
0x229: {  	v18 =	vmul.f32 v18, v11;
	v20 =	vmul.f32 v20, v12;
	v14 =	vmax.f32 v14, $0.0e+00;
	v28 =	vld [tilespmem:s24+$0x13F30]  }
0x22a: {  	v15 =	vmul.f32 v15, v8;
	v21 =	vmul.f32 v21, v9;
	v22 =	vmax.f32 v22, $0.0e+00;
	v32 =	vld [tilespmem:s24+$0x9F40]  }
0x22b: {  	v14 =	vmul.f32 v14, v6;
	v19 =	vadd.f32 v31, v19;
	v22 =	vmul.f32 v22, v7;
	v31 =	vld [tilespmem:s24+$0x13F40]  }
0x22c: {  	v24 =	vadd.f32 v26, v24;
	v18 =	vadd.f32 v20, v18;
	v33 =	vld [tilespmem:s24+$0x9F50]  }
0x22d: {  	v15 =	vadd.f32 v21, v15;
	v19 =	vmax.f32 v19, $0.0e+00;
	v14 =	vadd.f32 v22, v14;
	v20 =	vld [tilespmem:s24+$0x13F50]  }
0x22e: {  	v16 =	vadd.f32 v16, v30;
	v19 =	vmul.f32 v19, v4;
	v21 =	vadd.f32 v25, v23;
	v22 =	vld [tilespmem:s24+$0x9F60]  }
0x22f: {  	v18 =	vadd.f32 v18, v24;
	v14 =	vadd.f32 v14, v15;
	v23 =	vld [tilespmem:s24+$0x13F60]  }
0x230: {  	v15 =	vmax.f32 v16, $0.0e+00;
	v16 =	vadd.f32 v28, v27;
	v24 =	vadd.f32 v31, v32;
	v25 =	vld [tilespmem:s24+$0x9F70]  }
0x231: {  	v15 =	vmul.f32 v15, v10;
	v21 =	vmax.f32 v21, $0.0e+00;
	v14 =	vadd.f32 v14, v18;
	v26 =	vld [tilespmem:s24+$0x13F70]  }
0x232: {  	v16 =	vmax.f32 v16, $0.0e+00;
	v18 =	vmax.f32 v24, $0.0e+00;
	v20 =	vadd.f32 v20, v33;
	v24 =	vld [tilespmem:s24+$0x9F80]  }
0x233: {  	v21 =	vmul.f32 v21, v11;
	v16 =	vmul.f32 v16, v12;
	v14 =	vadd.f32 v14, v5;
	v27 =	vld [tilespmem:s24+$0x13F80]  }
0x234: {  	v18 =	vmul.f32 v18, v8;
	v20 =	vmax.f32 v20, $0.0e+00;
	v22 =	vadd.f32 v23, v22;
	v23 =	vld [tilespmem:s24+$0x9F90]  }
0x235: {  	v15 =	vadd.f32 v15, v19;
	v28 =	vperm.xlane v14, v0;
	v20 =	vmul.f32 v20, v9;
	v19 =	vld [tilespmem:s24+$0x13F90]  }
0x236: {  	v16 =	vadd.f32 v16, v21;
	v22 =	vmax.f32 v22, $0.0e+00;
	v25 =	vadd.f32 v26, v25;
	v21 =	vld [tilespmem:s24+$0x9FA0]  }
0x237: {  	v14 =	vadd.f32 v14, v28;
	v22 =	vmul.f32 v22, v6;
	v18 =	vadd.f32 v20, v18;
	v20 =	vld [tilespmem:s24+$0x13FA0]  }
0x238: {  	v15 =	vadd.f32 v16, v15;
	v25 =	vmax.f32 v25, $0.0e+00;
	v16 =	vadd.f32 v27, v24;
	v24 =	vld [tilespmem:s24+$0x9FB0]  }
0x239: {  	v17 =	vadd.f32 v17, v29;
	v27 =	vperm.xlane v14, v1;
	v25 =	vmul.f32 v25, v7;
	v26 =	vld [tilespmem:s24+$0x13FB0]  }
0x23a: {  	v16 =	vmax.f32 v16, $0.0e+00;
	v19 =	vadd.f32 v19, v23;
	v23 =	vld [tilespmem:s24+$0x9FC0]  }
0x23b: {  	v14 =	vadd.f32 v14, v27;
	v22 =	vadd.f32 v25, v22;
	v16 =	vmul.f32 v16, v4;
	v25 =	vld [tilespmem:s24+$0x13FC0]  }
0x23c: {  	v27 =	vperm.xlane v17, v1;
	v19 =	vmax.f32 v19, $0.0e+00;
	v20 =	vadd.f32 v20, v21;
	v21 =	vld [tilespmem:s24+$0x9FD0]  }
0x23d: {  	v28 =	vperm.xlane v14, v2;
	v18 =	vadd.f32 v22, v18;
	v19 =	vmul.f32 v19, v10;
	v22 =	vld [tilespmem:s24+$0x13FD0]  }
0x23e: {  	s6 =	sadd.s32 s13, s21;
	v17 =	vadd.f32 v17, v27;
	v20 =	vmax.f32 v20, $0.0e+00;
	v24 =	vadd.f32 v26, v24;
	v26 =	vld [tilespmem:s24+$0x9FE0]  }
0x23f: {  	s7 =	sadd.s32 $0xA4, s6;
	s8 =	sadd.s32 $0xA5, s6;
	s13 =	sadd.s32 $0xA7, s6;
	v14 =	vadd.f32 v14, v28;
	v20 =	vmul.f32 v20, v11;
	v27 =	vld [tilespmem:s24+$0x13FE0];
	v16 =	vadd.f32 v19, v16  }
0x240: {  	s6 =	sadd.s32 $0xA6, s6;
	v19 =	vmax.f32 v24, $0.0e+00;
	v23 =	vadd.f32 v25, v23;
	v24 =	vld [tilespmem:s24+$0x9FF0];
	v25 =	vmov s13  }
0x241: {  	v15 =	vadd.f32 v18, v15;
	v28 =	vperm.xlane v14, v3;
	v18 =	vmul.f32 v19, v12;
	v19 =	vld [tilespmem:s24+$0x13FF0]  }
0x242: {  	v29 =	vperm.xlane v17, v2;
	v23 =	vmax.f32 v23, $0.0e+00;
	v21 =	vadd.f32 v22, v21;
	v22 =	vld [tilespmem:s24+$0xA000]  }
0x243: {  	v14 =	vadd.f32 v14, v28;
	v23 =	vmul.f32 v23, v8;
	v18 =	vadd.f32 v18, v20;
	v20 =	vld [tilespmem:s24+$0x14000]  }
0x244: {  	v15 =	vadd.f32 v15, v5;
	v21 =	vmax.f32 v21, $0.0e+00;
	v26 =	vadd.f32 v27, v26;
	v27 =	vld [tilespmem:s24+$0xA010]  }
0x245: {  	v28 =	vmov s7;
	v21 =	vmul.f32 v21, v9;
	v16 =	vadd.f32 v18, v16;
	v18 =	vld [tilespmem:s24+$0x14010];
	[tilespmem:v25+s0+$0x0] =	vst.idx.msk $0x1, v14  }
0x246: {  	v14 =	vperm.xlane v15, v0;
	v25 =	vmax.f32 v26, $0.0e+00;
	v24 =	vadd.f32 v19, v24;
	v26 =	vld [tilespmem:s24+$0xA020]  }
0x247: {  	v19 =	vadd.f32 v17, v29;
	v25 =	vmul.f32 v25, v6;
	v23 =	vadd.f32 v21, v23;
	v30 =	vld [tilespmem:s24+$0x14020]  }
0x248: {  	v14 =	vadd.f32 v15, v14;
	v15 =	vmax.f32 v24, $0.0e+00;
	v17 =	vadd.f32 v20, v22;
	v29 =	vld [tilespmem:s24+$0xA030]  }
0x249: {  	v21 =	vmov s8;
	v20 =	vperm.xlane v19, v3;
	v15 =	vmul.f32 v15, v7;
	v31 =	vld [tilespmem:s24+$0x14030]  }
0x24a: {  	v22 =	vperm.xlane v14, v1;
	v17 =	vmax.f32 v17, $0.0e+00;
	v18 =	vadd.f32 v18, v27;
	v27 =	vld [tilespmem:s24+$0xA040]  }
0x24b: {  	v24 =	vadd.f32 v15, v25;
	v17 =	vmul.f32 v17, v4;
	v32 =	vld [tilespmem:s24+$0x14040];
	v15 =	vmov s6  }
.Ltmp2:
0x24c: {  	v33 =	vadd.f32 v14, v22;
	v18 =	vmax.f32 v18, $0.0e+00;
	v25 =	vadd.f32 v30, v26;
	v22 =	vld [tilespmem:s24+$0xA050];
	(pc) =	sbr.rel @p1 .LBB2_7-.Ltmp2, $4  }
0x24d: {  	v14 =	vand.u32 $0xFFFFFFFC, v28;
	v26 =	vadd.f32 v24, v23;
	v28 =	vmul.f32 v18, v10;
	v24 =	vld [tilespmem:s24+$0x14050]  }
0x24e: {  	v30 =	vperm.xlane v33, v2;
	v18 =	vmax.f32 v25, $0.0e+00;
	v29 =	vadd.f32 v31, v29;
	v23 =	vld [tilespmem:s24+$0xA060]  }
0x24f: {  	v25 =	vadd.f32 v26, v16;
	v18 =	vmul.f32 v18, v11;
	v26 =	vld [tilespmem:s24+$0x14060];
	v17 =	vadd.f32 v28, v17  }
0x250: {  	s28 =	sadd.s32 $0x800, s28;
	v16 =	vadd.f32 v33, v30;
	v29 =	vmax.f32 v29, $0.0e+00;
	v28 =	vadd.f32 v32, v27;
	v27 =	vld [tilespmem:s24+$0xA070]  }
0x251: {  	v30 =	vld [tilespmem:s24+$0x14070];
	_ =	sdelay $0x2  }
0x252: {  	v22 =	vadd.f32 v24, v22  }
0x253: {  	v24 =	vmax.f32 v28, $0.0e+00  }
0x254: {  	v23 =	vadd.f32 v26, v23;
	v22 =	vmax.f32 v22, $0.0e+00;
	v26 =	vadd.f32 v30, v27  }
0x255: {  	v24 =	vmul.f32 v24, v8;
	v22 =	vmul.f32 v22, v9  }
0x256: {  	v27 =	vmul.f32 v29, v12;
	v23 =	vmax.f32 v23, $0.0e+00;
	v26 =	vmax.f32 v26, $0.0e+00  }
0x257: {  	v23 =	vmul.f32 v23, v6;
	v26 =	vmul.f32 v26, v7  }
0x258: {  	v22 =	vadd.f32 v22, v24  }
0x259: {  	v18 =	vadd.f32 v27, v18;
	v23 =	vadd.f32 v26, v23;
	_ =	sdelay $0x1  }
0x25a: {  	v17 =	vadd.f32 v18, v17;
	v18 =	vadd.f32 v23, v22;
	_ =	sdelay $0x1  }
0x25b: {  	v17 =	vadd.f32 v18, v17  }
0x25c: {  	v18 =	vadd.f32 v25, v5  }
0x25d: {  	v17 =	vadd.f32 v17, v5  }
0x25e: {  	v22 =	vperm.xlane v18, v0  }
0x25f: {  	v23 =	vperm.xlane v17, v0  }
0x260: {  	v18 =	vadd.f32 v18, v22  }
0x261: {  	v17 =	vadd.f32 v17, v23  }
0x262: {  	v22 =	vperm.xlane v18, v1  }
0x263: {  	v23 =	vperm.xlane v17, v1  }
0x264: {  	v18 =	vadd.f32 v18, v22  }
0x265: {  	v17 =	vadd.f32 v17, v23  }
0x266: {  	v22 =	vperm.xlane v18, v2  }
0x267: {  	v21 =	vand.u32 $0xFFFFFFFD, v21;
	v14 =	vbroadcast v14, $0x0;
	v23 =	vperm.xlane v17, v2  }
0x268: {  	v15 =	vand.u32 $0xFFFFFFFE, v15;
	v21 =	vbroadcast v21, $0x0;
	v18 =	vadd.f32 v18, v22  }
0x269: {  	v15 =	vbroadcast v15, $0x0;
	v22 =	vperm.xlane v16, v3;
	v17 =	vadd.f32 v17, v23  }
0x26a: {  	v19 =	vadd.f32 v19, v20;
	v20 =	vperm.xlane v18, v3  }
0x26b: {  	v16 =	vadd.f32 v16, v22;
	v22 =	vperm.xlane v17, v3  }
0x26c: {  	[tilespmem:v13+s0+$0x0] =	vst.idx.msk $0x1, v19;
	v13 =	vadd.f32 v18, v20  }
0x26d: {  	[tilespmem:v14+s0+$0x0] =	vst.idx.msk $0x1, v16;
	v14 =	vadd.f32 v17, v22  }
0x26e: {  	[tilespmem:v21+s0+$0x0] =	vst.idx.msk $0x1, v13  }
0x26f: {  	s6 =	sadd.s32 @!p0 $0x1E0, s23;
	s7 =	simm.s32 @!p0 $0x50;
	s8 =	simm.s32 @!p0 $0x9F00;
	[tilespmem:v15+s0+$0x0] =	vst.idx.msk $0x1, v14  }
0x270: {  	[tilespmem:s8], [sflag:$0x3] =	stream.indirect.gather @!p0 [hbm4b:s4+s7], $0x80, s6, s7, $0xb8;
	[tilespmem:$0x1B780] =	vst v63  }
0x271: {  	s6 =	sadd.s32 @!p0 $0x2960, s23;
	s8 =	simm.s32 @!p0 $0x13F00  }
0x272: {  	[tilespmem:s8], [sflag:$0x7] =	stream.indirect.gather @!p0 [hbm4b:s5+s7], $0x80, s6, s7, $0xb8;
	[tilespmem:$0x1B780] =	vst v63  }
0x273: {  	_ =	swait.ge [sflag:s18], $0x2800  }
0x274: {  	[sflag:s18] =	ssyncset.done $0x0  }
0x275: {  	[sflag:s18] =	ssyncadd.s32 $0xFFFFD800  }
0x276: {  	_ =	swait.ge [sflag:s19], $0x2800  }
0x277: {  	[sflag:s19] =	ssyncset.done $0x0  }
0x278: {  	s13 =	simm.s32 $0x0;
	[sflag:s19] =	ssyncadd.s32 $0xFFFFD800  }
0x279: {  	v13 =	vld [tilespmem:s13+$0xC880]  }
0x27a: {  	v14 =	vld [tilespmem:s13+$0x16880]  }
0x27b: {  	v15 =	vld [tilespmem:s13+$0xC890]  }
0x27c: {  	v16 =	vld [tilespmem:s13+$0x16890]  }
0x27d: {  	v17 =	vld [tilespmem:s13+$0xC8A0]  }
0x27e: {  	v18 =	vld [tilespmem:s13+$0x168A0]  }
0x27f: {  	v19 =	vld [tilespmem:s13+$0xC8B0]  }
0x280: {  	v20 =	vld [tilespmem:s13+$0x168B0]  }
0x281: {  	v21 =	vld [tilespmem:s13+$0xC8C0]  }
0x282: {  	v22 =	vld [tilespmem:s13+$0x168C0]  }
0x283: {  	v23 =	vld [tilespmem:s13+$0xC8D0]  }
0x284: {  	v24 =	vld [tilespmem:s13+$0x168D0]  }
0x285: {  	v25 =	vld [tilespmem:s13+$0xC8E0]  }
0x286: {  	v26 =	vld [tilespmem:s13+$0x168E0]  }
0x287: {  	v27 =	vld [tilespmem:s13+$0xC8F0]  }
0x288: {  	v28 =	vld [tilespmem:s13+$0x168F0]  }
0x289: {  	v29 =	vld [tilespmem:s13+$0xC700]  }
0x28a: {  	v30 =	vld [tilespmem:s13+$0x16700]  }
0x28b: {  	v31 =	vld [tilespmem:s13+$0xC710]  }
0x28c: {  	v32 =	vld [tilespmem:s13+$0x16710]  }
0x28d: {  	v33 =	vld [tilespmem:s13+$0xC720]  }
0x28e: {  	v34 =	vld [tilespmem:s13+$0x16720]  }
0x28f: {  	v35 =	vld [tilespmem:s13+$0xC730]  }
0x290: {  	v36 =	vld [tilespmem:s13+$0x16730]  }
0x291: {  	v37 =	vld [tilespmem:s13+$0xC740]  }
0x292: {  	v38 =	vld [tilespmem:s13+$0x16780]  }
0x293: {  	v47 =	vld [tilespmem:s13+$0x167B0]  }
0x294: {  	v48 =	vld [tilespmem:s13+$0xC7D0]  }
0x295: {  	s24 =	simm.s32 $0x200;
	v49 =	vld [tilespmem:s13+$0x167D0];
	v13 =	vadd.f32 v14, v13;
	v15 =	vadd.f32 v16, v15  }
0x296: {  	v43 =	vld [tilespmem:s24+$0xC740];
	v16 =	vadd.f32 v18, v17;
	v18 =	vadd.f32 v20, v19  }
0x297: {  	v44 =	vld [tilespmem:s24+$0x16740];
	v19 =	vadd.f32 v22, v21;
	v21 =	vadd.f32 v24, v23  }
0x298: {  	v14 =	vld [tilespmem:s13+$0x16740];
	v22 =	vadd.f32 v26, v25;
	v24 =	vadd.f32 v28, v27  }
0x299: {  	v17 =	vld [tilespmem:s13+$0xC750];
	v29 =	vadd.f32 v30, v29;
	v13 =	vmax.f32 v13, $0.0e+00;
	v15 =	vmax.f32 v15, $0.0e+00  }
0x29a: {  	v20 =	vld [tilespmem:s13+$0x16750];
	v16 =	vmax.f32 v16, $0.0e+00;
	v18 =	vmax.f32 v18, $0.0e+00;
	v19 =	vmax.f32 v19, $0.0e+00  }
0x29b: {  	v23 =	vld [tilespmem:s13+$0xC760];
	v21 =	vmax.f32 v21, $0.0e+00;
	v13 =	vmul.f32 v13, v4;
	v15 =	vmul.f32 v15, v10  }
0x29c: {  	v25 =	vld [tilespmem:s13+$0x16760];
	v22 =	vmax.f32 v22, $0.0e+00;
	v16 =	vmul.f32 v16, v11;
	v18 =	vmul.f32 v18, v12  }
0x29d: {  	v26 =	vld [tilespmem:s13+$0xC770];
	v24 =	vmax.f32 v24, $0.0e+00;
	v19 =	vmul.f32 v19, v8;
	v21 =	vmul.f32 v21, v9  }
0x29e: {  	v27 =	vld [tilespmem:s13+$0x16770];
	v45 =	vadd.f32 v44, v43;
	v22 =	vmul.f32 v22, v6;
	v24 =	vmul.f32 v24, v7  }
0x29f: {  	v28 =	vld [tilespmem:s13+$0xC780];
	v13 =	vadd.f32 v15, v13;
	v15 =	vadd.f32 v18, v16  }
0x2a0: {  	s6 =	sadd.s32 $0xFFFFFFFC, s21;
	v50 =	vld [tilespmem:s13+$0x167F0];
	v18 =	vadd.f32 v21, v19;
	v19 =	vadd.f32 v24, v22  }
0x2a1: {  	s25 =	sadd.s32 $0xF5, s6;
	v51 =	vld [tilespmem:s13+$0x16830];
	v22 =	vadd.f32 v32, v31;
	v31 =	vadd.f32 v36, v35  }
0x2a2: {  	v59 =	vmov s25;
	v53 =	vld [tilespmem:s13+$0xC850];
	v14 =	vadd.f32 v14, v37;
	v17 =	vadd.f32 v20, v17  }
0x2a3: {  	v30 =	vld [tilespmem:s13+$0xC790];
	v29 =	vmax.f32 v29, $0.0e+00;
	v23 =	vadd.f32 v25, v23;
	v26 =	vadd.f32 v27, v26  }
0x2a4: {  	v16 =	vld [tilespmem:s13+$0x16790];
	v28 =	vadd.f32 v38, v28;
	v32 =	vmax.f32 v45, $0.0e+00;
	v13 =	vadd.f32 v15, v13  }
0x2a5: {  	v21 =	vld [tilespmem:s13+$0xC7A0];
	v15 =	vadd.f32 v19, v18;
	v19 =	vmul.f32 v29, v4;
	v29 =	vadd.f32 v34, v33  }
0x2a6: {  	v24 =	vld [tilespmem:s13+$0x167A0];
	v22 =	vmax.f32 v22, $0.0e+00;
	v31 =	vmax.f32 v31, $0.0e+00;
	v14 =	vmax.f32 v14, $0.0e+00  }
0x2a7: {  	v20 =	vld [tilespmem:s13+$0x167C0];
	v17 =	vmax.f32 v17, $0.0e+00;
	v23 =	vmax.f32 v23, $0.0e+00;
	v22 =	vmul.f32 v22, v10  }
0x2a8: {  	v18 =	vld [tilespmem:s13+$0xC7B0];
	v28 =	vmax.f32 v28, $0.0e+00;
	v14 =	vmul.f32 v14, v8;
	v17 =	vmul.f32 v17, v9  }
0x2a9: {  	v27 =	vld [tilespmem:s13+$0xC7E0];
	v31 =	vmul.f32 v31, v12;
	v13 =	vadd.f32 v15, v13;
	v29 =	vmax.f32 v29, $0.0e+00  }
0x2aa: {  	v15 =	vld [tilespmem:s13+$0xC7C0];
	v29 =	vmul.f32 v29, v11;
	v19 =	vadd.f32 v22, v19;
	v14 =	vadd.f32 v17, v14  }
0x2ab: {  	v23 =	vmul.f32 v23, v6;
	v22 =	vld [tilespmem:s13+$0x167E0];
	v16 =	vadd.f32 v16, v30;
	v13 =	vadd.f32 v13, v5  }
0x2ac: {  	v54 =	vld [tilespmem:s24+$0x16890];
	v28 =	vmul.f32 v28, v4;
	v21 =	vadd.f32 v24, v21;
	v29 =	vadd.f32 v31, v29  }
0x2ad: {  	v56 =	vld [tilespmem:s24+$0x168A0];
	v16 =	vmax.f32 v16, $0.0e+00;
	v18 =	vadd.f32 v47, v18;
	v25 =	vperm.xlane v13, v0  }
0x2ae: {  	v31 =	vld [tilespmem:s13+$0xC800];
	v21 =	vmax.f32 v21, $0.0e+00;
	v16 =	vmul.f32 v16, v10;
	v19 =	vadd.f32 v29, v19  }
0x2af: {  	v15 =	vadd.f32 v20, v15;
	v13 =	vadd.f32 v13, v25;
	v25 =	vmax.f32 v26, $0.0e+00;
	v26 =	vld [tilespmem:s13+$0xC7F0]  }
0x2b0: {  	v20 =	vmul.f32 v21, v11;
	v18 =	vmax.f32 v18, $0.0e+00;
	v22 =	vadd.f32 v22, v27;
	v27 =	vld [tilespmem:s13+$0xC840]  }
0x2b1: {  	v21 =	vadd.f32 v49, v48;
	v16 =	vadd.f32 v16, v28;
	v28 =	vld [tilespmem:s13+$0x16840];
	v25 =	vmul.f32 v25, v7  }
0x2b2: {  	v29 =	vld [tilespmem:s13+$0xC820];
	v18 =	vmul.f32 v18, v12;
	v15 =	vmax.f32 v15, $0.0e+00;
	v17 =	vperm.xlane v13, v1  }
0x2b3: {  	v21 =	vmax.f32 v21, $0.0e+00;
	v15 =	vmul.f32 v15, v8;
	v23 =	vadd.f32 v25, v23;
	v25 =	vld [tilespmem:s13+$0x16800]  }
0x2b4: {  	v21 =	vmul.f32 v21, v9;
	v18 =	vadd.f32 v18, v20;
	v13 =	vadd.f32 v13, v17;
	v17 =	vld [tilespmem:s13+$0xC810]  }
0x2b5: {  	v22 =	vmax.f32 v22, $0.0e+00;
	v14 =	vadd.f32 v23, v14;
	v23 =	vld [tilespmem:s13+$0x16810];
	v26 =	vadd.f32 v50, v26  }
0x2b6: {  	v22 =	vmul.f32 v22, v6;
	v27 =	vadd.f32 v28, v27;
	v28 =	vld [tilespmem:s24+$0xC8A0];
	v24 =	vperm.xlane v13, v2  }
0x2b7: {  	v15 =	vadd.f32 v21, v15;
	v14 =	vadd.f32 v14, v19;
	v19 =	vld [tilespmem:s13+$0x16820];
	v26 =	vmax.f32 v26, $0.0e+00  }
0x2b8: {  	v57 =	vld [tilespmem:s24+$0x168B0];
	v16 =	vadd.f32 v18, v16;
	v13 =	vadd.f32 v13, v24;
	v24 =	vmul.f32 v26, v7  }
0x2b9: {  	v32 =	vmul.f32 v32, v8;
	v26 =	vld [tilespmem:s13+$0x16850];
	v18 =	vadd.f32 v25, v31;
	v14 =	vadd.f32 v14, v5  }
0x2ba: {  	v30 =	vld [tilespmem:s13+$0xC830];
	v21 =	vadd.f32 v24, v22;
	v17 =	vadd.f32 v23, v17;
	v23 =	vperm.xlane v13, v3  }
0x2bb: {  	v20 =	vld [tilespmem:s13+$0xC860];
	v18 =	vmax.f32 v18, $0.0e+00;
	v28 =	vadd.f32 v56, v28;
	v52 =	vperm.xlane v14, v0  }
0x2bc: {  	v22 =	vld [tilespmem:s13+$0x16860];
	v15 =	vadd.f32 v21, v15;
	v17 =	vmax.f32 v17, $0.0e+00;
	v19 =	vadd.f32 v19, v29  }
0x2bd: {  	v25 =	vld [tilespmem:s13+$0xC870];
	v28 =	vmax.f32 v28, $0.0e+00;
	v14 =	vadd.f32 v14, v52;
	v17 =	vmul.f32 v17, v10  }
0x2be: {  	v21 =	vld [tilespmem:s13+$0x16870];
	v26 =	vadd.f32 v26, v53;
	v28 =	vmul.f32 v28, v11;
	v15 =	vadd.f32 v15, v16  }
0x2bf: {  	v58 =	vld [tilespmem:s24+$0xC8D0];
	v16 =	vmul.f32 v18, v4;
	v18 =	vadd.f32 v51, v30;
	v19 =	vmax.f32 v19, $0.0e+00  }
0x2c0: {  	v61 =	vld [tilespmem:s24+$0xC8F0];
	v27 =	vmax.f32 v27, $0.0e+00;
	v24 =	vperm.xlane v14, v1;
	v19 =	vmul.f32 v19, v11  }
0x2c1: {  	v30 =	vld [tilespmem:s24+$0xC890];
	v20 =	vadd.f32 v22, v20;
	v26 =	vmax.f32 v26, $0.0e+00;
	v18 =	vmax.f32 v18, $0.0e+00  }
0x2c2: {  	v22 =	vld [tilespmem:s24+$0xC8B0];
	v15 =	vadd.f32 v15, v5;
	v14 =	vadd.f32 v14, v24;
	v18 =	vmul.f32 v18, v12  }
0x2c3: {  	v40 =	vld [tilespmem:s24+$0xC710];
	v21 =	vadd.f32 v21, v25;
	v25 =	vmul.f32 v27, v8;
	v20 =	vmax.f32 v20, $0.0e+00  }
0x2c4: {  	v29 =	vld [tilespmem:s24+$0x16880];
	v16 =	vadd.f32 v17, v16;
	v55 =	vperm.xlane v15, v0;
	v17 =	vmul.f32 v20, v6  }
0x2c5: {  	v24 =	vld [tilespmem:s24+$0xC880];
	v31 =	vperm.xlane v14, v2;
	v21 =	vmax.f32 v21, $0.0e+00;
	v18 =	vadd.f32 v18, v19  }
0x2c6: {  	v41 =	vld [tilespmem:s24+$0xC730];
	v30 =	vadd.f32 v54, v30;
	v27 =	vadd.f32 v15, v55;
	v15 =	vmul.f32 v26, v9  }
0x2c7: {  	v26 =	vld [tilespmem:s24+$0xC8C0];
	v20 =	vmul.f32 v21, v7;
	v22 =	vadd.f32 v57, v22;
	v31 =	vadd.f32 v14, v31  }
0x2c8: {  	v21 =	vld [tilespmem:s24+$0x168C0];
	v18 =	vadd.f32 v18, v16;
	v19 =	vperm.xlane v27, v1;
	v25 =	vadd.f32 v15, v25  }
0x2c9: {  	v42 =	vld [tilespmem:s24+$0x16730];
	v17 =	vadd.f32 v20, v17;
	v15 =	vadd.f32 v13, v23;
	v22 =	vmax.f32 v22, $0.0e+00  }
0x2ca: {  	s13 =	sadd.s32 $0xF4, s6;
	v20 =	vld [tilespmem:s24+$0x168D0];
	v24 =	vadd.f32 v29, v24;
	v23 =	vperm.xlane v31, v3;
	v22 =	vmul.f32 v22, v12  }
0x2cb: {  	s8 =	sadd.s32 $0xF7, s6;
	s6 =	sadd.s32 $0xF6, s6;
	v13 =	vadd.f32 v27, v19;
	v19 =	vld [tilespmem:s24+$0xC8E0];
	v17 =	vadd.f32 v17, v25;
	v27 =	vmov s13  }
0x2cc: {  	v25 =	vld [tilespmem:s24+$0x168E0];
	v24 =	vmax.f32 v24, $0.0e+00;
	v16 =	vadd.f32 v31, v23;
	v23 =	vmov s6  }
0x2cd: {  	v31 =	vld [tilespmem:s24+$0x168F0];
	v21 =	vadd.f32 v21, v26;
	v24 =	vmul.f32 v24, v4;
	v22 =	vadd.f32 v22, v28  }
0x2ce: {  	v26 =	vld [tilespmem:s24+$0x16710];
	v60 =	vperm.xlane v13, v2;
	v17 =	vadd.f32 v17, v18;
	v18 =	vand.u32 $0xFFFFFFFC, v27  }
0x2cf: {  	v46 =	vld [tilespmem:s24+$0x16770];
	v27 =	vand.u32 $0xFFFFFFFD, v59;
	v23 =	vand.u32 $0xFFFFFFFE, v23;
	v20 =	vadd.f32 v20, v58  }
0x2d0: {  	v29 =	vld [tilespmem:s24+$0x16700];
	v21 =	vmax.f32 v21, $0.0e+00;
	v62 =	vadd.f32 v13, v60;
	v63 =	vadd.f32 v17, v5  }
0x2d1: {  	v13 =	vld [tilespmem:s24+$0xC700];
	v17 =	vbroadcast v27, $0x0;
	v27 =	vmax.f32 v30, $0.0e+00;
	v19 =	vadd.f32 v25, v19  }
0x2d2: {  	v25 =	vld [tilespmem:s24+$0xC720];
	v27 =	vmul.f32 v27, v10;
	v20 =	vmax.f32 v20, $0.0e+00;
	v30 =	vadd.f32 v31, v61  }
0x2d3: {  	v21 =	vmul.f32 v21, v8;
	v31 =	vld [tilespmem:s24+$0x16720];
	v20 =	vmul.f32 v20, v9;
	v26 =	vadd.f32 v26, v40  }
0x2d4: {  	v47 =	vld [tilespmem:s24+$0xC790];
	v19 =	vmax.f32 v19, $0.0e+00;
	v24 =	vadd.f32 v27, v24;
	v30 =	vmax.f32 v30, $0.0e+00  }
0x2d5: {  	v27 =	vld [tilespmem:s24+$0xC750];
	v19 =	vmul.f32 v19, v6;
	v20 =	vadd.f32 v20, v21;
	v21 =	vperm.xlane v62, v3  }
0x2d6: {  	v29 =	vadd.f32 v29, v13;
	v30 =	vmul.f32 v30, v7;
	v13 =	vbroadcast v23, $0x0;
	v23 =	vld [tilespmem:s24+$0x16750]  }
0x2d7: {  	v28 =	vld [tilespmem:s24+$0xC760];
	v22 =	vadd.f32 v22, v24;
	v24 =	vmax.f32 v26, $0.0e+00;
	v26 =	vadd.f32 v42, v41  }
0x2d8: {  	v14 =	vmov s8;
	v19 =	vadd.f32 v30, v19;
	v25 =	vadd.f32 v31, v25;
	v31 =	vld [tilespmem:s24+$0x16760]  }
0x2d9: {  	v49 =	vld [tilespmem:s24+$0xC7A0];
	v18 =	vbroadcast v18, $0x0;
	v24 =	vmul.f32 v24, v10;
	v48 =	vadd.f32 v62, v21  }
0x2da: {  	v29 =	vmax.f32 v29, $0.0e+00;
	v26 =	vmax.f32 v26, $0.0e+00;
	v19 =	vadd.f32 v19, v20;
	v20 =	vld [tilespmem:s24+$0xC770]  }
0x2db: {  	v29 =	vmul.f32 v29, v4;
	v25 =	vmax.f32 v25, $0.0e+00;
	v23 =	vadd.f32 v23, v27;
	v27 =	vld [tilespmem:s24+$0x16780]  }
0x2dc: {  	v26 =	vmul.f32 v26, v12;
	v25 =	vmul.f32 v25, v11;
	v19 =	vadd.f32 v19, v22;
	v22 =	vld [tilespmem:s24+$0xC780]  }
0x2dd: {  	v30 =	vperm.xlane v63, v0;
	v24 =	vadd.f32 v24, v29;
	v29 =	vld [tilespmem:s24+$0x167A0];
	v28 =	vadd.f32 v31, v28  }
0x2de: {  	v23 =	vmax.f32 v23, $0.0e+00;
	v31 =	vld [tilespmem:s24+$0x16790];
	v25 =	vadd.f32 v26, v25;
	v19 =	vadd.f32 v19, v5  }
0x2df: {  	v50 =	vld [tilespmem:s24+$0x167C0];
	v30 =	vadd.f32 v63, v30;
	v21 =	vmul.f32 v23, v9;
	v20 =	vadd.f32 v46, v20  }
0x2e0: {  	v56 =	vld [tilespmem:s24+$0x16810];
	s6 =	sadd.s32 $0x0, s21;
	v28 =	vmax.f32 v28, $0.0e+00;
	v24 =	vadd.f32 v25, v24;
	v23 =	vperm.xlane v19, v0  }
0x2e1: {  	s8 =	sadd.s32 $0xF7, s6;
	v26 =	vmul.f32 v28, v6;
	v20 =	vmax.f32 v20, $0.0e+00;
	v22 =	vadd.f32 v27, v22;
	v27 =	vld [tilespmem:s24+$0x167B0]  }
0x2e2: {  	s13 =	sadd.s32 $0xF4, s6;
	s25 =	sadd.s32 $0xF5, s6;
	s6 =	sadd.s32 $0xF6, s6;
	v21 =	vadd.f32 v21, v32;
	v19 =	vadd.f32 v19, v23;
	v23 =	vld [tilespmem:s24+$0xC7B0];
	v20 =	vmul.f32 v20, v7  }
0x2e3: {  	v52 =	vld [tilespmem:s24+$0xC7E0];
	[tilespmem:v14+s0+$0x0] =	vst.idx.msk $0x1, v15;
	v15 =	vmov s6;
	v29 =	vadd.f32 v29, v49;
	v31 =	vadd.f32 v31, v47  }
0x2e4: {  	v51 =	vld [tilespmem:s24+$0x167D0];
	v22 =	vmax.f32 v22, $0.0e+00;
	v25 =	vperm.xlane v19, v1;
	v20 =	vadd.f32 v20, v26  }
0x2e5: {  	v28 =	vld [tilespmem:s24+$0xC7C0];
	v22 =	vmul.f32 v22, v4;
	v26 =	vmax.f32 v31, $0.0e+00;
	v31 =	vperm.xlane v30, v1  }
0x2e6: {  	v19 =	vadd.f32 v19, v25;
	v25 =	vld [tilespmem:s24+$0xC7D0];
	v20 =	vadd.f32 v20, v21;
	v21 =	vmul.f32 v26, v10  }
0x2e7: {  	v29 =	vmax.f32 v29, $0.0e+00;
	v23 =	vadd.f32 v27, v23;
	v27 =	vadd.f32 v30, v31;
	v31 =	vld [tilespmem:s24+$0x167F0]  }
0x2e8: {  	v29 =	vmul.f32 v29, v11;
	v26 =	vperm.xlane v19, v2;
	v21 =	vadd.f32 v21, v22;
	v22 =	vld [tilespmem:s24+$0xC7F0]  }
0x2e9: {  	v30 =	vld [tilespmem:s24+$0x167E0];
	v20 =	vadd.f32 v20, v24;
	v23 =	vmax.f32 v23, $0.0e+00;
	v54 =	vperm.xlane v27, v2  }
0x2ea: {  	v53 =	vld [tilespmem:s24+$0xC800];
	v19 =	vadd.f32 v19, v26;
	v26 =	vadd.f32 v50, v28;
	v23 =	vmul.f32 v23, v12  }
0x2eb: {  	v58 =	vld [tilespmem:s24+$0x16820];
	v28 =	vmov s8;
	v20 =	vadd.f32 v20, v5;
	v25 =	vadd.f32 v51, v25  }
0x2ec: {  	v24 =	vperm.xlane v19, v3;
	v26 =	vmax.f32 v26, $0.0e+00;
	v23 =	vadd.f32 v23, v29;
	v29 =	vld [tilespmem:s24+$0x16800]  }
0x2ed: {  	v60 =	vld [tilespmem:s24+$0xC840];
	v57 =	vperm.xlane v20, v0;
	v26 =	vmul.f32 v26, v8;
	v22 =	vadd.f32 v31, v22  }
0x2ee: {  	v62 =	vld [tilespmem:s24+$0x16840];
	v55 =	vadd.f32 v19, v24;
	v19 =	vmax.f32 v25, $0.0e+00;
	v24 =	vadd.f32 v30, v52  }
0x2ef: {  	v25 =	vld [tilespmem:s24+$0xC810];
	v30 =	vmov s13;
	v31 =	vadd.f32 v23, v21;
	v37 =	vadd.f32 v20, v57  }
0x2f0: {  	v23 =	vld [tilespmem:s24+$0xC820];
	v19 =	vmul.f32 v19, v9;
	v20 =	vmax.f32 v22, $0.0e+00;
	v21 =	vmax.f32 v24, $0.0e+00  }
0x2f1: {  	v20 =	vmul.f32 v20, v7;
	v59 =	vperm.xlane v37, v1;
	v22 =	vadd.f32 v29, v53;
	v29 =	vld [tilespmem:s24+$0xC830]  }
0x2f2: {  	v24 =	vmul.f32 v21, v6;
	v26 =	vadd.f32 v19, v26;
	v19 =	vadd.f32 v27, v54;
	v27 =	vld [tilespmem:s24+$0x16830]  }
0x2f3: {  	v14 =	vand.u32 $0xFFFFFFFC, v30;
	[tilespmem:v28+s0+$0x0] =	vst.idx.msk $0x1, v55;
	v28 =	vadd.f32 v62, v60;
	v32 =	vadd.f32 v37, v59  }
0x2f4: {  	v22 =	vmax.f32 v22, $0.0e+00;
	v25 =	vadd.f32 v56, v25;
	v24 =	vadd.f32 v20, v24  }
0x2f5: {  	v21 =	vmov s25;
	v23 =	vadd.f32 v58, v23;
	v61 =	vmul.f32 v22, v4;
	v22 =	vld [tilespmem:s24+$0xC850]  }
0x2f6: {  	[tilespmem:v18+s0+$0x0] =	vst.idx.msk $0x1, v16;
	v63 =	vperm.xlane v32, v2;
	v25 =	vmax.f32 v25, $0.0e+00;
	v16 =	vadd.f32 v24, v26;
	v24 =	vld [tilespmem:s24+$0x16850]  }
0x2f7: {  	[tilespmem:v17+s0+$0x0] =	vst.idx.msk $0x1, v48;
	v17 =	vmax.f32 v23, $0.0e+00;
	v23 =	vld [tilespmem:s24+$0xC860];
	v30 =	vmul.f32 v25, v10;
	v27 =	vadd.f32 v27, v29  }
0x2f8: {  	v20 =	vperm.xlane v19, v3;
	v26 =	vld [tilespmem:s24+$0x16860];
	v18 =	vmul.f32 v17, v11;
	v25 =	vadd.f32 v16, v31  }
0x2f9: {  	s28 =	simm.s32 $0x1000;
	s25 =	simm.s32 $0x4;
	v16 =	vadd.f32 v32, v63;
	v17 =	vadd.f32 v30, v61;
	v29 =	vmax.f32 v27, $0.0e+00;
	v27 =	vld [tilespmem:s24+$0xC870]  }
.LBB2_9:
0x2fa: {  	v25 =	vadd.f32 v25, v5;
	v21 =	vand.u32 $0xFFFFFFFD, v21;
	v29 =	vmul.f32 v29, v12;
	v30 =	vld [tilespmem:s24+$0x16870];
	s24 =	sshra.s32 s28, $0x2;
	s13 =	smov.u32 s25  }
0x2fb: {  	v31 =	vld [tilespmem:s24+$0xC880];
	v32 =	vperm.xlane v16, v3;
	v28 =	vmax.f32 v28, $0.0e+00;
	v22 =	vadd.f32 v24, v22  }
0x2fc: {  	v24 =	vld [tilespmem:s24+$0x16880];
	v33 =	vperm.xlane v25, v0;
	v28 =	vmul.f32 v28, v8;
	v18 =	vadd.f32 v29, v18  }
0x2fd: {  	v15 =	vand.u32 $0xFFFFFFFE, v15;
	v29 =	vld [tilespmem:s24+$0xC890];
	v22 =	vmax.f32 v22, $0.0e+00;
	v23 =	vadd.f32 v26, v23  }
0x2fe: {  	v26 =	vld [tilespmem:s24+$0x16890];
	v25 =	vadd.f32 v25, v33;
	v22 =	vmul.f32 v22, v9;
	v17 =	vadd.f32 v18, v17  }
0x2ff: {  	v16 =	vadd.f32 v16, v32;
	v18 =	vld [tilespmem:s24+$0xC8A0];
	v23 =	vmax.f32 v23, $0.0e+00;
	v27 =	vadd.f32 v30, v27  }
0x300: {  	v30 =	vld [tilespmem:s24+$0x168A0];
	v32 =	vperm.xlane v25, v1;
	v23 =	vmul.f32 v23, v6;
	v22 =	vadd.f32 v22, v28  }
0x301: {  	v14 =	vbroadcast v14, $0x0;
	v19 =	vadd.f32 v19, v20;
	v28 =	vld [tilespmem:s24+$0xC8B0];
	v27 =	vmax.f32 v27, $0.0e+00  }
0x302: {  	v21 =	vbroadcast v21, $0x0;
	v20 =	vld [tilespmem:s24+$0x168B0];
	v25 =	vadd.f32 v25, v32;
	v27 =	vmul.f32 v27, v7  }
0x303: {  	v32 =	vld [tilespmem:s24+$0xC8C0];
	[tilespmem:v13+s0+$0x0] =	vst.idx.msk $0x1, v19;
	v13 =	vbroadcast v15, $0x0  }
0x304: {  	v15 =	vld [tilespmem:s24+$0x168C0];
	v19 =	vperm.xlane v25, v2;
	v23 =	vadd.f32 v27, v23  }
0x305: {  	v27 =	vld [tilespmem:s24+$0xC8D0]  }
0x306: {  	v33 =	vld [tilespmem:s24+$0x168D0];
	v19 =	vadd.f32 v25, v19;
	v22 =	vadd.f32 v23, v22  }
0x307: {  	v23 =	vld [tilespmem:s24+$0xC8E0];
	[tilespmem:v14+s0+$0x0] =	vst.idx.msk $0x1, v16  }
0x308: {  	v14 =	vld [tilespmem:s24+$0x168E0];
	v16 =	vperm.xlane v19, v3;
	v17 =	vadd.f32 v22, v17  }
0x309: {  	v22 =	vld [tilespmem:s24+$0xC8F0]  }
0x30a: {  	v25 =	vld [tilespmem:s24+$0x168F0];
	v16 =	vadd.f32 v19, v16;
	v17 =	vadd.f32 v17, v5  }
0x30b: {  	s25 =	sadd.s32 $0x4, s25;
	v24 =	vadd.f32 v24, v31;
	v19 =	vld [tilespmem:s24+$0xC700]  }
0x30c: {  	p1 =	slt.u32 s25, $0x4C;
	v26 =	vadd.f32 v26, v29;
	v18 =	vadd.f32 v30, v18;
	v31 =	vld [tilespmem:s24+$0x16700];
	v29 =	vperm.xlane v17, v0  }
0x30d: {  	v20 =	vadd.f32 v20, v28;
	v15 =	vadd.f32 v15, v32;
	v30 =	vld [tilespmem:s24+$0xC710];
	[tilespmem:v21+s0+$0x0] =	vst.idx.msk $0x1, v16  }
0x30e: {  	v21 =	vadd.f32 v33, v27;
	v14 =	vadd.f32 v14, v23;
	v16 =	vld [tilespmem:s24+$0x16710]  }
0x30f: {  	v24 =	vmax.f32 v24, $0.0e+00;
	v26 =	vmax.f32 v26, $0.0e+00;
	v23 =	vld [tilespmem:s24+$0xC720];
	v22 =	vadd.f32 v25, v22  }
0x310: {  	v18 =	vmax.f32 v18, $0.0e+00;
	v20 =	vmax.f32 v20, $0.0e+00;
	v15 =	vmax.f32 v15, $0.0e+00;
	v25 =	vld [tilespmem:s24+$0x16720]  }
0x311: {  	v24 =	vmul.f32 v24, v4;
	v26 =	vmul.f32 v26, v10;
	v21 =	vmax.f32 v21, $0.0e+00;
	v27 =	vld [tilespmem:s24+$0xC730]  }
0x312: {  	v18 =	vmul.f32 v18, v11;
	v20 =	vmul.f32 v20, v12;
	v14 =	vmax.f32 v14, $0.0e+00;
	v28 =	vld [tilespmem:s24+$0x16730]  }
0x313: {  	v15 =	vmul.f32 v15, v8;
	v21 =	vmul.f32 v21, v9;
	v22 =	vmax.f32 v22, $0.0e+00;
	v32 =	vld [tilespmem:s24+$0xC740]  }
0x314: {  	v14 =	vmul.f32 v14, v6;
	v19 =	vadd.f32 v31, v19;
	v22 =	vmul.f32 v22, v7;
	v31 =	vld [tilespmem:s24+$0x16740]  }
0x315: {  	v24 =	vadd.f32 v26, v24;
	v18 =	vadd.f32 v20, v18;
	v33 =	vld [tilespmem:s24+$0xC750]  }
0x316: {  	v15 =	vadd.f32 v21, v15;
	v19 =	vmax.f32 v19, $0.0e+00;
	v14 =	vadd.f32 v22, v14;
	v20 =	vld [tilespmem:s24+$0x16750]  }
0x317: {  	v16 =	vadd.f32 v16, v30;
	v19 =	vmul.f32 v19, v4;
	v21 =	vadd.f32 v25, v23;
	v22 =	vld [tilespmem:s24+$0xC760]  }
0x318: {  	v18 =	vadd.f32 v18, v24;
	v14 =	vadd.f32 v14, v15;
	v23 =	vld [tilespmem:s24+$0x16760]  }
0x319: {  	v15 =	vmax.f32 v16, $0.0e+00;
	v16 =	vadd.f32 v28, v27;
	v24 =	vadd.f32 v31, v32;
	v25 =	vld [tilespmem:s24+$0xC770]  }
0x31a: {  	v15 =	vmul.f32 v15, v10;
	v21 =	vmax.f32 v21, $0.0e+00;
	v14 =	vadd.f32 v14, v18;
	v26 =	vld [tilespmem:s24+$0x16770]  }
0x31b: {  	v16 =	vmax.f32 v16, $0.0e+00;
	v18 =	vmax.f32 v24, $0.0e+00;
	v20 =	vadd.f32 v20, v33;
	v24 =	vld [tilespmem:s24+$0xC780]  }
0x31c: {  	v21 =	vmul.f32 v21, v11;
	v16 =	vmul.f32 v16, v12;
	v14 =	vadd.f32 v14, v5;
	v27 =	vld [tilespmem:s24+$0x16780]  }
0x31d: {  	v18 =	vmul.f32 v18, v8;
	v20 =	vmax.f32 v20, $0.0e+00;
	v22 =	vadd.f32 v23, v22;
	v23 =	vld [tilespmem:s24+$0xC790]  }
0x31e: {  	v15 =	vadd.f32 v15, v19;
	v28 =	vperm.xlane v14, v0;
	v20 =	vmul.f32 v20, v9;
	v19 =	vld [tilespmem:s24+$0x16790]  }
0x31f: {  	v16 =	vadd.f32 v16, v21;
	v22 =	vmax.f32 v22, $0.0e+00;
	v25 =	vadd.f32 v26, v25;
	v21 =	vld [tilespmem:s24+$0xC7A0]  }
0x320: {  	v14 =	vadd.f32 v14, v28;
	v22 =	vmul.f32 v22, v6;
	v18 =	vadd.f32 v20, v18;
	v20 =	vld [tilespmem:s24+$0x167A0]  }
0x321: {  	v15 =	vadd.f32 v16, v15;
	v25 =	vmax.f32 v25, $0.0e+00;
	v16 =	vadd.f32 v27, v24;
	v24 =	vld [tilespmem:s24+$0xC7B0]  }
0x322: {  	v17 =	vadd.f32 v17, v29;
	v27 =	vperm.xlane v14, v1;
	v25 =	vmul.f32 v25, v7;
	v26 =	vld [tilespmem:s24+$0x167B0]  }
0x323: {  	v16 =	vmax.f32 v16, $0.0e+00;
	v19 =	vadd.f32 v19, v23;
	v23 =	vld [tilespmem:s24+$0xC7C0]  }
0x324: {  	v14 =	vadd.f32 v14, v27;
	v22 =	vadd.f32 v25, v22;
	v16 =	vmul.f32 v16, v4;
	v25 =	vld [tilespmem:s24+$0x167C0]  }
0x325: {  	v27 =	vperm.xlane v17, v1;
	v19 =	vmax.f32 v19, $0.0e+00;
	v20 =	vadd.f32 v20, v21;
	v21 =	vld [tilespmem:s24+$0xC7D0]  }
0x326: {  	v28 =	vperm.xlane v14, v2;
	v18 =	vadd.f32 v22, v18;
	v19 =	vmul.f32 v19, v10;
	v22 =	vld [tilespmem:s24+$0x167D0]  }
0x327: {  	s6 =	sadd.s32 s13, s21;
	v17 =	vadd.f32 v17, v27;
	v20 =	vmax.f32 v20, $0.0e+00;
	v24 =	vadd.f32 v26, v24;
	v26 =	vld [tilespmem:s24+$0xC7E0]  }
0x328: {  	s7 =	sadd.s32 $0xF4, s6;
	s8 =	sadd.s32 $0xF5, s6;
	s13 =	sadd.s32 $0xF7, s6;
	v14 =	vadd.f32 v14, v28;
	v20 =	vmul.f32 v20, v11;
	v27 =	vld [tilespmem:s24+$0x167E0];
	v16 =	vadd.f32 v19, v16  }
0x329: {  	s6 =	sadd.s32 $0xF6, s6;
	v19 =	vmax.f32 v24, $0.0e+00;
	v23 =	vadd.f32 v25, v23;
	v24 =	vld [tilespmem:s24+$0xC7F0];
	v25 =	vmov s13  }
0x32a: {  	v15 =	vadd.f32 v18, v15;
	v28 =	vperm.xlane v14, v3;
	v18 =	vmul.f32 v19, v12;
	v19 =	vld [tilespmem:s24+$0x167F0]  }
0x32b: {  	v29 =	vperm.xlane v17, v2;
	v23 =	vmax.f32 v23, $0.0e+00;
	v21 =	vadd.f32 v22, v21;
	v22 =	vld [tilespmem:s24+$0xC800]  }
0x32c: {  	v14 =	vadd.f32 v14, v28;
	v23 =	vmul.f32 v23, v8;
	v18 =	vadd.f32 v18, v20;
	v20 =	vld [tilespmem:s24+$0x16800]  }
0x32d: {  	v15 =	vadd.f32 v15, v5;
	v21 =	vmax.f32 v21, $0.0e+00;
	v26 =	vadd.f32 v27, v26;
	v27 =	vld [tilespmem:s24+$0xC810]  }
0x32e: {  	v28 =	vmov s7;
	v21 =	vmul.f32 v21, v9;
	v16 =	vadd.f32 v18, v16;
	v18 =	vld [tilespmem:s24+$0x16810];
	[tilespmem:v25+s0+$0x0] =	vst.idx.msk $0x1, v14  }
0x32f: {  	v14 =	vperm.xlane v15, v0;
	v25 =	vmax.f32 v26, $0.0e+00;
	v24 =	vadd.f32 v19, v24;
	v26 =	vld [tilespmem:s24+$0xC820]  }
0x330: {  	v19 =	vadd.f32 v17, v29;
	v25 =	vmul.f32 v25, v6;
	v23 =	vadd.f32 v21, v23;
	v30 =	vld [tilespmem:s24+$0x16820]  }
0x331: {  	v14 =	vadd.f32 v15, v14;
	v15 =	vmax.f32 v24, $0.0e+00;
	v17 =	vadd.f32 v20, v22;
	v29 =	vld [tilespmem:s24+$0xC830]  }
0x332: {  	v21 =	vmov s8;
	v20 =	vperm.xlane v19, v3;
	v15 =	vmul.f32 v15, v7;
	v31 =	vld [tilespmem:s24+$0x16830]  }
0x333: {  	v22 =	vperm.xlane v14, v1;
	v17 =	vmax.f32 v17, $0.0e+00;
	v18 =	vadd.f32 v18, v27;
	v27 =	vld [tilespmem:s24+$0xC840]  }
0x334: {  	v24 =	vadd.f32 v15, v25;
	v17 =	vmul.f32 v17, v4;
	v32 =	vld [tilespmem:s24+$0x16840];
	v15 =	vmov s6  }
.Ltmp3:
0x335: {  	v33 =	vadd.f32 v14, v22;
	v18 =	vmax.f32 v18, $0.0e+00;
	v25 =	vadd.f32 v30, v26;
	v22 =	vld [tilespmem:s24+$0xC850];
	(pc) =	sbr.rel @p1 .LBB2_9-.Ltmp3, $4  }
0x336: {  	v14 =	vand.u32 $0xFFFFFFFC, v28;
	v26 =	vadd.f32 v24, v23;
	v28 =	vmul.f32 v18, v10;
	v24 =	vld [tilespmem:s24+$0x16850]  }
0x337: {  	v30 =	vperm.xlane v33, v2;
	v18 =	vmax.f32 v25, $0.0e+00;
	v29 =	vadd.f32 v31, v29;
	v23 =	vld [tilespmem:s24+$0xC860]  }
0x338: {  	v25 =	vadd.f32 v26, v16;
	v18 =	vmul.f32 v18, v11;
	v26 =	vld [tilespmem:s24+$0x16860];
	v17 =	vadd.f32 v28, v17  }
0x339: {  	s28 =	sadd.s32 $0x800, s28;
	v16 =	vadd.f32 v33, v30;
	v29 =	vmax.f32 v29, $0.0e+00;
	v28 =	vadd.f32 v32, v27;
	v27 =	vld [tilespmem:s24+$0xC870]  }
0x33a: {  	v30 =	vld [tilespmem:s24+$0x16870];
	_ =	sdelay $0x3  }
0x33b: {  	v22 =	vadd.f32 v24, v22  }
0x33c: {  	v54 =	vmax.f32 v28, $0.0e+00;
	v23 =	vadd.f32 v26, v23;
	v55 =	vadd.f32 v30, v27  }
0x33d: {  	v56 =	vmul.f32 v29, v12;
	v24 =	vmul.f32 v54, v8;
	v22 =	vmax.f32 v22, $0.0e+00  }
0x33e: {  	v22 =	vmul.f32 v22, v9;
	v23 =	vmax.f32 v23, $0.0e+00;
	v26 =	vmax.f32 v55, $0.0e+00  }
0x33f: {  	v23 =	vmul.f32 v23, v6;
	v26 =	vmul.f32 v26, v7  }
0x340: {  	v18 =	vadd.f32 v56, v18  }
0x341: {  	v22 =	vadd.f32 v22, v24;
	v23 =	vadd.f32 v26, v23;
	_ =	sdelay $0x1  }
0x342: {  	v17 =	vadd.f32 v18, v17;
	v57 =	vadd.f32 v23, v22;
	_ =	sdelay $0x1  }
0x343: {  	v17 =	vadd.f32 v57, v17  }
0x344: {  	v58 =	vadd.f32 v25, v5  }
0x345: {  	v17 =	vadd.f32 v17, v5  }
0x346: {  	v59 =	vperm.xlane v58, v0  }
0x347: {  	v60 =	vperm.xlane v17, v0  }
0x348: {  	v18 =	vadd.f32 v58, v59  }
0x349: {  	v17 =	vadd.f32 v17, v60  }
0x34a: {  	v22 =	vperm.xlane v18, v1  }
0x34b: {  	v23 =	vperm.xlane v17, v1  }
0x34c: {  	v18 =	vadd.f32 v18, v22  }
0x34d: {  	v17 =	vadd.f32 v17, v23  }
0x34e: {  	v22 =	vperm.xlane v18, v2  }
0x34f: {  	v21 =	vand.u32 $0xFFFFFFFD, v21;
	v14 =	vbroadcast v14, $0x0;
	v23 =	vperm.xlane v17, v2  }
0x350: {  	v15 =	vand.u32 $0xFFFFFFFE, v15;
	v21 =	vbroadcast v21, $0x0;
	v18 =	vadd.f32 v18, v22  }
0x351: {  	v61 =	vperm.xlane v16, v3;
	v15 =	vbroadcast v15, $0x0;
	v17 =	vadd.f32 v17, v23  }
0x352: {  	v19 =	vadd.f32 v19, v20;
	v62 =	vperm.xlane v18, v3  }
.Ltmp4:
0x353: {  	v16 =	vadd.f32 v16, v61;
	v63 =	vperm.xlane v17, v3;
	(pc) =	sbr.rel @p0 .LBB2_12-.Ltmp4, $4  }
0x354: {  	[tilespmem:v13+s0+$0x0] =	vst.idx.msk $0x1, v19;
	v13 =	vadd.f32 v18, v62  }
0x355: {  	[tilespmem:v14+s0+$0x0] =	vst.idx.msk $0x1, v16;
	v14 =	vadd.f32 v17, v63  }
0x356: {  	[tilespmem:v21+s0+$0x0] =	vst.idx.msk $0x1, v13  }
0x357: {  	[tilespmem:v15+s0+$0x0] =	vst.idx.msk $0x1, v14  }
.Ltmp5:
0x358: {  	(pc) =	sbr.rel .LBB2_2-.Ltmp5, $4  }
0x359: {  	s6 =	sadd.s32 $0x230, s23  }
0x35a: {  	[tilespmem:s26], [sflag:$0x4] =	stream.indirect.gather [hbm4b:s4+s14], $0x80, s6, s14, $0xb8;
	[tilespmem:$0x1B780] =	vst v63  }
0x35b: {  	s28 =	sadd.s32 $0x29B0, s23;
	s22 =	sadd.s32 $0x1, s22;
	s21 =	sadd.s32 $0x140, s21  }
0x35c: {  	[tilespmem:s29], [sflag:$0x8] =	stream.indirect.gather [hbm4b:s5+s14], $0x80, s28, s14, $0xb8;
	[tilespmem:$0x1B780] =	vst v63  }
.LBB2_12:
0x35d: {  	_ =	swait.ge [sflag:s30], $0x2800  }
0x35e: {  	[sflag:s30] =	ssyncset.done $0x0  }
0x35f: {  	[sflag:s30] =	ssyncadd.s32 $0xFFFFD800  }
0x360: {  	_ =	swait.ge [sflag:s31], $0x2800  }
0x361: {  	[sflag:s31] =	ssyncset.done $0x0  }
0x362: {  	s13 =	simm.s32 $0x5000;
	[sflag:s31] =	ssyncadd.s32 $0xFFFFD800  }
0x363: {  	s21 =	simm.s32 $0xF000;
	v14 =	vld [tilespmem:s13+$0x80]  }
0x364: {  	v15 =	vld [tilespmem:s21+$0x80]  }
0x365: {  	v16 =	vld [tilespmem:s13+$0x90]  }
0x366: {  	v17 =	vld [tilespmem:s21+$0x90]  }
0x367: {  	v18 =	vld [tilespmem:s13+$0xA0]  }
0x368: {  	v19 =	vld [tilespmem:s21+$0xA0]  }
0x369: {  	v20 =	vld [tilespmem:s13+$0xB0]  }
0x36a: {  	v21 =	vld [tilespmem:s21+$0xB0]  }
0x36b: {  	v22 =	vld [tilespmem:s13+$0xC0]  }
0x36c: {  	v23 =	vld [tilespmem:s21+$0xC0]  }
0x36d: {  	v24 =	vld [tilespmem:s13+$0xD0]  }
0x36e: {  	v25 =	vld [tilespmem:s21+$0xD0]  }
0x36f: {  	v26 =	vld [tilespmem:s13+$0xE0]  }
0x370: {  	v27 =	vld [tilespmem:s21+$0xE0]  }
0x371: {  	v28 =	vld [tilespmem:s13+$0xF0]  }
0x372: {  	v29 =	vld [tilespmem:s21+$0xF0]  }
0x373: {  	v13 =	vld [tilespmem:s21+$0xFFFFFF00]  }
0x374: {  	v30 =	vld [tilespmem:s13+$0xFFFFFF10]  }
0x375: {  	v31 =	vld [tilespmem:s21+$0xFFFFFF10]  }
0x376: {  	v32 =	vld [tilespmem:s13+$0xFFFFFF20]  }
0x377: {  	v33 =	vld [tilespmem:s21+$0xFFFFFF20]  }
0x378: {  	v34 =	vld [tilespmem:s13+$0xFFFFFF70]  }
0x379: {  	v35 =	vld [tilespmem:s21+$0xFFFFFF70];
	v14 =	vadd.f32 v15, v14  }
0x37a: {  	v15 =	vld [tilespmem:s13+$0xFFFFFF30];
	v16 =	vadd.f32 v17, v16;
	v17 =	vadd.f32 v19, v18  }
0x37b: {  	v18 =	vld [tilespmem:s21+$0xFFFFFF30];
	v19 =	vadd.f32 v21, v20;
	v20 =	vadd.f32 v23, v22  }
0x37c: {  	v21 =	vld [tilespmem:s13+$0xFFFFFF40];
	v22 =	vadd.f32 v25, v24;
	v23 =	vadd.f32 v27, v26  }
0x37d: {  	v24 =	vld [tilespmem:s21+$0xFFFFFF40];
	v25 =	vadd.f32 v29, v28;
	v14 =	vmax.f32 v14, $0.0e+00;
	v16 =	vmax.f32 v16, $0.0e+00  }
0x37e: {  	v26 =	vld [tilespmem:s13+$0xFFFFFF50];
	v17 =	vmax.f32 v17, $0.0e+00;
	v19 =	vmax.f32 v19, $0.0e+00;
	v20 =	vmax.f32 v20, $0.0e+00  }
0x37f: {  	v27 =	vld [tilespmem:s21+$0xFFFFFF50];
	v22 =	vmax.f32 v22, $0.0e+00;
	v14 =	vmul.f32 v14, v4;
	v16 =	vmul.f32 v16, v10  }
0x380: {  	v28 =	vld [tilespmem:s13+$0xFFFFFF60];
	v23 =	vmax.f32 v23, $0.0e+00;
	v17 =	vmul.f32 v17, v11;
	v19 =	vmul.f32 v19, v12  }
0x381: {  	v29 =	vld [tilespmem:s21+$0xFFFFFF60];
	v25 =	vmax.f32 v25, $0.0e+00;
	v20 =	vmul.f32 v20, v8;
	v22 =	vmul.f32 v22, v9  }
0x382: {  	v54 =	vld [tilespmem:s13+$0xFFFFFFA0];
	v23 =	vmul.f32 v23, v6;
	v25 =	vmul.f32 v25, v7;
	v14 =	vadd.f32 v16, v14  }
0x383: {  	v56 =	vld [tilespmem:s21+$0xFFFFFFC0];
	v16 =	vadd.f32 v19, v17;
	v19 =	vadd.f32 v22, v20  }
0x384: {  	v17 =	vld [tilespmem:s13+$0xFFFFFF80];
	v20 =	vadd.f32 v25, v23;
	v25 =	vadd.f32 v33, v32  }
0x385: {  	v22 =	vld [tilespmem:s21+$0xFFFFFF80];
	v15 =	vadd.f32 v18, v15;
	v21 =	vadd.f32 v24, v21  }
0x386: {  	v23 =	vld [tilespmem:s13+$0xFFFFFF90];
	v24 =	vadd.f32 v27, v26;
	v28 =	vadd.f32 v29, v28  }
0x387: {  	v26 =	vld [tilespmem:s21+$0xFFFFFFB0];
	v14 =	vadd.f32 v16, v14;
	v16 =	vadd.f32 v20, v19  }
0x388: {  	v27 =	vld [tilespmem:s13+$0xFFFFFFC0];
	v29 =	vadd.f32 v35, v34;
	v18 =	vmax.f32 v25, $0.0e+00;
	v15 =	vmax.f32 v15, $0.0e+00  }
0x389: {  	v19 =	vld [tilespmem:s21+$0xFFFFFF90];
	v21 =	vmax.f32 v21, $0.0e+00;
	v24 =	vmax.f32 v24, $0.0e+00;
	v14 =	vadd.f32 v16, v14  }
0x38a: {  	v25 =	vld [tilespmem:s13+$0xFFFFFFB0];
	v28 =	vmax.f32 v28, $0.0e+00;
	v29 =	vmax.f32 v29, $0.0e+00;
	v18 =	vmul.f32 v18, v11  }
0x38b: {  	v57 =	vld [tilespmem:s21+$0xFFFFFFD0];
	v15 =	vmul.f32 v15, v12;
	v21 =	vmul.f32 v21, v8;
	v14 =	vadd.f32 v14, v5  }
0x38c: {  	v24 =	vmul.f32 v24, v9;
	v28 =	vmul.f32 v28, v6;
	v16 =	vld [tilespmem:s21+$0xFFFFFFA0];
	v17 =	vadd.f32 v22, v17  }
0x38d: {  	v58 =	vld [tilespmem:s21+$0xFFFFFFF0];
	v20 =	vadd.f32 v31, v30;
	v29 =	vmul.f32 v29, v7;
	v55 =	vperm.xlane v14, v0  }
0x38e: {  	v22 =	vld [tilespmem:s13+$0xFFFFFFD0];
	v27 =	vadd.f32 v56, v27;
	v19 =	vadd.f32 v19, v23;
	v17 =	vmax.f32 v17, $0.0e+00  }
0x38f: {  	v23 =	vld [tilespmem:s13+$0xFFFFFFE0];
	v25 =	vadd.f32 v26, v25;
	v17 =	vmul.f32 v17, v4;
	v31 =	vadd.f32 v14, v55  }
0x390: {  	v19 =	vmax.f32 v19, $0.0e+00;
	v14 =	vadd.f32 v15, v18;
	v15 =	vadd.f32 v24, v21;
	v18 =	vld [tilespmem:s21+$0xFFFFFFE0]  }
0x391: {  	v25 =	vmax.f32 v25, $0.0e+00;
	v24 =	vadd.f32 v29, v28;
	v28 =	vld [tilespmem:s13+$0xFFFFFFF0];
	v29 =	vadd.f32 v16, v54  }
0x392: {  	v59 =	vld [tilespmem:s21+$0x10];
	v27 =	vmax.f32 v27, $0.0e+00;
	v19 =	vmul.f32 v19, v10;
	v25 =	vmul.f32 v25, v12  }
0x393: {  	v26 =	vld [tilespmem:s13+$0x0];
	v21 =	vperm.xlane v31, v1;
	v16 =	vadd.f32 v24, v15;
	v15 =	vmax.f32 v29, $0.0e+00  }
0x394: {  	v22 =	vadd.f32 v57, v22;
	v17 =	vadd.f32 v19, v17;
	v19 =	vld [tilespmem:s21+$0x0];
	v15 =	vmul.f32 v15, v11  }
0x395: {  	v27 =	vmul.f32 v27, v8;
	v29 =	vld [tilespmem:s13+$0x10];
	v21 =	vadd.f32 v31, v21;
	v18 =	vadd.f32 v18, v23  }
0x396: {  	v22 =	vmax.f32 v22, $0.0e+00;
	v23 =	vadd.f32 v58, v28;
	v28 =	vld [tilespmem:s13+$0x20];
	v15 =	vadd.f32 v25, v15  }
0x397: {  	v22 =	vmul.f32 v22, v9;
	v25 =	vld [tilespmem:s21+$0x20];
	v24 =	vperm.xlane v21, v2  }
0x398: {  	v60 =	vld [tilespmem:s13+$0x30];
	v18 =	vmax.f32 v18, $0.0e+00;
	v23 =	vmax.f32 v23, $0.0e+00;
	v17 =	vadd.f32 v15, v17  }
0x399: {  	v21 =	vadd.f32 v21, v24;
	v18 =	vmul.f32 v18, v6;
	v23 =	vmul.f32 v23, v7;
	v24 =	vld [tilespmem:s21+$0x30]  }
0x39a: {  	s6 =	simm.s32 $0x26C3;
	v15 =	vmax.f32 v20, $0.0e+00;
	v20 =	vadd.f32 v22, v27;
	v27 =	vld [tilespmem:s13+$0x40];
	v19 =	vadd.f32 v19, v26  }
0x39b: {  	v26 =	vmov s6;
	v22 =	vadd.f32 v59, v29;
	v18 =	vadd.f32 v23, v18;
	v23 =	vld [tilespmem:s21+$0x40]  }
0x39c: {  	v61 =	vld [tilespmem:s21+$0x50];
	v15 =	vmul.f32 v15, v10;
	v19 =	vmax.f32 v19, $0.0e+00;
	v25 =	vadd.f32 v25, v28  }
0x39d: {  	v28 =	vld [tilespmem:s13+$0x50];
	v29 =	vperm.xlane v21, v3;
	v18 =	vadd.f32 v18, v20;
	v20 =	vmax.f32 v22, $0.0e+00  }
0x39e: {  	v62 =	vmul.f32 v19, v4;
	v19 =	vld [tilespmem:s13+$0x60];
	v24 =	vadd.f32 v24, v60;
	v63 =	vmul.f32 v20, v10  }
0x39f: {  	v22 =	vld [tilespmem:s21+$0x60];
	v20 =	vmax.f32 v25, $0.0e+00;
	v25 =	vadd.f32 v21, v29;
	v18 =	vadd.f32 v18, v17  }
0x3a0: {  	v21 =	vld [tilespmem:s13+$0x70];
	v20 =	vmul.f32 v20, v11;
	v27 =	vadd.f32 v23, v27;
	v24 =	vmax.f32 v24, $0.0e+00  }
0x3a1: {  	v23 =	vld [tilespmem:s21+$0x70];
	[tilespmem:v26+s0+$0x0] =	vst.idx.msk $0x1, v25;
	v18 =	vadd.f32 v18, v5;
	v25 =	vmul.f32 v24, v12  }
0x3a2: {  	s22 =	simm.s32 $0xFFFFFFFC;
	s23 =	simm.s32 $0x0;
	s24 =	simm.s32 $0x5200;
	v17 =	vadd.f32 v63, v62;
	v24 =	vld [tilespmem:s13+$0xFFFFFF00];
	v26 =	vmax.f32 v27, $0.0e+00;
	v27 =	vadd.f32 v61, v28  }
.LBB2_13:
0x3a3: {  	v28 =	vld [tilespmem:s24+$0x80];
	v29 =	vperm.xlane v18, v0;
	v26 =	vmul.f32 v26, v8;
	v20 =	vadd.f32 v25, v20;
	s21 =	sadd.s32 $0x200, s21  }
0x3a4: {  	v25 =	vld [tilespmem:s21+$0x80];
	v27 =	vmax.f32 v27, $0.0e+00;
	v19 =	vadd.f32 v22, v19  }
0x3a5: {  	v22 =	vld [tilespmem:s24+$0x90];
	v18 =	vadd.f32 v18, v29;
	v27 =	vmul.f32 v27, v9;
	v17 =	vadd.f32 v20, v17  }
0x3a6: {  	v20 =	vld [tilespmem:s21+$0x90];
	v19 =	vmax.f32 v19, $0.0e+00;
	v21 =	vadd.f32 v23, v21  }
0x3a7: {  	v23 =	vld [tilespmem:s24+$0xA0];
	v13 =	vadd.f32 v13, v24;
	v19 =	vmul.f32 v19, v6;
	v24 =	vadd.f32 v27, v26  }
0x3a8: {  	v27 =	vperm.xlane v18, v1;
	v26 =	vld [tilespmem:s21+$0xA0];
	v21 =	vmax.f32 v21, $0.0e+00  }
0x3a9: {  	v29 =	vld [tilespmem:s24+$0xB0];
	v13 =	vmax.f32 v13, $0.0e+00;
	v21 =	vmul.f32 v21, v7  }
0x3aa: {  	v18 =	vadd.f32 v18, v27;
	v30 =	vld [tilespmem:s21+$0xB0];
	v13 =	vmul.f32 v13, v4  }
0x3ab: {  	v27 =	vld [tilespmem:s24+$0xC0];
	v19 =	vadd.f32 v21, v19  }
0x3ac: {  	s6 =	sadd.s32 $0x26C5, s22;
	v21 =	vld [tilespmem:s21+$0xC0];
	v13 =	vadd.f32 v15, v13;
	v15 =	vperm.xlane v18, v2  }
0x3ad: {  	v32 =	vmov s6;
	v31 =	vld [tilespmem:s24+$0xD0];
	v19 =	vadd.f32 v19, v24  }
0x3ae: {  	v24 =	vld [tilespmem:s21+$0xD0];
	v13 =	vadd.f32 v14, v13;
	v14 =	vadd.f32 v18, v15;
	v15 =	vand.u32 $0xFFFFFFFD, v32  }
0x3af: {  	v18 =	vld [tilespmem:s24+$0xE0];
	v15 =	vbroadcast v15, $0x0;
	v17 =	vadd.f32 v19, v17  }
0x3b0: {  	v19 =	vld [tilespmem:s21+$0xE0];
	v13 =	vadd.f32 v16, v13;
	v16 =	vperm.xlane v14, v3  }
0x3b1: {  	s6 =	sadd.s32 $0x26C4, s22;
	v32 =	vld [tilespmem:s24+$0xF0];
	v33 =	vadd.f32 v17, v5  }
0x3b2: {  	v35 =	vmov s6;
	s6 =	sadd.s32 $0x26C6, s22;
	s22 =	smov.u32 s23;
	v17 =	vld [tilespmem:s21+$0xF0];
	v34 =	vadd.f32 v13, v5;
	v14 =	vadd.f32 v14, v16  }
0x3b3: {  	v16 =	vadd.f32 v25, v28;
	v28 =	vmov s6;
	v13 =	vld [tilespmem:s21+$0xFFFFFF00];
	v25 =	vperm.xlane v33, v0  }
0x3b4: {  	s23 =	sadd.s32 $0x4, s23;
	v20 =	vadd.f32 v20, v22;
	v22 =	vadd.f32 v26, v23;
	v36 =	vld [tilespmem:s24+$0xFFFFFF10];
	v23 =	vperm.xlane v34, v0  }
0x3b5: {  	p0 =	slt.u32 s23, $0x4C;
	v29 =	vadd.f32 v30, v29;
	v21 =	vadd.f32 v21, v27;
	v27 =	vand.u32 $0xFFFFFFFC, v35;
	v26 =	vld [tilespmem:s21+$0xFFFFFF10];
	[tilespmem:v15+s0+$0x0] =	vst.idx.msk $0x1, v14  }
0x3b6: {  	v15 =	vadd.f32 v24, v31;
	v18 =	vadd.f32 v19, v18;
	v19 =	vand.u32 $0xFFFFFFFE, v28;
	v14 =	vld [tilespmem:s24+$0xFFFFFF20]  }
0x3b7: {  	v20 =	vmax.f32 v20, $0.0e+00;
	v16 =	vmax.f32 v16, $0.0e+00;
	v24 =	vld [tilespmem:s21+$0xFFFFFF20];
	v17 =	vadd.f32 v17, v32  }
0x3b8: {  	v22 =	vmax.f32 v22, $0.0e+00;
	v29 =	vmax.f32 v29, $0.0e+00;
	v21 =	vmax.f32 v21, $0.0e+00;
	v28 =	vld [tilespmem:s24+$0xFFFFFF30]  }
0x3b9: {  	v20 =	vmul.f32 v20, v10;
	v16 =	vmul.f32 v16, v4;
	v15 =	vmax.f32 v15, $0.0e+00;
	v30 =	vld [tilespmem:s21+$0xFFFFFF30]  }
0x3ba: {  	v22 =	vmul.f32 v22, v11;
	v29 =	vmul.f32 v29, v12;
	v18 =	vmax.f32 v18, $0.0e+00;
	v31 =	vld [tilespmem:s24+$0xFFFFFF40]  }
0x3bb: {  	v21 =	vmul.f32 v21, v8;
	v15 =	vmul.f32 v15, v9;
	v17 =	vmax.f32 v17, $0.0e+00;
	v32 =	vld [tilespmem:s21+$0xFFFFFF40]  }
0x3bc: {  	v18 =	vmul.f32 v18, v6;
	v26 =	vadd.f32 v26, v36;
	v36 =	vmul.f32 v17, v7;
	v35 =	vld [tilespmem:s24+$0xFFFFFF50]  }
0x3bd: {  	v16 =	vadd.f32 v20, v16;
	v20 =	vadd.f32 v29, v22;
	v17 =	vbroadcast v27, $0x0;
	v37 =	vld [tilespmem:s21+$0xFFFFFF50]  }
0x3be: {  	v21 =	vadd.f32 v15, v21;
	v22 =	vmax.f32 v26, $0.0e+00;
	v18 =	vadd.f32 v36, v18;
	v26 =	vld [tilespmem:s24+$0xFFFFFF60]  }
0x3bf: {  	v14 =	vadd.f32 v24, v14;
	v15 =	vmul.f32 v22, v10;
	v22 =	vadd.f32 v30, v28;
	v24 =	vld [tilespmem:s21+$0xFFFFFF60]  }
0x3c0: {  	v16 =	vadd.f32 v20, v16;
	v20 =	vadd.f32 v18, v21;
	v18 =	vbroadcast v19, $0x0;
	v27 =	vld [tilespmem:s24+$0xFFFFFF70]  }
0x3c1: {  	v14 =	vmax.f32 v14, $0.0e+00;
	v19 =	vmax.f32 v22, $0.0e+00;
	v21 =	vadd.f32 v32, v31;
	v22 =	vld [tilespmem:s21+$0xFFFFFF70]  }
0x3c2: {  	v14 =	vmul.f32 v14, v11;
	v16 =	vadd.f32 v20, v16;
	v28 =	vadd.f32 v37, v35;
	v29 =	vld [tilespmem:s24+$0xFFFFFF80]  }
0x3c3: {  	v23 =	vadd.f32 v34, v23;
	v19 =	vmul.f32 v19, v12;
	v20 =	vmax.f32 v21, $0.0e+00;
	v21 =	vld [tilespmem:s21+$0xFFFFFF80]  }
0x3c4: {  	v16 =	vadd.f32 v16, v5;
	v28 =	vmax.f32 v28, $0.0e+00;
	v24 =	vadd.f32 v24, v26;
	v26 =	vld [tilespmem:s24+$0xFFFFFF90]  }
0x3c5: {  	v20 =	vmul.f32 v20, v8;
	v14 =	vadd.f32 v19, v14;
	v28 =	vmul.f32 v28, v9;
	v19 =	vld [tilespmem:s21+$0xFFFFFF90]  }
0x3c6: {  	v30 =	vperm.xlane v16, v0;
	v24 =	vmax.f32 v24, $0.0e+00;
	v22 =	vadd.f32 v22, v27;
	v27 =	vld [tilespmem:s24+$0xFFFFFFA0]  }
0x3c7: {  	v25 =	vadd.f32 v33, v25;
	v24 =	vmul.f32 v24, v6;
	v20 =	vadd.f32 v28, v20;
	v28 =	vld [tilespmem:s21+$0xFFFFFFA0]  }
0x3c8: {  	v16 =	vadd.f32 v16, v30;
	v22 =	vmax.f32 v22, $0.0e+00;
	v21 =	vadd.f32 v21, v29;
	v29 =	vld [tilespmem:s24+$0xFFFFFFB0]  }
0x3c9: {  	v31 =	vperm.xlane v23, v1;
	v22 =	vmul.f32 v22, v7;
	v30 =	vld [tilespmem:s21+$0xFFFFFFB0]  }
0x3ca: {  	v32 =	vperm.xlane v16, v1;
	v21 =	vmax.f32 v21, $0.0e+00;
	v19 =	vadd.f32 v19, v26;
	v26 =	vld [tilespmem:s24+$0xFFFFFFC0]  }
0x3cb: {  	v33 =	vperm.xlane v25, v1;
	v22 =	vadd.f32 v22, v24;
	v21 =	vmul.f32 v21, v4;
	v24 =	vld [tilespmem:s21+$0xFFFFFFC0]  }
0x3cc: {  	v32 =	vadd.f32 v16, v32;
	v19 =	vmax.f32 v19, $0.0e+00;
	v27 =	vadd.f32 v28, v27;
	v28 =	vld [tilespmem:s24+$0xFFFFFFD0]  }
0x3cd: {  	v16 =	vadd.f32 v22, v20;
	v19 =	vmul.f32 v19, v10;
	v20 =	vld [tilespmem:s21+$0xFFFFFFD0];
	v22 =	vadd.f32 v23, v31  }
0x3ce: {  	v23 =	vmax.f32 v27, $0.0e+00;
	v27 =	vadd.f32 v30, v29;
	v29 =	vld [tilespmem:s24+$0xFFFFFFE0];
	v30 =	vperm.xlane v32, v2  }
0x3cf: {  	v23 =	vmul.f32 v23, v11;
	v31 =	vld [tilespmem:s21+$0xFFFFFFE0];
	v19 =	vadd.f32 v19, v21;
	v21 =	vadd.f32 v25, v33  }
0x3d0: {  	s6 =	sadd.s32 $0x26C7, s22;
	v25 =	vmax.f32 v27, $0.0e+00;
	v24 =	vadd.f32 v24, v26;
	v26 =	vld [tilespmem:s24+$0xFFFFFFF0];
	v27 =	vadd.f32 v32, v30  }
0x3d1: {  	v33 =	vperm.xlane v22, v2;
	v32 =	vmov s6;
	v25 =	vmul.f32 v25, v12;
	v30 =	vld [tilespmem:s21+$0xFFFFFFF0]  }
0x3d2: {  	v24 =	vmax.f32 v24, $0.0e+00;
	v20 =	vadd.f32 v20, v28;
	v28 =	vld [tilespmem:s24+$0x0];
	v34 =	vperm.xlane v27, v3  }
0x3d3: {  	v35 =	vperm.xlane v21, v2;
	v24 =	vmul.f32 v24, v8;
	v23 =	vadd.f32 v25, v23;
	v25 =	vld [tilespmem:s21+$0x0]  }
0x3d4: {  	v20 =	vmax.f32 v20, $0.0e+00;
	v29 =	vadd.f32 v31, v29;
	v31 =	vld [tilespmem:s24+$0x10];
	v27 =	vadd.f32 v27, v34  }
0x3d5: {  	v22 =	vadd.f32 v22, v33;
	v20 =	vmul.f32 v20, v9;
	v23 =	vadd.f32 v23, v19;
	v19 =	vld [tilespmem:s21+$0x10]  }
0x3d6: {  	v21 =	vadd.f32 v21, v35;
	v29 =	vmax.f32 v29, $0.0e+00;
	v26 =	vadd.f32 v30, v26;
	v30 =	vld [tilespmem:s24+$0x20];
	[tilespmem:v32+s0+$0x0] =	vst.idx.msk $0x1, v27  }
0x3d7: {  	v27 =	vmul.f32 v29, v6;
	v20 =	vadd.f32 v20, v24;
	v24 =	vld [tilespmem:s21+$0x20];
	v29 =	vperm.xlane v22, v3  }
0x3d8: {  	v32 =	vperm.xlane v21, v3;
	v26 =	vmax.f32 v26, $0.0e+00;
	v25 =	vadd.f32 v25, v28;
	v28 =	vld [tilespmem:s24+$0x30]  }
0x3d9: {  	v26 =	vmul.f32 v26, v7;
	v33 =	vld [tilespmem:s21+$0x30];
	v22 =	vadd.f32 v22, v29  }
0x3da: {  	v21 =	vadd.f32 v21, v32;
	v25 =	vmax.f32 v25, $0.0e+00;
	v19 =	vadd.f32 v19, v31;
	v29 =	vld [tilespmem:s24+$0x40]  }
0x3db: {  	v26 =	vadd.f32 v26, v27;
	v25 =	vmul.f32 v25, v4;
	v27 =	vld [tilespmem:s21+$0x40];
	[tilespmem:v17+s0+$0x0] =	vst.idx.msk $0x1, v22  }
0x3dc: {  	v17 =	vmax.f32 v19, $0.0e+00;
	v19 =	vadd.f32 v24, v30;
	v30 =	vld [tilespmem:s24+$0x50];
	[tilespmem:v18+s0+$0x0] =	vst.idx.msk $0x1, v21  }
0x3dd: {  	v18 =	vadd.f32 v26, v20;
	v17 =	vmul.f32 v17, v10;
	v31 =	vld [tilespmem:s21+$0x50]  }
.Ltmp6:
0x3de: {  	v20 =	vmax.f32 v19, $0.0e+00;
	v21 =	vadd.f32 v33, v28;
	v19 =	vld [tilespmem:s24+$0x60];
	(pc) =	sbr.rel @p0 .LBB2_13-.Ltmp6, $4  }
0x3df: {  	v18 =	vadd.f32 v18, v23;
	v20 =	vmul.f32 v20, v11;
	v22 =	vld [tilespmem:s21+$0x60];
	v17 =	vadd.f32 v17, v25  }
0x3e0: {  	v23 =	vmax.f32 v21, $0.0e+00;
	v26 =	vadd.f32 v27, v29;
	v21 =	vld [tilespmem:s24+$0x70]  }
0x3e1: {  	v18 =	vadd.f32 v18, v5;
	v25 =	vmul.f32 v23, v12;
	v23 =	vld [tilespmem:s21+$0x70]  }
0x3e2: {  	v24 =	vld [tilespmem:s24+$0xFFFFFF00];
	v26 =	vmax.f32 v26, $0.0e+00;
	v27 =	vadd.f32 v31, v30;
	s24 =	sadd.s32 $0x200, s24  }
0x3e3: {  	_ =	sdelay $0x3  }
0x3e4: {  	v10 =	vadd.f32 v13, v24  }
0x3e5: {  	v11 =	vmax.f32 v27, $0.0e+00;
	v12 =	vadd.f32 v22, v19;
	v44 =	vadd.f32 v23, v21  }
0x3e6: {  	v8 =	vmul.f32 v26, v8;
	v9 =	vmul.f32 v11, v9;
	v10 =	vmax.f32 v10, $0.0e+00  }
0x3e7: {  	v45 =	vmax.f32 v12, $0.0e+00;
	v46 =	vmax.f32 v44, $0.0e+00;
	v4 =	vmul.f32 v10, v4  }
0x3e8: {  	v6 =	vmul.f32 v45, v6;
	v7 =	vmul.f32 v46, v7  }
0x3e9: {  	v47 =	vadd.f32 v25, v20;
	v4 =	vadd.f32 v15, v4  }
0x3ea: {  	v8 =	vadd.f32 v9, v8;
	v6 =	vadd.f32 v7, v6  }
0x3eb: {  	v4 =	vadd.f32 v14, v4  }
0x3ec: {  	v48 =	vadd.f32 v47, v17;
	v6 =	vadd.f32 v6, v8  }
0x3ed: {  	v4 =	vadd.f32 v16, v4  }
0x3ee: {  	v6 =	vadd.f32 v6, v48  }
0x3ef: {  	v4 =	vadd.f32 v4, v5  }
0x3f0: {  	v49 =	vperm.xlane v18, v0;
	v5 =	vadd.f32 v6, v5  }
0x3f1: {  	v51 =	vperm.xlane v4, v0  }
0x3f2: {  	v50 =	vadd.f32 v18, v49;
	v52 =	vperm.xlane v5, v0  }
0x3f3: {  	v4 =	vadd.f32 v4, v51  }
0x3f4: {  	v8 =	vperm.xlane v50, v1;
	v5 =	vadd.f32 v5, v52  }
0x3f5: {  	v54 =	vperm.xlane v4, v1  }
0x3f6: {  	s6 =	sadd.s32 $0x26C5, s22;
	s25 =	sadd.s32 $0x26C4, s22;
	v53 =	vadd.f32 v50, v8;
	v9 =	vperm.xlane v5, v1  }
0x3f7: {  	v55 =	vmov s6;
	v57 =	vmov s25;
	v4 =	vadd.f32 v4, v54  }
0x3f8: {  	s28 =	sadd.s32 $0x26C6, s22;
	v56 =	vand.u32 $0xFFFFFFFD, v55;
	v8 =	vperm.xlane v53, v2;
	v5 =	vadd.f32 v5, v9  }
0x3f9: {  	v59 =	vmov s28;
	v7 =	vbroadcast v56, $0x0;
	v58 =	vperm.xlane v4, v2  }
0x3fa: {  	v6 =	vadd.f32 v53, v8;
	v8 =	vand.u32 $0xFFFFFFFC, v57;
	v60 =	vperm.xlane v5, v2  }
0x3fb: {  	v10 =	vand.u32 $0xFFFFFFFE, v59;
	v8 =	vbroadcast v8, $0x0;
	v4 =	vadd.f32 v4, v58  }
0x3fc: {  	v10 =	vbroadcast v10, $0x0;
	v61 =	vperm.xlane v6, v3;
	v5 =	vadd.f32 v5, v60  }
0x3fd: {  	v62 =	vperm.xlane v4, v3  }
0x3fe: {  	v6 =	vadd.f32 v6, v61;
	v63 =	vperm.xlane v5, v3  }
0x3ff: {  	v4 =	vadd.f32 v4, v62  }
0x400: {  	s20 =	sadd.s32 $0x1, s20;
	[tilespmem:v7+s0+$0x0] =	vst.idx.msk $0x1, v6;
	v5 =	vadd.f32 v5, v63  }
0x401: {  	p0 =	sne.s32 s20, s15;
	[tilespmem:v8+s0+$0x0] =	vst.idx.msk $0x1, v4  }
.Ltmp7:
0x402: {  	[tilespmem:v10+s0+$0x0] =	vst.idx.msk $0x1, v5;
	(pc) =	sbr.rel @p0 .LBB2_1-.Ltmp7, $4  }
0x403: {  	[hbm4b:s9+s3] =	stream.linear.scatter [tilespmem:s0], [sflag:$0x9], $0x2710, $0x38;
	[tilespmem:$0x1B780] =	vst v63  }
0x404: {  	_ =	swait.ge [sflag:s11], $0x2710  }
0x405: {  	[sflag:s11] =	ssyncset.done $0x0  }
0x406: {  	[sflag:s11] =	ssyncadd.s32 $0xFFFFD8F0  }
0x407: {  	_ =	sfence.sel $0x180000  }
0x408: {  	[bflag:$0x0] =	sbarrier.arrive $0xFFFF  }
0x409: {  	_ =	strace $0x90000047  }
0x40a: {  	s0 =	stileid.u32;
	[bflag:$0x2] =	sbarrier.arrive $0xFFFF  }
0x40b: {  	p0 =	sne.s32 s0, $0x0;
	s0 =	rddreg [dreg:$0x3]  }
0x40c: {  	s0 =	sadd.s32 @!p0 $0x100000, s0  }
0x40d: {  	[sflag:s0] =	ssyncadd.tile.s32 @!p0 $0x1;
	_ =	shalt  }
.Lfunc_end2:
_tile_overlayer_lowered:
.L_overlay_start_2:
0x40e: {  	(tag) =	ssettag $0x2  }
0x40f: {  	s0 =	rddreg [dreg:$0x0];
	s2 =	stileid.u32  }
0x410: {  	s1 =	rddreg [dreg:$0x1];
	p0 =	sne.s32 s2, $0x0  }
0x411: {  	s3 =	rddreg [dreg:$0x2];
	[bflag:$0x3] =	sbarrier.arrive $0xFFFF;
	s2 =	simm.s32 @!p0 $0x1C09  }
0x412: {  	[timem:s3], [sflag:s2] =	dma.local @!p0 [hbm:s0], s1  }
0x413: {  	s0 =	simm.s32 @!p0 $0x9  }
0x414: {  	_ =	swait.ge @!p0 [sflag:s0], s1  }
0x415: {  	s1 =	ssub.s32 @!p0 $0x0, s1;
	[sflag:s0] =	ssyncset.done @!p0 $0x0  }
0x416: {  	[sflag:s0] =	ssyncadd.s32 @!p0 s1  }
0x417: {  	[bflag:$0x3] =	sbarrier.arrive $0xFFFF  }
0x418: {  	_ =	shalt  }

</sc_bundles>
